<compile_context>
chip_gen: v7x
topology: tpu7x:2x2x1
jax: 0.10.2.dev20260603
libtpu: 0.0.44.dev20260713+nightly
codegen_flags: <defaults>
</compile_context>

<pallas_src>
import functools

import jax
import jax.numpy as jnp
from jax import lax
from jax.experimental import pallas as pl
from jax.experimental.pallas import tpu as pltpu
from jax.experimental.pallas import tpu_sc as plsc

D = 128
LB = 32
NC, NS = 2, 16
NW = NC * NS
CHUNK = 200
NBUF = 2
NCH = 16


def _sc_gather_mul(table, u_idx, v_idx, s, nch):
    per_w = CHUNK * nch
    mesh = plsc.VectorSubcoreMesh(core_axis_name="c", subcore_axis_name="s")

    @functools.partial(
        pl.kernel,
        out_type=jax.ShapeDtypeStruct((s, D), jnp.float32),
        mesh=mesh,
        scratch_types=[
            pltpu.VMEM((per_w,), jnp.int32),
            pltpu.VMEM((per_w,), jnp.int32),
            pltpu.VMEM((NBUF, CHUNK, D), jnp.float32),
            pltpu.VMEM((NBUF, CHUNK, D), jnp.float32),
            pltpu.SemaphoreType.DMA((NBUF,)),
            pltpu.SemaphoreType.DMA((NBUF,)),
        ],
    )
    def gather_k(table_h, u_h, v_h, out_h, u_all, v_all, rows_u, rows_v,
                 semu, semv):
        cid = lax.axis_index("c")
        sid = lax.axis_index("s")
        wid = sid * NC + cid
        base = pl.multiple_of(jnp.minimum(wid * per_w, s - per_w), 8)
        pltpu.sync_copy(u_h.at[pl.ds(base, per_w)], u_all)
        pltpu.sync_copy(v_h.at[pl.ds(base, per_w)], v_all)

        def fire(ci, b):
            off = pl.multiple_of(ci * CHUNK, 8)
            pltpu.async_copy(table_h.at[u_all.at[pl.ds(off, CHUNK)]],
                             rows_u.at[b], semu.at[b])
            pltpu.async_copy(table_h.at[v_all.at[pl.ds(off, CHUNK)]],
                             rows_v.at[b], semv.at[b])

        def drain(b):
            pltpu.make_async_copy(table_h.at[u_all.at[pl.ds(0, CHUNK)]],
                                  rows_u.at[b], semu.at[b]).wait()
            pltpu.make_async_copy(table_h.at[v_all.at[pl.ds(0, CHUNK)]],
                                  rows_v.at[b], semv.at[b]).wait()

        for b in range(NBUF):
            fire(b, b)

        @pl.loop(0, nch, step=NBUF)
        def _(ci0):
            for b in range(NBUF):
                ci = ci0 + b
                drain(b)

                @plsc.parallel_loop(0, CHUNK, step=1, unroll=4)
                def _(i):
                    for j in range(D // 16):
                        sl = pl.ds(j * 16, 16)
                        rows_u[b, i, sl] = rows_u[b, i, sl] * rows_v[b, i, sl]
                pltpu.sync_copy(rows_u.at[b],
                                out_h.at[pl.ds(base + ci * CHUNK, CHUNK)])

                @pl.when(ci + NBUF < nch)
                def _():
                    fire(ci + NBUF, b)

    return gather_k(table, u_idx, v_idx)


def _tc_head(z, wl1, bl1, wl2, bl2, s, block):
    grid = (s + block - 1) // block

    def head_k(z_ref, w1_ref, b1_ref, w2_ref, b2_ref, out_ref):
        h = jnp.dot(z_ref[...], w1_ref[...], preferred_element_type=jnp.float32)
        h = jnp.maximum(h + b1_ref[...], 0.0)
        o = lax.dot_general(w2_ref[...], h, (((1,), (1,)), ((), ())),
                            preferred_element_type=jnp.float32)
        out_ref[...] = o + b2_ref[...]

    return pl.pallas_call(
        head_k,
        grid=(grid,),
        in_specs=[
            pl.BlockSpec((block, D), lambda i: (i, 0)),
            pl.BlockSpec((D, D), lambda i: (0, 0)),
            pl.BlockSpec((1, D), lambda i: (0, 0)),
            pl.BlockSpec((2, D), lambda i: (0, 0)),
            pl.BlockSpec((2, 1), lambda i: (0, 0)),
        ],
        out_specs=pl.BlockSpec((2, block), lambda i: (0, i)),
        out_shape=jax.ShapeDtypeStruct((2, s), jnp.float32),
    )(z, wl1, bl1, wl2, bl2)


def kernel(x_feature, edge_index, samples, edges, W1, b1, W2, b2,
           Wl1, bl1, Wl2, bl2):
    s = samples.shape[0]
    nch = NCH // 2
    h1 = (s * 3 // 5 + 2559) // 2560 * 2560
    h2 = s - h1
    assert CHUNK * nch <= min(h1, h2) and h1 % 8 == 0 and h2 % 8 == 0
    u, v = samples[:, 0], samples[:, 1]
    b1r, w2t, b2r = bl1.reshape(1, D), Wl2.T, bl2.reshape(2, 1)
    z1 = _sc_gather_mul(x_feature, u[:h1], v[:h1], h1, nch)
    z2 = _sc_gather_mul(x_feature, u[h1:], v[h1:], h2, nch)
    o1 = _tc_head(z1, Wl1, b1r, w2t, b2r, h1, block=2560)
    o2 = _tc_head(z2, Wl1, b1r, w2t, b2r, h2, block=2560)
    return jnp.concatenate([o1, o2], axis=1).T

# --- scband reference (transcript-rebuilt; emitter-appended) ---
"""Pipeline reference for scband-joint-gnn-81973745811781 (READ-ONLY COPY).

The authoritative reference and input builder live on the scoring server;
editing this copy changes nothing except your own understanding.
"""

import jax, jax.numpy as jnp
import numpy as np

N = 10000
E = 320000
D = 128   # input_rep
H = 256   # num_neurons
S = 100000  # number of sampled pairs


def setup_inputs(seed: int = 0) -> dict:
    key = jax.random.key(seed)
    ks = jax.random.split(key, 12)
    x_feature = jax.random.normal(ks[0], (N, D), dtype=jnp.float32)
    edge_index = jax.random.randint(ks[1], (2, E), 0, N, dtype=jnp.int32)
    samples = jax.random.randint(ks[2], (S, 2), 0, N, dtype=jnp.int32)
    edges = jax.random.randint(ks[3], (2, E), 0, N, dtype=jnp.int32)
    # GNNlayer params (linear transform after sum-aggregation of neighbor messages)
    W1 = jax.random.normal(ks[4], (D, H), dtype=jnp.float32) / np.sqrt(D)
    b1 = jnp.zeros((H,), dtype=jnp.float32)
    W2 = jax.random.normal(ks[5], (H, H), dtype=jnp.float32) / np.sqrt(H)
    b2 = jnp.zeros((H,), dtype=jnp.float32)
    # linear1: input_rep -> input_rep ; linear2: input_rep -> 2
    Wl1 = jax.random.normal(ks[6], (D, D), dtype=jnp.float32) / np.sqrt(D)
    bl1 = jnp.zeros((D,), dtype=jnp.float32)
    Wl2 = jax.random.normal(ks[7], (D, 2), dtype=jnp.float32) / np.sqrt(D)
    bl2 = jnp.zeros((2,), dtype=jnp.float32)
    return {"x_feature": x_feature, "edge_index": edge_index, "samples": samples,
            "edges": edges, "W1": W1, "b1": b1, "W2": W2, "b2": b2,
            "Wl1": Wl1, "bl1": bl1, "Wl2": Wl2, "bl2": bl2}


def _gnn_layer(x, edge_index, W, b):
    # message passing: gather source-node features, scatter-add to destinations,
    # then linear transform (GCN-style sum aggregation)
    src = edge_index[0]
    dst = edge_index[1]
    msgs = x[src]
    agg = jax.ops.segment_sum(msgs, dst, num_segments=x.shape[0])
    return agg @ W + b


def reference(x_feature, edge_index, samples, edges, W1, b1, W2, b2, Wl1, bl1, Wl2, bl2):
    # GNN branch (computed as in the original forward, though its output is
    # never consumed downstream -- faithful to the original module)
    x = x_feature
    x = _gnn_layer(x, edge_index, W1, b1)
    x = jax.nn.relu(x)
    x = _gnn_layer(x, edge_index, W2, b2)
    x = jax.nn.relu(x)
    # link-prediction head over sampled pairs: z = x_feature[u] * x_feature[v]
    # (vectorized form of the original python loop that fills z_tensor)
    u = samples[:, 0]
    v = samples[:, 1]
    z_tensor = x_feature[u] * x_feature[v]
    z_tensor = z_tensor @ Wl1 + bl1
    z_tensor = jax.nn.relu(z_tensor)
    z_tensor = z_tensor @ Wl2 + bl2
    return z_tensor

if __name__ == "__main__":
    import jax
    _d = setup_inputs()
    print(jax.jit(kernel)(*tuple(_d.values())))

</pallas_src>

<mosaic_0001>
#map = affine_map<(d0, d1) -> (0, 0)>
#map1 = affine_map<(d0, d1) -> (0)>
module attributes {stable_mosaic.version = 14 : i64} {
  func.func @gather_k(%arg0: i32, %arg1: i32, %arg2: memref<10000x128xf32, #tpu.memory_space<hbm>>, %arg3: memref<61440xi32, #tpu.memory_space<hbm>>, %arg4: memref<61440xi32, #tpu.memory_space<hbm>>, %arg5: memref<61440x128xf32, #tpu.memory_space<hbm>>, %arg6: memref<1600xi32, #tpu.memory_space<vmem>>, %arg7: memref<1600xi32, #tpu.memory_space<vmem>>, %arg8: memref<2x200x128xf32, #tpu.memory_space<vmem>>, %arg9: memref<2x200x128xf32, #tpu.memory_space<vmem>>, %arg10: memref<2x!tpu.dma_semaphore, #tpu.memory_space<semaphore_mem>>, %arg11: memref<2x!tpu.dma_semaphore, #tpu.memory_space<semaphore_mem>>) attributes {dimension_semantics = [#tpu.dimension_semantics<core_parallel>, #tpu.dimension_semantics<subcore_parallel>], iteration_bounds = array<i64: 2, 16>, scalar_prefetch = 0 : i64, scratch_operands = 6 : i64, tpu.core_type = #tpu.core_type<sc_vector_subcore>, window_params = [{transform_indices = #map}, {transform_indices = #map1}, {transform_indices = #map1}, {transform_indices = #map}]} {
    %mul3A = arith.constant 2 : i32
    %mul3A_0 = arith.muli %arg1, %mul3A : i32
    %add3A = arith.addi %mul3A_0, %arg0 : i32
    %mul3A_1 = arith.constant 1600 : i32
    %mul3A_2 = arith.muli %add3A, %mul3A_1 : i32
    %min3A = arith.constant 59840 : i32
    %min3A_3 = arith.minsi %mul3A_2, %min3A : i32
    %multiple_of3A = tpu.assume_multiple %min3A_3, 8 : i32
    "tpu.region"() ({
      %run_scoped3A = tpu.sem_alloc : memref<!tpu.dma_semaphore, #tpu.memory_space<semaphore_mem>>
      %dma_start3A_59 = tpu.memref_slice %arg3[%multiple_of3A] : memref<61440xi32, #tpu.memory_space<hbm>> -> memref<1600xi32, #tpu.memory_space<hbm>>
      %dma_start3A_60 = tpu.memref_slice %arg3[%multiple_of3A] : memref<61440xi32, #tpu.memory_space<hbm>> -> memref<1600xi32, #tpu.memory_space<hbm>>
      tpu.enqueue_dma source(%dma_start3A_60 : memref<1600xi32, #tpu.memory_space<hbm>>) target(%arg6 : memref<1600xi32, #tpu.memory_space<vmem>>) target_semaphore(%run_scoped3A : memref<!tpu.dma_semaphore, #tpu.memory_space<semaphore_mem>>)
      %dma_wait3A = tpu.memref_slice %arg3[%multiple_of3A] : memref<61440xi32, #tpu.memory_space<hbm>> -> memref<1600xi32, #tpu.memory_space<hbm>>
      %dma_wait3A_61 = tpu.memref_slice %arg3[%multiple_of3A] : memref<61440xi32, #tpu.memory_space<hbm>> -> memref<1600xi32, #tpu.memory_space<hbm>>
      tpu.wait_dma2 semaphore(%run_scoped3A : memref<!tpu.dma_semaphore, #tpu.memory_space<semaphore_mem>>) src(%dma_wait3A_61 : memref<1600xi32, #tpu.memory_space<hbm>>) dst(%arg6 : memref<1600xi32, #tpu.memory_space<vmem>>)
      tpu.yield
    }) : () -> ()
    "tpu.region"() ({
      %run_scoped3A = tpu.sem_alloc : memref<!tpu.dma_semaphore, #tpu.memory_space<semaphore_mem>>
      %dma_start3A_59 = tpu.memref_slice %arg4[%multiple_of3A] : memref<61440xi32, #tpu.memory_space<hbm>> -> memref<1600xi32, #tpu.memory_space<hbm>>
      %dma_start3A_60 = tpu.memref_slice %arg4[%multiple_of3A] : memref<61440xi32, #tpu.memory_space<hbm>> -> memref<1600xi32, #tpu.memory_space<hbm>>
      tpu.enqueue_dma source(%dma_start3A_60 : memref<1600xi32, #tpu.memory_space<hbm>>) target(%arg7 : memref<1600xi32, #tpu.memory_space<vmem>>) target_semaphore(%run_scoped3A : memref<!tpu.dma_semaphore, #tpu.memory_space<semaphore_mem>>)
      %dma_wait3A = tpu.memref_slice %arg4[%multiple_of3A] : memref<61440xi32, #tpu.memory_space<hbm>> -> memref<1600xi32, #tpu.memory_space<hbm>>
      %dma_wait3A_61 = tpu.memref_slice %arg4[%multiple_of3A] : memref<61440xi32, #tpu.memory_space<hbm>> -> memref<1600xi32, #tpu.memory_space<hbm>>
      tpu.wait_dma2 semaphore(%run_scoped3A : memref<!tpu.dma_semaphore, #tpu.memory_space<semaphore_mem>>) src(%dma_wait3A_61 : memref<1600xi32, #tpu.memory_space<hbm>>) dst(%arg7 : memref<1600xi32, #tpu.memory_space<vmem>>)
      tpu.yield
    }) : () -> ()
    %multiple_of3A_4 = arith.constant 0 : i32
    %multiple_of3A_5 = tpu.assume_multiple %multiple_of3A_4, 8 : i32
    %dma_start3A = arith.constant 0 : i32
    %dma_start3A_6 = arith.constant 0 : i32
    %dma_start3A_7 = arith.constant 0 : i32
    %dma_start3A_8 = arith.constant 0 : i32
    %dma_start3A_9 = tpu.memref_slice %arg8[%dma_start3A, %dma_start3A_7, %dma_start3A_8] : memref<2x200x128xf32, #tpu.memory_space<vmem>> -> memref<1x200x128xf32, #tpu.memory_space<vmem>>
    %dma_start3A_10 = tpu.memref_squeeze %dma_start3A_9 : memref<1x200x128xf32, #tpu.memory_space<vmem>> -> memref<200x128xf32, #tpu.memory_space<vmem>>
    %dma_start3A_11 = tpu.memref_slice %arg6[%multiple_of3A_5] : memref<1600xi32, #tpu.memory_space<vmem>> -> memref<200xi32, #tpu.memory_space<vmem>>
    %dma_start3A_12 = arith.constant 0 : i32
    %dma_start3A_13 = arith.constant 0 : i32
    %dma_start3A_14 = tpu.memref_slice %arg2[%dma_start3A_12, %dma_start3A_13] : memref<10000x128xf32, #tpu.memory_space<hbm>> -> memref<10000x128xf32, #tpu.memory_space<hbm>>
    %dma_start3A_15 = tpu.memref_slice %arg10[%dma_start3A_6] : memref<2x!tpu.dma_semaphore, #tpu.memory_space<semaphore_mem>> -> memref<1x!tpu.dma_semaphore, #tpu.memory_space<semaphore_mem>>
    %dma_start3A_16 = tpu.memref_squeeze %dma_start3A_15 : memref<1x!tpu.dma_semaphore, #tpu.memory_space<semaphore_mem>> -> memref<!tpu.dma_semaphore, #tpu.memory_space<semaphore_mem>>
    tpu.enqueue_indirect_dma source(%dma_start3A_14 : memref<10000x128xf32, #tpu.memory_space<hbm>>) target(%dma_start3A_10 : memref<200x128xf32, #tpu.memory_space<vmem>>) offsets(%dma_start3A_11 : memref<200xi32, #tpu.memory_space<vmem>>) semaphore(%dma_start3A_16 : memref<!tpu.dma_semaphore, #tpu.memory_space<semaphore_mem>>)
    %dma_start3A_17 = arith.constant 0 : i32
    %dma_start3A_18 = arith.constant 0 : i32
    %dma_start3A_19 = arith.constant 0 : i32
    %dma_start3A_20 = arith.constant 0 : i32
    %dma_start3A_21 = tpu.memref_slice %arg9[%dma_start3A_17, %dma_start3A_19, %dma_start3A_20] : memref<2x200x128xf32, #tpu.memory_space<vmem>> -> memref<1x200x128xf32, #tpu.memory_space<vmem>>
    %dma_start3A_22 = tpu.memref_squeeze %dma_start3A_21 : memref<1x200x128xf32, #tpu.memory_space<vmem>> -> memref<200x128xf32, #tpu.memory_space<vmem>>
    %dma_start3A_23 = tpu.memref_slice %arg7[%multiple_of3A_5] : memref<1600xi32, #tpu.memory_space<vmem>> -> memref<200xi32, #tpu.memory_space<vmem>>
    %dma_start3A_24 = arith.constant 0 : i32
    %dma_start3A_25 = arith.constant 0 : i32
    %dma_start3A_26 = tpu.memref_slice %arg2[%dma_start3A_24, %dma_start3A_25] : memref<10000x128xf32, #tpu.memory_space<hbm>> -> memref<10000x128xf32, #tpu.memory_space<hbm>>
    %dma_start3A_27 = tpu.memref_slice %arg11[%dma_start3A_18] : memref<2x!tpu.dma_semaphore, #tpu.memory_space<semaphore_mem>> -> memref<1x!tpu.dma_semaphore, #tpu.memory_space<semaphore_mem>>
    %dma_start3A_28 = tpu.memref_squeeze %dma_start3A_27 : memref<1x!tpu.dma_semaphore, #tpu.memory_space<semaphore_mem>> -> memref<!tpu.dma_semaphore, #tpu.memory_space<semaphore_mem>>
    tpu.enqueue_indirect_dma source(%dma_start3A_26 : memref<10000x128xf32, #tpu.memory_space<hbm>>) target(%dma_start3A_22 : memref<200x128xf32, #tpu.memory_space<vmem>>) offsets(%dma_start3A_23 : memref<200xi32, #tpu.memory_space<vmem>>) semaphore(%dma_start3A_28 : memref<!tpu.dma_semaphore, #tpu.memory_space<semaphore_mem>>)
    %multiple_of3A_29 = arith.constant 200 : i32
    %multiple_of3A_30 = tpu.assume_multiple %multiple_of3A_29, 8 : i32
    %dma_start3A_31 = arith.constant 1 : i32
    %dma_start3A_32 = arith.constant 1 : i32
    %dma_start3A_33 = arith.constant 0 : i32
    %dma_start3A_34 = arith.constant 0 : i32
    %dma_start3A_35 = tpu.memref_slice %arg8[%dma_start3A_31, %dma_start3A_33, %dma_start3A_34] : memref<2x200x128xf32, #tpu.memory_space<vmem>> -> memref<1x200x128xf32, #tpu.memory_space<vmem>>
    %dma_start3A_36 = tpu.memref_squeeze %dma_start3A_35 : memref<1x200x128xf32, #tpu.memory_space<vmem>> -> memref<200x128xf32, #tpu.memory_space<vmem>>
    %dma_start3A_37 = tpu.memref_slice %arg6[%multiple_of3A_30] : memref<1600xi32, #tpu.memory_space<vmem>> -> memref<200xi32, #tpu.memory_space<vmem>>
    %dma_start3A_38 = arith.constant 0 : i32
    %dma_start3A_39 = arith.constant 0 : i32
    %dma_start3A_40 = tpu.memref_slice %arg2[%dma_start3A_38, %dma_start3A_39] : memref<10000x128xf32, #tpu.memory_space<hbm>> -> memref<10000x128xf32, #tpu.memory_space<hbm>>
    %dma_start3A_41 = tpu.memref_slice %arg10[%dma_start3A_32] : memref<2x!tpu.dma_semaphore, #tpu.memory_space<semaphore_mem>> -> memref<1x!tpu.dma_semaphore, #tpu.memory_space<semaphore_mem>>
    %dma_start3A_42 = tpu.memref_squeeze %dma_start3A_41 : memref<1x!tpu.dma_semaphore, #tpu.memory_space<semaphore_mem>> -> memref<!tpu.dma_semaphore, #tpu.memory_space<semaphore_mem>>
    tpu.enqueue_indirect_dma source(%dma_start3A_40 : memref<10000x128xf32, #tpu.memory_space<hbm>>) target(%dma_start3A_36 : memref<200x128xf32, #tpu.memory_space<vmem>>) offsets(%dma_start3A_37 : memref<200xi32, #tpu.memory_space<vmem>>) semaphore(%dma_start3A_42 : memref<!tpu.dma_semaphore, #tpu.memory_space<semaphore_mem>>)
    %dma_start3A_43 = arith.constant 1 : i32
    %dma_start3A_44 = arith.constant 1 : i32
    %dma_start3A_45 = arith.constant 0 : i32
    %dma_start3A_46 = arith.constant 0 : i32
    %dma_start3A_47 = tpu.memref_slice %arg9[%dma_start3A_43, %dma_start3A_45, %dma_start3A_46] : memref<2x200x128xf32, #tpu.memory_space<vmem>> -> memref<1x200x128xf32, #tpu.memory_space<vmem>>
    %dma_start3A_48 = tpu.memref_squeeze %dma_start3A_47 : memref<1x200x128xf32, #tpu.memory_space<vmem>> -> memref<200x128xf32, #tpu.memory_space<vmem>>
    %dma_start3A_49 = tpu.memref_slice %arg7[%multiple_of3A_30] : memref<1600xi32, #tpu.memory_space<vmem>> -> memref<200xi32, #tpu.memory_space<vmem>>
    %dma_start3A_50 = arith.constant 0 : i32
    %dma_start3A_51 = arith.constant 0 : i32
    %dma_start3A_52 = tpu.memref_slice %arg2[%dma_start3A_50, %dma_start3A_51] : memref<10000x128xf32, #tpu.memory_space<hbm>> -> memref<10000x128xf32, #tpu.memory_space<hbm>>
    %dma_start3A_53 = tpu.memref_slice %arg11[%dma_start3A_44] : memref<2x!tpu.dma_semaphore, #tpu.memory_space<semaphore_mem>> -> memref<1x!tpu.dma_semaphore, #tpu.memory_space<semaphore_mem>>
    %dma_start3A_54 = tpu.memref_squeeze %dma_start3A_53 : memref<1x!tpu.dma_semaphore, #tpu.memory_space<semaphore_mem>> -> memref<!tpu.dma_semaphore, #tpu.memory_space<semaphore_mem>>
    tpu.enqueue_indirect_dma source(%dma_start3A_52 : memref<10000x128xf32, #tpu.memory_space<hbm>>) target(%dma_start3A_48 : memref<200x128xf32, #tpu.memory_space<vmem>>) offsets(%dma_start3A_49 : memref<200xi32, #tpu.memory_space<vmem>>) semaphore(%dma_start3A_54 : memref<!tpu.dma_semaphore, #tpu.memory_space<semaphore_mem>>)
    %scan3A = arith.constant 0 : i32
    %scan3A_55 = arith.constant 4 : i32
    %scan3A_56 = arith.addi %scan3A, %scan3A_55 : i32
    %scan3A_57 = arith.constant 1 : i32
    scf.for %scan3A_59 = %scan3A to %scan3A_56 step %scan3A_57  : i32 {
      %mul3A_60 = arith.constant 2 : i32
      %mul3A_61 = arith.muli %scan3A_59, %mul3A_60 : i32
      %add3A_62 = arith.constant 0 : i32
      %add3A_63 = arith.addi %add3A_62, %mul3A_61 : i32
      %add3A_64 = arith.constant 0 : i32
      %add3A_65 = arith.addi %add3A_63, %add3A_64 : i32
      %dma_wait3A = arith.constant 0 : i32
      %dma_wait3A_66 = arith.constant 0 : i32
      %dma_wait3A_67 = arith.constant 0 : i32
      %dma_wait3A_68 = arith.constant 0 : i32
      %dma_wait3A_69 = tpu.memref_slice %arg8[%dma_wait3A, %dma_wait3A_67, %dma_wait3A_68] : memref<2x200x128xf32, #tpu.memory_space<vmem>> -> memref<1x200x128xf32, #tpu.memory_space<vmem>>
      %dma_wait3A_70 = tpu.memref_squeeze %dma_wait3A_69 : memref<1x200x128xf32, #tpu.memory_space<vmem>> -> memref<200x128xf32, #tpu.memory_space<vmem>>
      %dma_wait3A_71 = arith.constant 0 : i32
      %dma_wait3A_72 = tpu.memref_slice %arg6[%dma_wait3A_71] : memref<1600xi32, #tpu.memory_space<vmem>> -> memref<200xi32, #tpu.memory_space<vmem>>
      %dma_wait3A_73 = arith.constant 0 : i32
      %dma_wait3A_74 = arith.constant 0 : i32
      %dma_wait3A_75 = tpu.memref_slice %arg2[%dma_wait3A_73, %dma_wait3A_74] : memref<10000x128xf32, #tpu.memory_space<hbm>> -> memref<10000x128xf32, #tpu.memory_space<hbm>>
      %dma_wait3A_76 = tpu.memref_slice %arg10[%dma_wait3A_66] : memref<2x!tpu.dma_semaphore, #tpu.memory_space<semaphore_mem>> -> memref<1x!tpu.dma_semaphore, #tpu.memory_space<semaphore_mem>>
      %dma_wait3A_77 = tpu.memref_squeeze %dma_wait3A_76 : memref<1x!tpu.dma_semaphore, #tpu.memory_space<semaphore_mem>> -> memref<!tpu.dma_semaphore, #tpu.memory_space<semaphore_mem>>
      tpu.wait_indirect_dma semaphore(%dma_wait3A_77 : memref<!tpu.dma_semaphore, #tpu.memory_space<semaphore_mem>>) src(%dma_wait3A_75 : memref<10000x128xf32, #tpu.memory_space<hbm>>) dst(%dma_wait3A_70 : memref<200x128xf32, #tpu.memory_space<vmem>>)
      %dma_wait3A_78 = arith.constant 0 : i32
      %dma_wait3A_79 = arith.constant 0 : i32
      %dma_wait3A_80 = arith.constant 0 : i32
      %dma_wait3A_81 = arith.constant 0 : i32
      %dma_wait3A_82 = tpu.memref_slice %arg9[%dma_wait3A_78, %dma_wait3A_80, %dma_wait3A_81] : memref<2x200x128xf32, #tpu.memory_space<vmem>> -> memref<1x200x128xf32, #tpu.memory_space<vmem>>
      %dma_wait3A_83 = tpu.memref_squeeze %dma_wait3A_82 : memref<1x200x128xf32, #tpu.memory_space<vmem>> -> memref<200x128xf32, #tpu.memory_space<vmem>>
      %dma_wait3A_84 = arith.constant 0 : i32
      %dma_wait3A_85 = tpu.memref_slice %arg7[%dma_wait3A_84] : memref<1600xi32, #tpu.memory_space<vmem>> -> memref<200xi32, #tpu.memory_space<vmem>>
      %dma_wait3A_86 = arith.constant 0 : i32
      %dma_wait3A_87 = arith.constant 0 : i32
      %dma_wait3A_88 = tpu.memref_slice %arg2[%dma_wait3A_86, %dma_wait3A_87] : memref<10000x128xf32, #tpu.memory_space<hbm>> -> memref<10000x128xf32, #tpu.memory_space<hbm>>
      %dma_wait3A_89 = tpu.memref_slice %arg11[%dma_wait3A_79] : memref<2x!tpu.dma_semaphore, #tpu.memory_space<semaphore_mem>> -> memref<1x!tpu.dma_semaphore, #tpu.memory_space<semaphore_mem>>
      %dma_wait3A_90 = tpu.memref_squeeze %dma_wait3A_89 : memref<1x!tpu.dma_semaphore, #tpu.memory_space<semaphore_mem>> -> memref<!tpu.dma_semaphore, #tpu.memory_space<semaphore_mem>>
      tpu.wait_indirect_dma semaphore(%dma_wait3A_90 : memref<!tpu.dma_semaphore, #tpu.memory_space<semaphore_mem>>) src(%dma_wait3A_88 : memref<10000x128xf32, #tpu.memory_space<hbm>>) dst(%dma_wait3A_83 : memref<200x128xf32, #tpu.memory_space<vmem>>)
      %parallel_loop3A = arith.constant 0 : i32
      %parallel_loop3A_91 = arith.constant 200 : i32
      %parallel_loop3A_92 = arith.constant 1 : i32
      scf.for %parallel_loop3A_142 = %parallel_loop3A to %parallel_loop3A_91 step %parallel_loop3A_92  : i32 {
        %parallel_loop3A_143 = arith.constant 0 : i32
        %parallel_loop3A_144 = arith.index_cast %parallel_loop3A_143 : i32 to index
        %parallel_loop3A_145 = arith.index_cast %parallel_loop3A_142 : i32 to index
        %parallel_loop3A_146 = arith.constant 0 : index
        %parallel_loop3A_147 = tpu.vector_load %arg8[%parallel_loop3A_144, %parallel_loop3A_145, %parallel_loop3A_146] {strides = array<i32>} : memref<2x200x128xf32, #tpu.memory_space<vmem>>, vector<1x1x16xf32>,
        %parallel_loop3A_148 = vector.shape_cast %parallel_loop3A_147 : vector<1x1x16xf32> to vector<16xf32>
        %parallel_loop3A_149 = arith.constant 0 : i32
        %parallel_loop3A_150 = arith.index_cast %parallel_loop3A_149 : i32 to index
        %parallel_loop3A_151 = arith.index_cast %parallel_loop3A_142 : i32 to index
        %parallel_loop3A_152 = arith.constant 0 : index
        %parallel_loop3A_153 = tpu.vector_load %arg9[%parallel_loop3A_150, %parallel_loop3A_151, %parallel_loop3A_152] {strides = array<i32>} : memref<2x200x128xf32, #tpu.memory_space<vmem>>, vector<1x1x16xf32>,
        %parallel_loop3A_154 = vector.shape_cast %parallel_loop3A_153 : vector<1x1x16xf32> to vector<16xf32>
        %parallel_loop3A_155 = arith.mulf %parallel_loop3A_148, %parallel_loop3A_154 : vector<16xf32>
        %parallel_loop3A_156 = arith.constant 0 : i32
        %parallel_loop3A_157 = arith.index_cast %parallel_loop3A_156 : i32 to index
        %parallel_loop3A_158 = arith.index_cast %parallel_loop3A_142 : i32 to index
        %parallel_loop3A_159 = arith.constant 0 : index
        %parallel_loop3A_160 = tpu.vector_load %arg8[%parallel_loop3A_157, %parallel_loop3A_158, %parallel_loop3A_159] {strides = array<i32>} : memref<2x200x128xf32, #tpu.memory_space<vmem>>, vector<1x1x16xf32>,
        %parallel_loop3A_161 = vector.shape_cast %parallel_loop3A_160 : vector<1x1x16xf32> to vector<16xf32>
        %parallel_loop3A_162 = vector.shape_cast %parallel_loop3A_155 : vector<16xf32> to vector<1x1x16xf32>
        tpu.vector_store %arg8[%parallel_loop3A_157, %parallel_loop3A_158, %parallel_loop3A_159], %parallel_loop3A_162 {strides = array<i32>} : memref<2x200x128xf32, #tpu.memory_space<vmem>>, vector<1x1x16xf32>,
        %parallel_loop3A_163 = arith.constant 0 : i32
        %parallel_loop3A_164 = arith.index_cast %parallel_loop3A_163 : i32 to index
        %parallel_loop3A_165 = arith.index_cast %parallel_loop3A_142 : i32 to index
        %parallel_loop3A_166 = arith.constant 16 : index
        %parallel_loop3A_167 = tpu.vector_load %arg8[%parallel_loop3A_164, %parallel_loop3A_165, %parallel_loop3A_166] {strides = array<i32>} : memref<2x200x128xf32, #tpu.memory_space<vmem>>, vector<1x1x16xf32>,
        %parallel_loop3A_168 = vector.shape_cast %parallel_loop3A_167 : vector<1x1x16xf32> to vector<16xf32>
        %parallel_loop3A_169 = arith.constant 0 : i32
        %parallel_loop3A_170 = arith.index_cast %parallel_loop3A_169 : i32 to index
        %parallel_loop3A_171 = arith.index_cast %parallel_loop3A_142 : i32 to index
        %parallel_loop3A_172 = arith.constant 16 : index
        %parallel_loop3A_173 = tpu.vector_load %arg9[%parallel_loop3A_170, %parallel_loop3A_171, %parallel_loop3A_172] {strides = array<i32>} : memref<2x200x128xf32, #tpu.memory_space<vmem>>, vector<1x1x16xf32>,
        %parallel_loop3A_174 = vector.shape_cast %parallel_loop3A_173 : vector<1x1x16xf32> to vector<16xf32>
        %parallel_loop3A_175 = arith.mulf %parallel_loop3A_168, %parallel_loop3A_174 : vector<16xf32>
        %parallel_loop3A_176 = arith.constant 0 : i32
        %parallel_loop3A_177 = arith.index_cast %parallel_loop3A_176 : i32 to index
        %parallel_loop3A_178 = arith.index_cast %parallel_loop3A_142 : i32 to index
        %parallel_loop3A_179 = arith.constant 16 : index
        %parallel_loop3A_180 = tpu.vector_load %arg8[%parallel_loop3A_177, %parallel_loop3A_178, %parallel_loop3A_179] {strides = array<i32>} : memref<2x200x128xf32, #tpu.memory_space<vmem>>, vector<1x1x16xf32>,
        %parallel_loop3A_181 = vector.shape_cast %parallel_loop3A_180 : vector<1x1x16xf32> to vector<16xf32>
        %parallel_loop3A_182 = vector.shape_cast %parallel_loop3A_175 : vector<16xf32> to vector<1x1x16xf32>
        tpu.vector_store %arg8[%parallel_loop3A_177, %parallel_loop3A_178, %parallel_loop3A_179], %parallel_loop3A_182 {strides = array<i32>} : memref<2x200x128xf32, #tpu.memory_space<vmem>>, vector<1x1x16xf32>,
        %parallel_loop3A_183 = arith.constant 0 : i32
        %parallel_loop3A_184 = arith.index_cast %parallel_loop3A_183 : i32 to index
        %parallel_loop3A_185 = arith.index_cast %parallel_loop3A_142 : i32 to index
        %parallel_loop3A_186 = arith.constant 32 : index
        %parallel_loop3A_187 = tpu.vector_load %arg8[%parallel_loop3A_184, %parallel_loop3A_185, %parallel_loop3A_186] {strides = array<i32>} : memref<2x200x128xf32, #tpu.memory_space<vmem>>, vector<1x1x16xf32>,
        %parallel_loop3A_188 = vector.shape_cast %parallel_loop3A_187 : vector<1x1x16xf32> to vector<16xf32>
        %parallel_loop3A_189 = arith.constant 0 : i32
        %parallel_loop3A_190 = arith.index_cast %parallel_loop3A_189 : i32 to index
        %parallel_loop3A_191 = arith.index_cast %parallel_loop3A_142 : i32 to index
        %parallel_loop3A_192 = arith.constant 32 : index
        %parallel_loop3A_193 = tpu.vector_load %arg9[%parallel_loop3A_190, %parallel_loop3A_191, %parallel_loop3A_192] {strides = array<i32>} : memref<2x200x128xf32, #tpu.memory_space<vmem>>, vector<1x1x16xf32>,
        %parallel_loop3A_194 = vector.shape_cast %parallel_loop3A_193 : vector<1x1x16xf32> to vector<16xf32>
        %parallel_loop3A_195 = arith.mulf %parallel_loop3A_188, %parallel_loop3A_194 : vector<16xf32>
        %parallel_loop3A_196 = arith.constant 0 : i32
        %parallel_loop3A_197 = arith.index_cast %parallel_loop3A_196 : i32 to index
        %parallel_loop3A_198 = arith.index_cast %parallel_loop3A_142 : i32 to index
        %parallel_loop3A_199 = arith.constant 32 : index
        %parallel_loop3A_200 = tpu.vector_load %arg8[%parallel_loop3A_197, %parallel_loop3A_198, %parallel_loop3A_199] {strides = array<i32>} : memref<2x200x128xf32, #tpu.memory_space<vmem>>, vector<1x1x16xf32>,
        %parallel_loop3A_201 = vector.shape_cast %parallel_loop3A_200 : vector<1x1x16xf32> to vector<16xf32>
        %parallel_loop3A_202 = vector.shape_cast %parallel_loop3A_195 : vector<16xf32> to vector<1x1x16xf32>
        tpu.vector_store %arg8[%parallel_loop3A_197, %parallel_loop3A_198, %parallel_loop3A_199], %parallel_loop3A_202 {strides = array<i32>} : memref<2x200x128xf32, #tpu.memory_space<vmem>>, vector<1x1x16xf32>,
        %parallel_loop3A_203 = arith.constant 0 : i32
        %parallel_loop3A_204 = arith.index_cast %parallel_loop3A_203 : i32 to index
        %parallel_loop3A_205 = arith.index_cast %parallel_loop3A_142 : i32 to index
        %parallel_loop3A_206 = arith.constant 48 : index
        %parallel_loop3A_207 = tpu.vector_load %arg8[%parallel_loop3A_204, %parallel_loop3A_205, %parallel_loop3A_206] {strides = array<i32>} : memref<2x200x128xf32, #tpu.memory_space<vmem>>, vector<1x1x16xf32>,
        %parallel_loop3A_208 = vector.shape_cast %parallel_loop3A_207 : vector<1x1x16xf32> to vector<16xf32>
        %parallel_loop3A_209 = arith.constant 0 : i32
        %parallel_loop3A_210 = arith.index_cast %parallel_loop3A_209 : i32 to index
        %parallel_loop3A_211 = arith.index_cast %parallel_loop3A_142 : i32 to index
        %parallel_loop3A_212 = arith.constant 48 : index
        %parallel_loop3A_213 = tpu.vector_load %arg9[%parallel_loop3A_210, %parallel_loop3A_211, %parallel_loop3A_212] {strides = array<i32>} : memref<2x200x128xf32, #tpu.memory_space<vmem>>, vector<1x1x16xf32>,
        %parallel_loop3A_214 = vector.shape_cast %parallel_loop3A_213 : vector<1x1x16xf32> to vector<16xf32>
        %parallel_loop3A_215 = arith.mulf %parallel_loop3A_208, %parallel_loop3A_214 : vector<16xf32>
        %parallel_loop3A_216 = arith.constant 0 : i32
        %parallel_loop3A_217 = arith.index_cast %parallel_loop3A_216 : i32 to index
        %parallel_loop3A_218 = arith.index_cast %parallel_loop3A_142 : i32 to index
        %parallel_loop3A_219 = arith.constant 48 : index
        %parallel_loop3A_220 = tpu.vector_load %arg8[%parallel_loop3A_217, %parallel_loop3A_218, %parallel_loop3A_219] {strides = array<i32>} : memref<2x200x128xf32, #tpu.memory_space<vmem>>, vector<1x1x16xf32>,
        %parallel_loop3A_221 = vector.shape_cast %parallel_loop3A_220 : vector<1x1x16xf32> to vector<16xf32>
        %parallel_loop3A_222 = vector.shape_cast %parallel_loop3A_215 : vector<16xf32> to vector<1x1x16xf32>
        tpu.vector_store %arg8[%parallel_loop3A_217, %parallel_loop3A_218, %parallel_loop3A_219], %parallel_loop3A_222 {strides = array<i32>} : memref<2x200x128xf32, #tpu.memory_space<vmem>>, vector<1x1x16xf32>,
        %parallel_loop3A_223 = arith.constant 0 : i32
        %parallel_loop3A_224 = arith.index_cast %parallel_loop3A_223 : i32 to index
        %parallel_loop3A_225 = arith.index_cast %parallel_loop3A_142 : i32 to index
        %parallel_loop3A_226 = arith.constant 64 : index
        %parallel_loop3A_227 = tpu.vector_load %arg8[%parallel_loop3A_224, %parallel_loop3A_225, %parallel_loop3A_226] {strides = array<i32>} : memref<2x200x128xf32, #tpu.memory_space<vmem>>, vector<1x1x16xf32>,
        %parallel_loop3A_228 = vector.shape_cast %parallel_loop3A_227 : vector<1x1x16xf32> to vector<16xf32>
        %parallel_loop3A_229 = arith.constant 0 : i32
        %parallel_loop3A_230 = arith.index_cast %parallel_loop3A_229 : i32 to index
        %parallel_loop3A_231 = arith.index_cast %parallel_loop3A_142 : i32 to index
        %parallel_loop3A_232 = arith.constant 64 : index
        %parallel_loop3A_233 = tpu.vector_load %arg9[%parallel_loop3A_230, %parallel_loop3A_231, %parallel_loop3A_232] {strides = array<i32>} : memref<2x200x128xf32, #tpu.memory_space<vmem>>, vector<1x1x16xf32>,
        %parallel_loop3A_234 = vector.shape_cast %parallel_loop3A_233 : vector<1x1x16xf32> to vector<16xf32>
        %parallel_loop3A_235 = arith.mulf %parallel_loop3A_228, %parallel_loop3A_234 : vector<16xf32>
        %parallel_loop3A_236 = arith.constant 0 : i32
        %parallel_loop3A_237 = arith.index_cast %parallel_loop3A_236 : i32 to index
        %parallel_loop3A_238 = arith.index_cast %parallel_loop3A_142 : i32 to index
        %parallel_loop3A_239 = arith.constant 64 : index
        %parallel_loop3A_240 = tpu.vector_load %arg8[%parallel_loop3A_237, %parallel_loop3A_238, %parallel_loop3A_239] {strides = array<i32>} : memref<2x200x128xf32, #tpu.memory_space<vmem>>, vector<1x1x16xf32>,
        %parallel_loop3A_241 = vector.shape_cast %parallel_loop3A_240 : vector<1x1x16xf32> to vector<16xf32>
        %parallel_loop3A_242 = vector.shape_cast %parallel_loop3A_235 : vector<16xf32> to vector<1x1x16xf32>
        tpu.vector_store %arg8[%parallel_loop3A_237, %parallel_loop3A_238, %parallel_loop3A_239], %parallel_loop3A_242 {strides = array<i32>} : memref<2x200x128xf32, #tpu.memory_space<vmem>>, vector<1x1x16xf32>,
        %parallel_loop3A_243 = arith.constant 0 : i32
        %parallel_loop3A_244 = arith.index_cast %parallel_loop3A_243 : i32 to index
        %parallel_loop3A_245 = arith.index_cast %parallel_loop3A_142 : i32 to index
        %parallel_loop3A_246 = arith.constant 80 : index
        %parallel_loop3A_247 = tpu.vector_load %arg8[%parallel_loop3A_244, %parallel_loop3A_245, %parallel_loop3A_246] {strides = array<i32>} : memref<2x200x128xf32, #tpu.memory_space<vmem>>, vector<1x1x16xf32>,
        %parallel_loop3A_248 = vector.shape_cast %parallel_loop3A_247 : vector<1x1x16xf32> to vector<16xf32>
        %parallel_loop3A_249 = arith.constant 0 : i32
        %parallel_loop3A_250 = arith.index_cast %parallel_loop3A_249 : i32 to index
        %parallel_loop3A_251 = arith.index_cast %parallel_loop3A_142 : i32 to index
        %parallel_loop3A_252 = arith.constant 80 : index
        %parallel_loop3A_253 = tpu.vector_load %arg9[%parallel_loop3A_250, %parallel_loop3A_251, %parallel_loop3A_252] {strides = array<i32>} : memref<2x200x128xf32, #tpu.memory_space<vmem>>, vector<1x1x16xf32>,
        %parallel_loop3A_254 = vector.shape_cast %parallel_loop3A_253 : vector<1x1x16xf32> to vector<16xf32>
        %parallel_loop3A_255 = arith.mulf %parallel_loop3A_248, %parallel_loop3A_254 : vector<16xf32>
        %parallel_loop3A_256 = arith.constant 0 : i32
        %parallel_loop3A_257 = arith.index_cast %parallel_loop3A_256 : i32 to index
        %parallel_loop3A_258 = arith.index_cast %parallel_loop3A_142 : i32 to index
        %parallel_loop3A_259 = arith.constant 80 : index
        %parallel_loop3A_260 = tpu.vector_load %arg8[%parallel_loop3A_257, %parallel_loop3A_258, %parallel_loop3A_259] {strides = array<i32>} : memref<2x200x128xf32, #tpu.memory_space<vmem>>, vector<1x1x16xf32>,
        %parallel_loop3A_261 = vector.shape_cast %parallel_loop3A_260 : vector<1x1x16xf32> to vector<16xf32>
        %parallel_loop3A_262 = vector.shape_cast %parallel_loop3A_255 : vector<16xf32> to vector<1x1x16xf32>
        tpu.vector_store %arg8[%parallel_loop3A_257, %parallel_loop3A_258, %parallel_loop3A_259], %parallel_loop3A_262 {strides = array<i32>} : memref<2x200x128xf32, #tpu.memory_space<vmem>>, vector<1x1x16xf32>,
        %parallel_loop3A_263 = arith.constant 0 : i32
        %parallel_loop3A_264 = arith.index_cast %parallel_loop3A_263 : i32 to index
        %parallel_loop3A_265 = arith.index_cast %parallel_loop3A_142 : i32 to index
        %parallel_loop3A_266 = arith.constant 96 : index
        %parallel_loop3A_267 = tpu.vector_load %arg8[%parallel_loop3A_264, %parallel_loop3A_265, %parallel_loop3A_266] {strides = array<i32>} : memref<2x200x128xf32, #tpu.memory_space<vmem>>, vector<1x1x16xf32>,
        %parallel_loop3A_268 = vector.shape_cast %parallel_loop3A_267 : vector<1x1x16xf32> to vector<16xf32>
        %parallel_loop3A_269 = arith.constant 0 : i32
        %parallel_loop3A_270 = arith.index_cast %parallel_loop3A_269 : i32 to index
        %parallel_loop3A_271 = arith.index_cast %parallel_loop3A_142 : i32 to index
        %parallel_loop3A_272 = arith.constant 96 : index
        %parallel_loop3A_273 = tpu.vector_load %arg9[%parallel_loop3A_270, %parallel_loop3A_271, %parallel_loop3A_272] {strides = array<i32>} : memref<2x200x128xf32, #tpu.memory_space<vmem>>, vector<1x1x16xf32>,
        %parallel_loop3A_274 = vector.shape_cast %parallel_loop3A_273 : vector<1x1x16xf32> to vector<16xf32>
        %parallel_loop3A_275 = arith.mulf %parallel_loop3A_268, %parallel_loop3A_274 : vector<16xf32>
        %parallel_loop3A_276 = arith.constant 0 : i32
        %parallel_loop3A_277 = arith.index_cast %parallel_loop3A_276 : i32 to index
        %parallel_loop3A_278 = arith.index_cast %parallel_loop3A_142 : i32 to index
        %parallel_loop3A_279 = arith.constant 96 : index
        %parallel_loop3A_280 = tpu.vector_load %arg8[%parallel_loop3A_277, %parallel_loop3A_278, %parallel_loop3A_279] {strides = array<i32>} : memref<2x200x128xf32, #tpu.memory_space<vmem>>, vector<1x1x16xf32>,
        %parallel_loop3A_281 = vector.shape_cast %parallel_loop3A_280 : vector<1x1x16xf32> to vector<16xf32>
        %parallel_loop3A_282 = vector.shape_cast %parallel_loop3A_275 : vector<16xf32> to vector<1x1x16xf32>
        tpu.vector_store %arg8[%parallel_loop3A_277, %parallel_loop3A_278, %parallel_loop3A_279], %parallel_loop3A_282 {strides = array<i32>} : memref<2x200x128xf32, #tpu.memory_space<vmem>>, vector<1x1x16xf32>,
        %parallel_loop3A_283 = arith.constant 0 : i32
        %parallel_loop3A_284 = arith.index_cast %parallel_loop3A_283 : i32 to index
        %parallel_loop3A_285 = arith.index_cast %parallel_loop3A_142 : i32 to index
        %parallel_loop3A_286 = arith.constant 112 : index
        %parallel_loop3A_287 = tpu.vector_load %arg8[%parallel_loop3A_284, %parallel_loop3A_285, %parallel_loop3A_286] {strides = array<i32>} : memref<2x200x128xf32, #tpu.memory_space<vmem>>, vector<1x1x16xf32>,
        %parallel_loop3A_288 = vector.shape_cast %parallel_loop3A_287 : vector<1x1x16xf32> to vector<16xf32>
        %parallel_loop3A_289 = arith.constant 0 : i32
        %parallel_loop3A_290 = arith.index_cast %parallel_loop3A_289 : i32 to index
        %parallel_loop3A_291 = arith.index_cast %parallel_loop3A_142 : i32 to index
        %parallel_loop3A_292 = arith.constant 112 : index
        %parallel_loop3A_293 = tpu.vector_load %arg9[%parallel_loop3A_290, %parallel_loop3A_291, %parallel_loop3A_292] {strides = array<i32>} : memref<2x200x128xf32, #tpu.memory_space<vmem>>, vector<1x1x16xf32>,
        %parallel_loop3A_294 = vector.shape_cast %parallel_loop3A_293 : vector<1x1x16xf32> to vector<16xf32>
        %parallel_loop3A_295 = arith.mulf %parallel_loop3A_288, %parallel_loop3A_294 : vector<16xf32>
        %parallel_loop3A_296 = arith.constant 0 : i32
        %parallel_loop3A_297 = arith.index_cast %parallel_loop3A_296 : i32 to index
        %parallel_loop3A_298 = arith.index_cast %parallel_loop3A_142 : i32 to index
        %parallel_loop3A_299 = arith.constant 112 : index
        %parallel_loop3A_300 = tpu.vector_load %arg8[%parallel_loop3A_297, %parallel_loop3A_298, %parallel_loop3A_299] {strides = array<i32>} : memref<2x200x128xf32, #tpu.memory_space<vmem>>, vector<1x1x16xf32>,
        %parallel_loop3A_301 = vector.shape_cast %parallel_loop3A_300 : vector<1x1x16xf32> to vector<16xf32>
        %parallel_loop3A_302 = vector.shape_cast %parallel_loop3A_295 : vector<16xf32> to vector<1x1x16xf32>
        tpu.vector_store %arg8[%parallel_loop3A_297, %parallel_loop3A_298, %parallel_loop3A_299], %parallel_loop3A_302 {strides = array<i32>} : memref<2x200x128xf32, #tpu.memory_space<vmem>>, vector<1x1x16xf32>,
      } {sc.loop_unroll_factor = 4 : i64, sc.parallel_access}
      %mul3A_93 = arith.constant 200 : i32
      %mul3A_94 = arith.muli %add3A_65, %mul3A_93 : i32
      %add3A_95 = arith.addi %multiple_of3A, %mul3A_94 : i32
      %run_scoped3A = arith.constant 0 : i32
      "tpu.region"() ({
        %run_scoped3A_142 = tpu.sem_alloc : memref<!tpu.dma_semaphore, #tpu.memory_space<semaphore_mem>>
        %dma_start3A_143 = arith.constant 0 : i32
        %dma_start3A_144 = arith.constant 0 : i32
        %dma_start3A_145 = tpu.memref_slice %arg8[%run_scoped3A, %dma_start3A_143, %dma_start3A_144] : memref<2x200x128xf32, #tpu.memory_space<vmem>> -> memref<1x200x128xf32, #tpu.memory_space<vmem>>
        %dma_start3A_146 = tpu.memref_squeeze %dma_start3A_145 : memref<1x200x128xf32, #tpu.memory_space<vmem>> -> memref<200x128xf32, #tpu.memory_space<vmem>>
        %dma_start3A_147 = arith.constant 0 : i32
        %dma_start3A_148 = tpu.memref_slice %arg5[%add3A_95, %dma_start3A_147] : memref<61440x128xf32, #tpu.memory_space<hbm>> -> memref<200x128xf32, #tpu.memory_space<hbm>>
        %dma_start3A_149 = arith.constant 0 : i32
        %dma_start3A_150 = tpu.memref_slice %arg5[%add3A_95, %dma_start3A_149] : memref<61440x128xf32, #tpu.memory_space<hbm>> -> memref<200x128xf32, #tpu.memory_space<hbm>>
        %dma_start3A_151 = arith.constant 0 : i32
        %dma_start3A_152 = arith.constant 0 : i32
        %dma_start3A_153 = tpu.memref_slice %arg8[%run_scoped3A, %dma_start3A_151, %dma_start3A_152] : memref<2x200x128xf32, #tpu.memory_space<vmem>> -> memref<1x200x128xf32, #tpu.memory_space<vmem>>
        %dma_start3A_154 = tpu.memref_squeeze %dma_start3A_153 : memref<1x200x128xf32, #tpu.memory_space<vmem>> -> memref<200x128xf32, #tpu.memory_space<vmem>>
        tpu.enqueue_dma source(%dma_start3A_154 : memref<200x128xf32, #tpu.memory_space<vmem>>) target(%dma_start3A_150 : memref<200x128xf32, #tpu.memory_space<hbm>>) target_semaphore(%run_scoped3A_142 : memref<!tpu.dma_semaphore, #tpu.memory_space<semaphore_mem>>)
        %dma_wait3A_155 = arith.constant 0 : i32
        %dma_wait3A_156 = arith.constant 0 : i32
        %dma_wait3A_157 = tpu.memref_slice %arg8[%run_scoped3A, %dma_wait3A_155, %dma_wait3A_156] : memref<2x200x128xf32, #tpu.memory_space<vmem>> -> memref<1x200x128xf32, #tpu.memory_space<vmem>>
        %dma_wait3A_158 = tpu.memref_squeeze %dma_wait3A_157 : memref<1x200x128xf32, #tpu.memory_space<vmem>> -> memref<200x128xf32, #tpu.memory_space<vmem>>
        %dma_wait3A_159 = arith.constant 0 : i32
        %dma_wait3A_160 = tpu.memref_slice %arg5[%add3A_95, %dma_wait3A_159] : memref<61440x128xf32, #tpu.memory_space<hbm>> -> memref<200x128xf32, #tpu.memory_space<hbm>>
        %dma_wait3A_161 = arith.constant 0 : i32
        %dma_wait3A_162 = tpu.memref_slice %arg5[%add3A_95, %dma_wait3A_161] : memref<61440x128xf32, #tpu.memory_space<hbm>> -> memref<200x128xf32, #tpu.memory_space<hbm>>
        %dma_wait3A_163 = arith.constant 0 : i32
        %dma_wait3A_164 = arith.constant 0 : i32
        %dma_wait3A_165 = tpu.memref_slice %arg8[%run_scoped3A, %dma_wait3A_163, %dma_wait3A_164] : memref<2x200x128xf32, #tpu.memory_space<vmem>> -> memref<1x200x128xf32, #tpu.memory_space<vmem>>
        %dma_wait3A_166 = tpu.memref_squeeze %dma_wait3A_165 : memref<1x200x128xf32, #tpu.memory_space<vmem>> -> memref<200x128xf32, #tpu.memory_space<vmem>>
        tpu.wait_dma2 semaphore(%run_scoped3A_142 : memref<!tpu.dma_semaphore, #tpu.memory_space<semaphore_mem>>) src(%dma_wait3A_166 : memref<200x128xf32, #tpu.memory_space<vmem>>) dst(%dma_wait3A_162 : memref<200x128xf32, #tpu.memory_space<hbm>>)
        tpu.yield
      }) : () -> ()
      %add3A_96 = arith.constant 2 : i32
      %add3A_97 = arith.addi %add3A_65, %add3A_96 : i32
      %lt3A = arith.constant 8 : i32
      %lt3A_98 = arith.cmpi slt, %add3A_97, %lt3A : i32
      %convert_element_type3A = arith.extui %lt3A_98 : i1 to i32
      %cond3A = arith.constant 0 : i32
      %cond3A_99 = arith.cmpi ne, %convert_element_type3A, %cond3A : i32
      scf.if %cond3A_99 {
        %add3A_142 = arith.constant 2 : i32
        %add3A_143 = arith.addi %add3A_65, %add3A_142 : i32
        %mul3A_144 = arith.constant 200 : i32
        %mul3A_145 = arith.muli %add3A_143, %mul3A_144 : i32
        %multiple_of3A_146 = tpu.assume_multiple %mul3A_145, 8 : i32
        %dma_start3A_147 = arith.constant 0 : i32
        %dma_start3A_148 = arith.constant 0 : i32
        %dma_start3A_149 = arith.constant 0 : i32
        %dma_start3A_150 = arith.constant 0 : i32
        %dma_start3A_151 = tpu.memref_slice %arg8[%dma_start3A_147, %dma_start3A_149, %dma_start3A_150] : memref<2x200x128xf32, #tpu.memory_space<vmem>> -> memref<1x200x128xf32, #tpu.memory_space<vmem>>
        %dma_start3A_152 = tpu.memref_squeeze %dma_start3A_151 : memref<1x200x128xf32, #tpu.memory_space<vmem>> -> memref<200x128xf32, #tpu.memory_space<vmem>>
        %dma_start3A_153 = tpu.memref_slice %arg6[%multiple_of3A_146] : memref<1600xi32, #tpu.memory_space<vmem>> -> memref<200xi32, #tpu.memory_space<vmem>>
        %dma_start3A_154 = arith.constant 0 : i32
        %dma_start3A_155 = arith.constant 0 : i32
        %dma_start3A_156 = tpu.memref_slice %arg2[%dma_start3A_154, %dma_start3A_155] : memref<10000x128xf32, #tpu.memory_space<hbm>> -> memref<10000x128xf32, #tpu.memory_space<hbm>>
        %dma_start3A_157 = tpu.memref_slice %arg10[%dma_start3A_148] : memref<2x!tpu.dma_semaphore, #tpu.memory_space<semaphore_mem>> -> memref<1x!tpu.dma_semaphore, #tpu.memory_space<semaphore_mem>>
        %dma_start3A_158 = tpu.memref_squeeze %dma_start3A_157 : memref<1x!tpu.dma_semaphore, #tpu.memory_space<semaphore_mem>> -> memref<!tpu.dma_semaphore, #tpu.memory_space<semaphore_mem>>
        tpu.enqueue_indirect_dma source(%dma_start3A_156 : memref<10000x128xf32, #tpu.memory_space<hbm>>) target(%dma_start3A_152 : memref<200x128xf32, #tpu.memory_space<vmem>>) offsets(%dma_start3A_153 : memref<200xi32, #tpu.memory_space<vmem>>) semaphore(%dma_start3A_158 : memref<!tpu.dma_semaphore, #tpu.memory_space<semaphore_mem>>)
        %dma_start3A_159 = arith.constant 0 : i32
        %dma_start3A_160 = arith.constant 0 : i32
        %dma_start3A_161 = arith.constant 0 : i32
        %dma_start3A_162 = arith.constant 0 : i32
        %dma_start3A_163 = tpu.memref_slice %arg9[%dma_start3A_159, %dma_start3A_161, %dma_start3A_162] : memref<2x200x128xf32, #tpu.memory_space<vmem>> -> memref<1x200x128xf32, #tpu.memory_space<vmem>>
        %dma_start3A_164 = tpu.memref_squeeze %dma_start3A_163 : memref<1x200x128xf32, #tpu.memory_space<vmem>> -> memref<200x128xf32, #tpu.memory_space<vmem>>
        %dma_start3A_165 = tpu.memref_slice %arg7[%multiple_of3A_146] : memref<1600xi32, #tpu.memory_space<vmem>> -> memref<200xi32, #tpu.memory_space<vmem>>
        %dma_start3A_166 = arith.constant 0 : i32
        %dma_start3A_167 = arith.constant 0 : i32
        %dma_start3A_168 = tpu.memref_slice %arg2[%dma_start3A_166, %dma_start3A_167] : memref<10000x128xf32, #tpu.memory_space<hbm>> -> memref<10000x128xf32, #tpu.memory_space<hbm>>
        %dma_start3A_169 = tpu.memref_slice %arg11[%dma_start3A_160] : memref<2x!tpu.dma_semaphore, #tpu.memory_space<semaphore_mem>> -> memref<1x!tpu.dma_semaphore, #tpu.memory_space<semaphore_mem>>
        %dma_start3A_170 = tpu.memref_squeeze %dma_start3A_169 : memref<1x!tpu.dma_semaphore, #tpu.memory_space<semaphore_mem>> -> memref<!tpu.dma_semaphore, #tpu.memory_space<semaphore_mem>>
        tpu.enqueue_indirect_dma source(%dma_start3A_168 : memref<10000x128xf32, #tpu.memory_space<hbm>>) target(%dma_start3A_164 : memref<200x128xf32, #tpu.memory_space<vmem>>) offsets(%dma_start3A_165 : memref<200xi32, #tpu.memory_space<vmem>>) semaphore(%dma_start3A_170 : memref<!tpu.dma_semaphore, #tpu.memory_space<semaphore_mem>>)
      } else {
      }
      %add3A_100 = arith.constant 1 : i32
      %add3A_101 = arith.addi %add3A_63, %add3A_100 : i32
      %dma_wait3A_102 = arith.constant 1 : i32
      %dma_wait3A_103 = arith.constant 1 : i32
      %dma_wait3A_104 = arith.constant 0 : i32
      %dma_wait3A_105 = arith.constant 0 : i32
      %dma_wait3A_106 = tpu.memref_slice %arg8[%dma_wait3A_102, %dma_wait3A_104, %dma_wait3A_105] : memref<2x200x128xf32, #tpu.memory_space<vmem>> -> memref<1x200x128xf32, #tpu.memory_space<vmem>>
      %dma_wait3A_107 = tpu.memref_squeeze %dma_wait3A_106 : memref<1x200x128xf32, #tpu.memory_space<vmem>> -> memref<200x128xf32, #tpu.memory_space<vmem>>
      %dma_wait3A_108 = arith.constant 0 : i32
      %dma_wait3A_109 = tpu.memref_slice %arg6[%dma_wait3A_108] : memref<1600xi32, #tpu.memory_space<vmem>> -> memref<200xi32, #tpu.memory_space<vmem>>
      %dma_wait3A_110 = arith.constant 0 : i32
      %dma_wait3A_111 = arith.constant 0 : i32
      %dma_wait3A_112 = tpu.memref_slice %arg2[%dma_wait3A_110, %dma_wait3A_111] : memref<10000x128xf32, #tpu.memory_space<hbm>> -> memref<10000x128xf32, #tpu.memory_space<hbm>>
      %dma_wait3A_113 = tpu.memref_slice %arg10[%dma_wait3A_103] : memref<2x!tpu.dma_semaphore, #tpu.memory_space<semaphore_mem>> -> memref<1x!tpu.dma_semaphore, #tpu.memory_space<semaphore_mem>>
      %dma_wait3A_114 = tpu.memref_squeeze %dma_wait3A_113 : memref<1x!tpu.dma_semaphore, #tpu.memory_space<semaphore_mem>> -> memref<!tpu.dma_semaphore, #tpu.memory_space<semaphore_mem>>
      tpu.wait_indirect_dma semaphore(%dma_wait3A_114 : memref<!tpu.dma_semaphore, #tpu.memory_space<semaphore_mem>>) src(%dma_wait3A_112 : memref<10000x128xf32, #tpu.memory_space<hbm>>) dst(%dma_wait3A_107 : memref<200x128xf32, #tpu.memory_space<vmem>>)
      %dma_wait3A_115 = arith.constant 1 : i32
      %dma_wait3A_116 = arith.constant 1 : i32
      %dma_wait3A_117 = arith.constant 0 : i32
      %dma_wait3A_118 = arith.constant 0 : i32
      %dma_wait3A_119 = tpu.memref_slice %arg9[%dma_wait3A_115, %dma_wait3A_117, %dma_wait3A_118] : memref<2x200x128xf32, #tpu.memory_space<vmem>> -> memref<1x200x128xf32, #tpu.memory_space<vmem>>
      %dma_wait3A_120 = tpu.memref_squeeze %dma_wait3A_119 : memref<1x200x128xf32, #tpu.memory_space<vmem>> -> memref<200x128xf32, #tpu.memory_space<vmem>>
      %dma_wait3A_121 = arith.constant 0 : i32
      %dma_wait3A_122 = tpu.memref_slice %arg7[%dma_wait3A_121] : memref<1600xi32, #tpu.memory_space<vmem>> -> memref<200xi32, #tpu.memory_space<vmem>>
      %dma_wait3A_123 = arith.constant 0 : i32
      %dma_wait3A_124 = arith.constant 0 : i32
      %dma_wait3A_125 = tpu.memref_slice %arg2[%dma_wait3A_123, %dma_wait3A_124] : memref<10000x128xf32, #tpu.memory_space<hbm>> -> memref<10000x128xf32, #tpu.memory_space<hbm>>
      %dma_wait3A_126 = tpu.memref_slice %arg11[%dma_wait3A_116] : memref<2x!tpu.dma_semaphore, #tpu.memory_space<semaphore_mem>> -> memref<1x!tpu.dma_semaphore, #tpu.memory_space<semaphore_mem>>
      %dma_wait3A_127 = tpu.memref_squeeze %dma_wait3A_126 : memref<1x!tpu.dma_semaphore, #tpu.memory_space<semaphore_mem>> -> memref<!tpu.dma_semaphore, #tpu.memory_space<semaphore_mem>>
      tpu.wait_indirect_dma semaphore(%dma_wait3A_127 : memref<!tpu.dma_semaphore, #tpu.memory_space<semaphore_mem>>) src(%dma_wait3A_125 : memref<10000x128xf32, #tpu.memory_space<hbm>>) dst(%dma_wait3A_120 : memref<200x128xf32, #tpu.memory_space<vmem>>)
      %parallel_loop3A_128 = arith.constant 0 : i32
      %parallel_loop3A_129 = arith.constant 200 : i32
      %parallel_loop3A_130 = arith.constant 1 : i32
      scf.for %parallel_loop3A_142 = %parallel_loop3A_128 to %parallel_loop3A_129 step %parallel_loop3A_130  : i32 {
        %parallel_loop3A_143 = arith.constant 1 : i32
        %parallel_loop3A_144 = arith.index_cast %parallel_loop3A_143 : i32 to index
        %parallel_loop3A_145 = arith.index_cast %parallel_loop3A_142 : i32 to index
        %parallel_loop3A_146 = arith.constant 0 : index
        %parallel_loop3A_147 = tpu.vector_load %arg8[%parallel_loop3A_144, %parallel_loop3A_145, %parallel_loop3A_146] {strides = array<i32>} : memref<2x200x128xf32, #tpu.memory_space<vmem>>, vector<1x1x16xf32>,
        %parallel_loop3A_148 = vector.shape_cast %parallel_loop3A_147 : vector<1x1x16xf32> to vector<16xf32>
        %parallel_loop3A_149 = arith.constant 1 : i32
        %parallel_loop3A_150 = arith.index_cast %parallel_loop3A_149 : i32 to index
        %parallel_loop3A_151 = arith.index_cast %parallel_loop3A_142 : i32 to index
        %parallel_loop3A_152 = arith.constant 0 : index
        %parallel_loop3A_153 = tpu.vector_load %arg9[%parallel_loop3A_150, %parallel_loop3A_151, %parallel_loop3A_152] {strides = array<i32>} : memref<2x200x128xf32, #tpu.memory_space<vmem>>, vector<1x1x16xf32>,
        %parallel_loop3A_154 = vector.shape_cast %parallel_loop3A_153 : vector<1x1x16xf32> to vector<16xf32>
        %parallel_loop3A_155 = arith.mulf %parallel_loop3A_148, %parallel_loop3A_154 : vector<16xf32>
        %parallel_loop3A_156 = arith.constant 1 : i32
        %parallel_loop3A_157 = arith.index_cast %parallel_loop3A_156 : i32 to index
        %parallel_loop3A_158 = arith.index_cast %parallel_loop3A_142 : i32 to index
        %parallel_loop3A_159 = arith.constant 0 : index
        %parallel_loop3A_160 = tpu.vector_load %arg8[%parallel_loop3A_157, %parallel_loop3A_158, %parallel_loop3A_159] {strides = array<i32>} : memref<2x200x128xf32, #tpu.memory_space<vmem>>, vector<1x1x16xf32>,
        %parallel_loop3A_161 = vector.shape_cast %parallel_loop3A_160 : vector<1x1x16xf32> to vector<16xf32>
        %parallel_loop3A_162 = vector.shape_cast %parallel_loop3A_155 : vector<16xf32> to vector<1x1x16xf32>
        tpu.vector_store %arg8[%parallel_loop3A_157, %parallel_loop3A_158, %parallel_loop3A_159], %parallel_loop3A_162 {strides = array<i32>} : memref<2x200x128xf32, #tpu.memory_space<vmem>>, vector<1x1x16xf32>,
        %parallel_loop3A_163 = arith.constant 1 : i32
        %parallel_loop3A_164 = arith.index_cast %parallel_loop3A_163 : i32 to index
        %parallel_loop3A_165 = arith.index_cast %parallel_loop3A_142 : i32 to index
        %parallel_loop3A_166 = arith.constant 16 : index
        %parallel_loop3A_167 = tpu.vector_load %arg8[%parallel_loop3A_164, %parallel_loop3A_165, %parallel_loop3A_166] {strides = array<i32>} : memref<2x200x128xf32, #tpu.memory_space<vmem>>, vector<1x1x16xf32>,
        %parallel_loop3A_168 = vector.shape_cast %parallel_loop3A_167 : vector<1x1x16xf32> to vector<16xf32>
        %parallel_loop3A_169 = arith.constant 1 : i32
        %parallel_loop3A_170 = arith.index_cast %parallel_loop3A_169 : i32 to index
        %parallel_loop3A_171 = arith.index_cast %parallel_loop3A_142 : i32 to index
        %parallel_loop3A_172 = arith.constant 16 : index
        %parallel_loop3A_173 = tpu.vector_load %arg9[%parallel_loop3A_170, %parallel_loop3A_171, %parallel_loop3A_172] {strides = array<i32>} : memref<2x200x128xf32, #tpu.memory_space<vmem>>, vector<1x1x16xf32>,
        %parallel_loop3A_174 = vector.shape_cast %parallel_loop3A_173 : vector<1x1x16xf32> to vector<16xf32>
        %parallel_loop3A_175 = arith.mulf %parallel_loop3A_168, %parallel_loop3A_174 : vector<16xf32>
        %parallel_loop3A_176 = arith.constant 1 : i32
        %parallel_loop3A_177 = arith.index_cast %parallel_loop3A_176 : i32 to index
        %parallel_loop3A_178 = arith.index_cast %parallel_loop3A_142 : i32 to index
        %parallel_loop3A_179 = arith.constant 16 : index
        %parallel_loop3A_180 = tpu.vector_load %arg8[%parallel_loop3A_177, %parallel_loop3A_178, %parallel_loop3A_179] {strides = array<i32>} : memref<2x200x128xf32, #tpu.memory_space<vmem>>, vector<1x1x16xf32>,
        %parallel_loop3A_181 = vector.shape_cast %parallel_loop3A_180 : vector<1x1x16xf32> to vector<16xf32>
        %parallel_loop3A_182 = vector.shape_cast %parallel_loop3A_175 : vector<16xf32> to vector<1x1x16xf32>
        tpu.vector_store %arg8[%parallel_loop3A_177, %parallel_loop3A_178, %parallel_loop3A_179], %parallel_loop3A_182 {strides = array<i32>} : memref<2x200x128xf32, #tpu.memory_space<vmem>>, vector<1x1x16xf32>,
        %parallel_loop3A_183 = arith.constant 1 : i32
        %parallel_loop3A_184 = arith.index_cast %parallel_loop3A_183 : i32 to index
        %parallel_loop3A_185 = arith.index_cast %parallel_loop3A_142 : i32 to index
        %parallel_loop3A_186 = arith.constant 32 : index
        %parallel_loop3A_187 = tpu.vector_load %arg8[%parallel_loop3A_184, %parallel_loop3A_185, %parallel_loop3A_186] {strides = array<i32>} : memref<2x200x128xf32, #tpu.memory_space<vmem>>, vector<1x1x16xf32>,
        %parallel_loop3A_188 = vector.shape_cast %parallel_loop3A_187 : vector<1x1x16xf32> to vector<16xf32>
        %parallel_loop3A_189 = arith.constant 1 : i32
        %parallel_loop3A_190 = arith.index_cast %parallel_loop3A_189 : i32 to index
        %parallel_loop3A_191 = arith.index_cast %parallel_loop3A_142 : i32 to index
        %parallel_loop3A_192 = arith.constant 32 : index
        %parallel_loop3A_193 = tpu.vector_load %arg9[%parallel_loop3A_190, %parallel_loop3A_191, %parallel_loop3A_192] {strides = array<i32>} : memref<2x200x128xf32, #tpu.memory_space<vmem>>, vector<1x1x16xf32>,
        %parallel_loop3A_194 = vector.shape_cast %parallel_loop3A_193 : vector<1x1x16xf32> to vector<16xf32>
        %parallel_loop3A_195 = arith.mulf %parallel_loop3A_188, %parallel_loop3A_194 : vector<16xf32>
        %parallel_loop3A_196 = arith.constant 1 : i32
        %parallel_loop3A_197 = arith.index_cast %parallel_loop3A_196 : i32 to index
        %parallel_loop3A_198 = arith.index_cast %parallel_loop3A_142 : i32 to index
        %parallel_loop3A_199 = arith.constant 32 : index
        %parallel_loop3A_200 = tpu.vector_load %arg8[%parallel_loop3A_197, %parallel_loop3A_198, %parallel_loop3A_199] {strides = array<i32>} : memref<2x200x128xf32, #tpu.memory_space<vmem>>, vector<1x1x16xf32>,
        %parallel_loop3A_201 = vector.shape_cast %parallel_loop3A_200 : vector<1x1x16xf32> to vector<16xf32>
        %parallel_loop3A_202 = vector.shape_cast %parallel_loop3A_195 : vector<16xf32> to vector<1x1x16xf32>
        tpu.vector_store %arg8[%parallel_loop3A_197, %parallel_loop3A_198, %parallel_loop3A_199], %parallel_loop3A_202 {strides = array<i32>} : memref<2x200x128xf32, #tpu.memory_space<vmem>>, vector<1x1x16xf32>,
        %parallel_loop3A_203 = arith.constant 1 : i32
        %parallel_loop3A_204 = arith.index_cast %parallel_loop3A_203 : i32 to index
        %parallel_loop3A_205 = arith.index_cast %parallel_loop3A_142 : i32 to index
        %parallel_loop3A_206 = arith.constant 48 : index
        %parallel_loop3A_207 = tpu.vector_load %arg8[%parallel_loop3A_204, %parallel_loop3A_205, %parallel_loop3A_206] {strides = array<i32>} : memref<2x200x128xf32, #tpu.memory_space<vmem>>, vector<1x1x16xf32>,
        %parallel_loop3A_208 = vector.shape_cast %parallel_loop3A_207 : vector<1x1x16xf32> to vector<16xf32>
        %parallel_loop3A_209 = arith.constant 1 : i32
        %parallel_loop3A_210 = arith.index_cast %parallel_loop3A_209 : i32 to index
        %parallel_loop3A_211 = arith.index_cast %parallel_loop3A_142 : i32 to index
        %parallel_loop3A_212 = arith.constant 48 : index
        %parallel_loop3A_213 = tpu.vector_load %arg9[%parallel_loop3A_210, %parallel_loop3A_211, %parallel_loop3A_212] {strides = array<i32>} : memref<2x200x128xf32, #tpu.memory_space<vmem>>, vector<1x1x16xf32>,
        %parallel_loop3A_214 = vector.shape_cast %parallel_loop3A_213 : vector<1x1x16xf32> to vector<16xf32>
        %parallel_loop3A_215 = arith.mulf %parallel_loop3A_208, %parallel_loop3A_214 : vector<16xf32>
        %parallel_loop3A_216 = arith.constant 1 : i32
        %parallel_loop3A_217 = arith.index_cast %parallel_loop3A_216 : i32 to index
        %parallel_loop3A_218 = arith.index_cast %parallel_loop3A_142 : i32 to index
        %parallel_loop3A_219 = arith.constant 48 : index
        %parallel_loop3A_220 = tpu.vector_load %arg8[%parallel_loop3A_217, %parallel_loop3A_218, %parallel_loop3A_219] {strides = array<i32>} : memref<2x200x128xf32, #tpu.memory_space<vmem>>, vector<1x1x16xf32>,
        %parallel_loop3A_221 = vector.shape_cast %parallel_loop3A_220 : vector<1x1x16xf32> to vector<16xf32>
        %parallel_loop3A_222 = vector.shape_cast %parallel_loop3A_215 : vector<16xf32> to vector<1x1x16xf32>
        tpu.vector_store %arg8[%parallel_loop3A_217, %parallel_loop3A_218, %parallel_loop3A_219], %parallel_loop3A_222 {strides = array<i32>} : memref<2x200x128xf32, #tpu.memory_space<vmem>>, vector<1x1x16xf32>,
        %parallel_loop3A_223 = arith.constant 1 : i32
        %parallel_loop3A_224 = arith.index_cast %parallel_loop3A_223 : i32 to index
        %parallel_loop3A_225 = arith.index_cast %parallel_loop3A_142 : i32 to index
        %parallel_loop3A_226 = arith.constant 64 : index
        %parallel_loop3A_227 = tpu.vector_load %arg8[%parallel_loop3A_224, %parallel_loop3A_225, %parallel_loop3A_226] {strides = array<i32>} : memref<2x200x128xf32, #tpu.memory_space<vmem>>, vector<1x1x16xf32>,
        %parallel_loop3A_228 = vector.shape_cast %parallel_loop3A_227 : vector<1x1x16xf32> to vector<16xf32>
        %parallel_loop3A_229 = arith.constant 1 : i32
        %parallel_loop3A_230 = arith.index_cast %parallel_loop3A_229 : i32 to index
        %parallel_loop3A_231 = arith.index_cast %parallel_loop3A_142 : i32 to index
        %parallel_loop3A_232 = arith.constant 64 : index
        %parallel_loop3A_233 = tpu.vector_load %arg9[%parallel_loop3A_230, %parallel_loop3A_231, %parallel_loop3A_232] {strides = array<i32>} : memref<2x200x128xf32, #tpu.memory_space<vmem>>, vector<1x1x16xf32>,
        %parallel_loop3A_234 = vector.shape_cast %parallel_loop3A_233 : vector<1x1x16xf32> to vector<16xf32>
        %parallel_loop3A_235 = arith.mulf %parallel_loop3A_228, %parallel_loop3A_234 : vector<16xf32>
        %parallel_loop3A_236 = arith.constant 1 : i32
        %parallel_loop3A_237 = arith.index_cast %parallel_loop3A_236 : i32 to index
        %parallel_loop3A_238 = arith.index_cast %parallel_loop3A_142 : i32 to index
        %parallel_loop3A_239 = arith.constant 64 : index
        %parallel_loop3A_240 = tpu.vector_load %arg8[%parallel_loop3A_237, %parallel_loop3A_238, %parallel_loop3A_239] {strides = array<i32>} : memref<2x200x128xf32, #tpu.memory_space<vmem>>, vector<1x1x16xf32>,
        %parallel_loop3A_241 = vector.shape_cast %parallel_loop3A_240 : vector<1x1x16xf32> to vector<16xf32>
        %parallel_loop3A_242 = vector.shape_cast %parallel_loop3A_235 : vector<16xf32> to vector<1x1x16xf32>
        tpu.vector_store %arg8[%parallel_loop3A_237, %parallel_loop3A_238, %parallel_loop3A_239], %parallel_loop3A_242 {strides = array<i32>} : memref<2x200x128xf32, #tpu.memory_space<vmem>>, vector<1x1x16xf32>,
        %parallel_loop3A_243 = arith.constant 1 : i32
        %parallel_loop3A_244 = arith.index_cast %parallel_loop3A_243 : i32 to index
        %parallel_loop3A_245 = arith.index_cast %parallel_loop3A_142 : i32 to index
        %parallel_loop3A_246 = arith.constant 80 : index
        %parallel_loop3A_247 = tpu.vector_load %arg8[%parallel_loop3A_244, %parallel_loop3A_245, %parallel_loop3A_246] {strides = array<i32>} : memref<2x200x128xf32, #tpu.memory_space<vmem>>, vector<1x1x16xf32>,
        %parallel_loop3A_248 = vector.shape_cast %parallel_loop3A_247 : vector<1x1x16xf32> to vector<16xf32>
        %parallel_loop3A_249 = arith.constant 1 : i32
        %parallel_loop3A_250 = arith.index_cast %parallel_loop3A_249 : i32 to index
        %parallel_loop3A_251 = arith.index_cast %parallel_loop3A_142 : i32 to index
        %parallel_loop3A_252 = arith.constant 80 : index
        %parallel_loop3A_253 = tpu.vector_load %arg9[%parallel_loop3A_250, %parallel_loop3A_251, %parallel_loop3A_252] {strides = array<i32>} : memref<2x200x128xf32, #tpu.memory_space<vmem>>, vector<1x1x16xf32>,
        %parallel_loop3A_254 = vector.shape_cast %parallel_loop3A_253 : vector<1x1x16xf32> to vector<16xf32>
        %parallel_loop3A_255 = arith.mulf %parallel_loop3A_248, %parallel_loop3A_254 : vector<16xf32>
        %parallel_loop3A_256 = arith.constant 1 : i32
        %parallel_loop3A_257 = arith.index_cast %parallel_loop3A_256 : i32 to index
        %parallel_loop3A_258 = arith.index_cast %parallel_loop3A_142 : i32 to index
        %parallel_loop3A_259 = arith.constant 80 : index
        %parallel_loop3A_260 = tpu.vector_load %arg8[%parallel_loop3A_257, %parallel_loop3A_258, %parallel_loop3A_259] {strides = array<i32>} : memref<2x200x128xf32, #tpu.memory_space<vmem>>, vector<1x1x16xf32>,
        %parallel_loop3A_261 = vector.shape_cast %parallel_loop3A_260 : vector<1x1x16xf32> to vector<16xf32>
        %parallel_loop3A_262 = vector.shape_cast %parallel_loop3A_255 : vector<16xf32> to vector<1x1x16xf32>
        tpu.vector_store %arg8[%parallel_loop3A_257, %parallel_loop3A_258, %parallel_loop3A_259], %parallel_loop3A_262 {strides = array<i32>} : memref<2x200x128xf32, #tpu.memory_space<vmem>>, vector<1x1x16xf32>,
        %parallel_loop3A_263 = arith.constant 1 : i32
        %parallel_loop3A_264 = arith.index_cast %parallel_loop3A_263 : i32 to index
        %parallel_loop3A_265 = arith.index_cast %parallel_loop3A_142 : i32 to index
        %parallel_loop3A_266 = arith.constant 96 : index
        %parallel_loop3A_267 = tpu.vector_load %arg8[%parallel_loop3A_264, %parallel_loop3A_265, %parallel_loop3A_266] {strides = array<i32>} : memref<2x200x128xf32, #tpu.memory_space<vmem>>, vector<1x1x16xf32>,
        %parallel_loop3A_268 = vector.shape_cast %parallel_loop3A_267 : vector<1x1x16xf32> to vector<16xf32>
        %parallel_loop3A_269 = arith.constant 1 : i32
        %parallel_loop3A_270 = arith.index_cast %parallel_loop3A_269 : i32 to index
        %parallel_loop3A_271 = arith.index_cast %parallel_loop3A_142 : i32 to index
        %parallel_loop3A_272 = arith.constant 96 : index
        %parallel_loop3A_273 = tpu.vector_load %arg9[%parallel_loop3A_270, %parallel_loop3A_271, %parallel_loop3A_272] {strides = array<i32>} : memref<2x200x128xf32, #tpu.memory_space<vmem>>, vector<1x1x16xf32>,
        %parallel_loop3A_274 = vector.shape_cast %parallel_loop3A_273 : vector<1x1x16xf32> to vector<16xf32>
        %parallel_loop3A_275 = arith.mulf %parallel_loop3A_268, %parallel_loop3A_274 : vector<16xf32>
        %parallel_loop3A_276 = arith.constant 1 : i32
        %parallel_loop3A_277 = arith.index_cast %parallel_loop3A_276 : i32 to index
        %parallel_loop3A_278 = arith.index_cast %parallel_loop3A_142 : i32 to index
        %parallel_loop3A_279 = arith.constant 96 : index
        %parallel_loop3A_280 = tpu.vector_load %arg8[%parallel_loop3A_277, %parallel_loop3A_278, %parallel_loop3A_279] {strides = array<i32>} : memref<2x200x128xf32, #tpu.memory_space<vmem>>, vector<1x1x16xf32>,
        %parallel_loop3A_281 = vector.shape_cast %parallel_loop3A_280 : vector<1x1x16xf32> to vector<16xf32>
        %parallel_loop3A_282 = vector.shape_cast %parallel_loop3A_275 : vector<16xf32> to vector<1x1x16xf32>
        tpu.vector_store %arg8[%parallel_loop3A_277, %parallel_loop3A_278, %parallel_loop3A_279], %parallel_loop3A_282 {strides = array<i32>} : memref<2x200x128xf32, #tpu.memory_space<vmem>>, vector<1x1x16xf32>,
        %parallel_loop3A_283 = arith.constant 1 : i32
        %parallel_loop3A_284 = arith.index_cast %parallel_loop3A_283 : i32 to index
        %parallel_loop3A_285 = arith.index_cast %parallel_loop3A_142 : i32 to index
        %parallel_loop3A_286 = arith.constant 112 : index
        %parallel_loop3A_287 = tpu.vector_load %arg8[%parallel_loop3A_284, %parallel_loop3A_285, %parallel_loop3A_286] {strides = array<i32>} : memref<2x200x128xf32, #tpu.memory_space<vmem>>, vector<1x1x16xf32>,
        %parallel_loop3A_288 = vector.shape_cast %parallel_loop3A_287 : vector<1x1x16xf32> to vector<16xf32>
        %parallel_loop3A_289 = arith.constant 1 : i32
        %parallel_loop3A_290 = arith.index_cast %parallel_loop3A_289 : i32 to index
        %parallel_loop3A_291 = arith.index_cast %parallel_loop3A_142 : i32 to index
        %parallel_loop3A_292 = arith.constant 112 : index
        %parallel_loop3A_293 = tpu.vector_load %arg9[%parallel_loop3A_290, %parallel_loop3A_291, %parallel_loop3A_292] {strides = array<i32>} : memref<2x200x128xf32, #tpu.memory_space<vmem>>, vector<1x1x16xf32>,
        %parallel_loop3A_294 = vector.shape_cast %parallel_loop3A_293 : vector<1x1x16xf32> to vector<16xf32>
        %parallel_loop3A_295 = arith.mulf %parallel_loop3A_288, %parallel_loop3A_294 : vector<16xf32>
        %parallel_loop3A_296 = arith.constant 1 : i32
        %parallel_loop3A_297 = arith.index_cast %parallel_loop3A_296 : i32 to index
        %parallel_loop3A_298 = arith.index_cast %parallel_loop3A_142 : i32 to index
        %parallel_loop3A_299 = arith.constant 112 : index
        %parallel_loop3A_300 = tpu.vector_load %arg8[%parallel_loop3A_297, %parallel_loop3A_298, %parallel_loop3A_299] {strides = array<i32>} : memref<2x200x128xf32, #tpu.memory_space<vmem>>, vector<1x1x16xf32>,
        %parallel_loop3A_301 = vector.shape_cast %parallel_loop3A_300 : vector<1x1x16xf32> to vector<16xf32>
        %parallel_loop3A_302 = vector.shape_cast %parallel_loop3A_295 : vector<16xf32> to vector<1x1x16xf32>
        tpu.vector_store %arg8[%parallel_loop3A_297, %parallel_loop3A_298, %parallel_loop3A_299], %parallel_loop3A_302 {strides = array<i32>} : memref<2x200x128xf32, #tpu.memory_space<vmem>>, vector<1x1x16xf32>,
      } {sc.loop_unroll_factor = 4 : i64, sc.parallel_access}
      %mul3A_131 = arith.constant 200 : i32
      %mul3A_132 = arith.muli %add3A_101, %mul3A_131 : i32
      %add3A_133 = arith.addi %multiple_of3A, %mul3A_132 : i32
      %run_scoped3A_134 = arith.constant 1 : i32
      "tpu.region"() ({
        %run_scoped3A_142 = tpu.sem_alloc : memref<!tpu.dma_semaphore, #tpu.memory_space<semaphore_mem>>
        %dma_start3A_143 = arith.constant 0 : i32
        %dma_start3A_144 = arith.constant 0 : i32
        %dma_start3A_145 = tpu.memref_slice %arg8[%run_scoped3A_134, %dma_start3A_143, %dma_start3A_144] : memref<2x200x128xf32, #tpu.memory_space<vmem>> -> memref<1x200x128xf32, #tpu.memory_space<vmem>>
        %dma_start3A_146 = tpu.memref_squeeze %dma_start3A_145 : memref<1x200x128xf32, #tpu.memory_space<vmem>> -> memref<200x128xf32, #tpu.memory_space<vmem>>
        %dma_start3A_147 = arith.constant 0 : i32
        %dma_start3A_148 = tpu.memref_slice %arg5[%add3A_133, %dma_start3A_147] : memref<61440x128xf32, #tpu.memory_space<hbm>> -> memref<200x128xf32, #tpu.memory_space<hbm>>
        %dma_start3A_149 = arith.constant 0 : i32
        %dma_start3A_150 = tpu.memref_slice %arg5[%add3A_133, %dma_start3A_149] : memref<61440x128xf32, #tpu.memory_space<hbm>> -> memref<200x128xf32, #tpu.memory_space<hbm>>
        %dma_start3A_151 = arith.constant 0 : i32
        %dma_start3A_152 = arith.constant 0 : i32
        %dma_start3A_153 = tpu.memref_slice %arg8[%run_scoped3A_134, %dma_start3A_151, %dma_start3A_152] : memref<2x200x128xf32, #tpu.memory_space<vmem>> -> memref<1x200x128xf32, #tpu.memory_space<vmem>>
        %dma_start3A_154 = tpu.memref_squeeze %dma_start3A_153 : memref<1x200x128xf32, #tpu.memory_space<vmem>> -> memref<200x128xf32, #tpu.memory_space<vmem>>
        tpu.enqueue_dma source(%dma_start3A_154 : memref<200x128xf32, #tpu.memory_space<vmem>>) target(%dma_start3A_150 : memref<200x128xf32, #tpu.memory_space<hbm>>) target_semaphore(%run_scoped3A_142 : memref<!tpu.dma_semaphore, #tpu.memory_space<semaphore_mem>>)
        %dma_wait3A_155 = arith.constant 0 : i32
        %dma_wait3A_156 = arith.constant 0 : i32
        %dma_wait3A_157 = tpu.memref_slice %arg8[%run_scoped3A_134, %dma_wait3A_155, %dma_wait3A_156] : memref<2x200x128xf32, #tpu.memory_space<vmem>> -> memref<1x200x128xf32, #tpu.memory_space<vmem>>
        %dma_wait3A_158 = tpu.memref_squeeze %dma_wait3A_157 : memref<1x200x128xf32, #tpu.memory_space<vmem>> -> memref<200x128xf32, #tpu.memory_space<vmem>>
        %dma_wait3A_159 = arith.constant 0 : i32
        %dma_wait3A_160 = tpu.memref_slice %arg5[%add3A_133, %dma_wait3A_159] : memref<61440x128xf32, #tpu.memory_space<hbm>> -> memref<200x128xf32, #tpu.memory_space<hbm>>
        %dma_wait3A_161 = arith.constant 0 : i32
        %dma_wait3A_162 = tpu.memref_slice %arg5[%add3A_133, %dma_wait3A_161] : memref<61440x128xf32, #tpu.memory_space<hbm>> -> memref<200x128xf32, #tpu.memory_space<hbm>>
        %dma_wait3A_163 = arith.constant 0 : i32
        %dma_wait3A_164 = arith.constant 0 : i32
        %dma_wait3A_165 = tpu.memref_slice %arg8[%run_scoped3A_134, %dma_wait3A_163, %dma_wait3A_164] : memref<2x200x128xf32, #tpu.memory_space<vmem>> -> memref<1x200x128xf32, #tpu.memory_space<vmem>>
        %dma_wait3A_166 = tpu.memref_squeeze %dma_wait3A_165 : memref<1x200x128xf32, #tpu.memory_space<vmem>> -> memref<200x128xf32, #tpu.memory_space<vmem>>
        tpu.wait_dma2 semaphore(%run_scoped3A_142 : memref<!tpu.dma_semaphore, #tpu.memory_space<semaphore_mem>>) src(%dma_wait3A_166 : memref<200x128xf32, #tpu.memory_space<vmem>>) dst(%dma_wait3A_162 : memref<200x128xf32, #tpu.memory_space<hbm>>)
        tpu.yield
      }) : () -> ()
      %add3A_135 = arith.constant 2 : i32
      %add3A_136 = arith.addi %add3A_101, %add3A_135 : i32
      %lt3A_137 = arith.constant 8 : i32
      %lt3A_138 = arith.cmpi slt, %add3A_136, %lt3A_137 : i32
      %convert_element_type3A_139 = arith.extui %lt3A_138 : i1 to i32
      %cond3A_140 = arith.constant 0 : i32
      %cond3A_141 = arith.cmpi ne, %convert_element_type3A_139, %cond3A_140 : i32
      scf.if %cond3A_141 {
        %add3A_142 = arith.constant 2 : i32
        %add3A_143 = arith.addi %add3A_101, %add3A_142 : i32
        %mul3A_144 = arith.constant 200 : i32
        %mul3A_145 = arith.muli %add3A_143, %mul3A_144 : i32
        %multiple_of3A_146 = tpu.assume_multiple %mul3A_145, 8 : i32
        %dma_start3A_147 = arith.constant 1 : i32
        %dma_start3A_148 = arith.constant 1 : i32
        %dma_start3A_149 = arith.constant 0 : i32
        %dma_start3A_150 = arith.constant 0 : i32
        %dma_start3A_151 = tpu.memref_slice %arg8[%dma_start3A_147, %dma_start3A_149, %dma_start3A_150] : memref<2x200x128xf32, #tpu.memory_space<vmem>> -> memref<1x200x128xf32, #tpu.memory_space<vmem>>
        %dma_start3A_152 = tpu.memref_squeeze %dma_start3A_151 : memref<1x200x128xf32, #tpu.memory_space<vmem>> -> memref<200x128xf32, #tpu.memory_space<vmem>>
        %dma_start3A_153 = tpu.memref_slice %arg6[%multiple_of3A_146] : memref<1600xi32, #tpu.memory_space<vmem>> -> memref<200xi32, #tpu.memory_space<vmem>>
        %dma_start3A_154 = arith.constant 0 : i32
        %dma_start3A_155 = arith.constant 0 : i32
        %dma_start3A_156 = tpu.memref_slice %arg2[%dma_start3A_154, %dma_start3A_155] : memref<10000x128xf32, #tpu.memory_space<hbm>> -> memref<10000x128xf32, #tpu.memory_space<hbm>>
        %dma_start3A_157 = tpu.memref_slice %arg10[%dma_start3A_148] : memref<2x!tpu.dma_semaphore, #tpu.memory_space<semaphore_mem>> -> memref<1x!tpu.dma_semaphore, #tpu.memory_space<semaphore_mem>>
        %dma_start3A_158 = tpu.memref_squeeze %dma_start3A_157 : memref<1x!tpu.dma_semaphore, #tpu.memory_space<semaphore_mem>> -> memref<!tpu.dma_semaphore, #tpu.memory_space<semaphore_mem>>
        tpu.enqueue_indirect_dma source(%dma_start3A_156 : memref<10000x128xf32, #tpu.memory_space<hbm>>) target(%dma_start3A_152 : memref<200x128xf32, #tpu.memory_space<vmem>>) offsets(%dma_start3A_153 : memref<200xi32, #tpu.memory_space<vmem>>) semaphore(%dma_start3A_158 : memref<!tpu.dma_semaphore, #tpu.memory_space<semaphore_mem>>)
        %dma_start3A_159 = arith.constant 1 : i32
        %dma_start3A_160 = arith.constant 1 : i32
        %dma_start3A_161 = arith.constant 0 : i32
        %dma_start3A_162 = arith.constant 0 : i32
        %dma_start3A_163 = tpu.memref_slice %arg9[%dma_start3A_159, %dma_start3A_161, %dma_start3A_162] : memref<2x200x128xf32, #tpu.memory_space<vmem>> -> memref<1x200x128xf32, #tpu.memory_space<vmem>>
        %dma_start3A_164 = tpu.memref_squeeze %dma_start3A_163 : memref<1x200x128xf32, #tpu.memory_space<vmem>> -> memref<200x128xf32, #tpu.memory_space<vmem>>
        %dma_start3A_165 = tpu.memref_slice %arg7[%multiple_of3A_146] : memref<1600xi32, #tpu.memory_space<vmem>> -> memref<200xi32, #tpu.memory_space<vmem>>
        %dma_start3A_166 = arith.constant 0 : i32
        %dma_start3A_167 = arith.constant 0 : i32
        %dma_start3A_168 = tpu.memref_slice %arg2[%dma_start3A_166, %dma_start3A_167] : memref<10000x128xf32, #tpu.memory_space<hbm>> -> memref<10000x128xf32, #tpu.memory_space<hbm>>
        %dma_start3A_169 = tpu.memref_slice %arg11[%dma_start3A_160] : memref<2x!tpu.dma_semaphore, #tpu.memory_space<semaphore_mem>> -> memref<1x!tpu.dma_semaphore, #tpu.memory_space<semaphore_mem>>
        %dma_start3A_170 = tpu.memref_squeeze %dma_start3A_169 : memref<1x!tpu.dma_semaphore, #tpu.memory_space<semaphore_mem>> -> memref<!tpu.dma_semaphore, #tpu.memory_space<semaphore_mem>>
        tpu.enqueue_indirect_dma source(%dma_start3A_168 : memref<10000x128xf32, #tpu.memory_space<hbm>>) target(%dma_start3A_164 : memref<200x128xf32, #tpu.memory_space<vmem>>) offsets(%dma_start3A_165 : memref<200xi32, #tpu.memory_space<vmem>>) semaphore(%dma_start3A_170 : memref<!tpu.dma_semaphore, #tpu.memory_space<semaphore_mem>>)
      } else {
      }
    }
    %scan3A_58 = arith.constant 4 : i32
    return
  }
}

#map = affine_map<(d0, d1) -> (0, 0)>
#map1 = affine_map<(d0, d1) -> (0)>
module attributes {stable_mosaic.version = 14 : i64} {
  func.func @gather_k(%arg0: i32, %arg1: i32, %arg2: memref<10000x128xf32, #tpu.memory_space<hbm>>, %arg3: memref<38560xi32, #tpu.memory_space<hbm>>, %arg4: memref<38560xi32, #tpu.memory_space<hbm>>, %arg5: memref<38560x128xf32, #tpu.memory_space<hbm>>, %arg6: memref<1600xi32, #tpu.memory_space<vmem>>, %arg7: memref<1600xi32, #tpu.memory_space<vmem>>, %arg8: memref<2x200x128xf32, #tpu.memory_space<vmem>>, %arg9: memref<2x200x128xf32, #tpu.memory_space<vmem>>, %arg10: memref<2x!tpu.dma_semaphore, #tpu.memory_space<semaphore_mem>>, %arg11: memref<2x!tpu.dma_semaphore, #tpu.memory_space<semaphore_mem>>) attributes {dimension_semantics = [#tpu.dimension_semantics<core_parallel>, #tpu.dimension_semantics<subcore_parallel>], iteration_bounds = array<i64: 2, 16>, scalar_prefetch = 0 : i64, scratch_operands = 6 : i64, tpu.core_type = #tpu.core_type<sc_vector_subcore>, window_params = [{transform_indices = #map}, {transform_indices = #map1}, {transform_indices = #map1}, {transform_indices = #map}]} {
    %mul3A = arith.constant 2 : i32
    %mul3A_0 = arith.muli %arg1, %mul3A : i32
    %add3A = arith.addi %mul3A_0, %arg0 : i32
    %mul3A_1 = arith.constant 1600 : i32
    %mul3A_2 = arith.muli %add3A, %mul3A_1 : i32
    %min3A = arith.constant 36960 : i32
    %min3A_3 = arith.minsi %mul3A_2, %min3A : i32
    %multiple_of3A = tpu.assume_multiple %min3A_3, 8 : i32
    "tpu.region"() ({
      %run_scoped3A = tpu.sem_alloc : memref<!tpu.dma_semaphore, #tpu.memory_space<semaphore_mem>>
      %dma_start3A_59 = tpu.memref_slice %arg3[%multiple_of3A] : memref<38560xi32, #tpu.memory_space<hbm>> -> memref<1600xi32, #tpu.memory_space<hbm>>
      %dma_start3A_60 = tpu.memref_slice %arg3[%multiple_of3A] : memref<38560xi32, #tpu.memory_space<hbm>> -> memref<1600xi32, #tpu.memory_space<hbm>>
      tpu.enqueue_dma source(%dma_start3A_60 : memref<1600xi32, #tpu.memory_space<hbm>>) target(%arg6 : memref<1600xi32, #tpu.memory_space<vmem>>) target_semaphore(%run_scoped3A : memref<!tpu.dma_semaphore, #tpu.memory_space<semaphore_mem>>)
      %dma_wait3A = tpu.memref_slice %arg3[%multiple_of3A] : memref<38560xi32, #tpu.memory_space<hbm>> -> memref<1600xi32, #tpu.memory_space<hbm>>
      %dma_wait3A_61 = tpu.memref_slice %arg3[%multiple_of3A] : memref<38560xi32, #tpu.memory_space<hbm>> -> memref<1600xi32, #tpu.memory_space<hbm>>
      tpu.wait_dma2 semaphore(%run_scoped3A : memref<!tpu.dma_semaphore, #tpu.memory_space<semaphore_mem>>) src(%dma_wait3A_61 : memref<1600xi32, #tpu.memory_space<hbm>>) dst(%arg6 : memref<1600xi32, #tpu.memory_space<vmem>>)
      tpu.yield
    }) : () -> ()
    "tpu.region"() ({
      %run_scoped3A = tpu.sem_alloc : memref<!tpu.dma_semaphore, #tpu.memory_space<semaphore_mem>>
      %dma_start3A_59 = tpu.memref_slice %arg4[%multiple_of3A] : memref<38560xi32, #tpu.memory_space<hbm>> -> memref<1600xi32, #tpu.memory_space<hbm>>
      %dma_start3A_60 = tpu.memref_slice %arg4[%multiple_of3A] : memref<38560xi32, #tpu.memory_space<hbm>> -> memref<1600xi32, #tpu.memory_space<hbm>>
      tpu.enqueue_dma source(%dma_start3A_60 : memref<1600xi32, #tpu.memory_space<hbm>>) target(%arg7 : memref<1600xi32, #tpu.memory_space<vmem>>) target_semaphore(%run_scoped3A : memref<!tpu.dma_semaphore, #tpu.memory_space<semaphore_mem>>)
      %dma_wait3A = tpu.memref_slice %arg4[%multiple_of3A] : memref<38560xi32, #tpu.memory_space<hbm>> -> memref<1600xi32, #tpu.memory_space<hbm>>
      %dma_wait3A_61 = tpu.memref_slice %arg4[%multiple_of3A] : memref<38560xi32, #tpu.memory_space<hbm>> -> memref<1600xi32, #tpu.memory_space<hbm>>
      tpu.wait_dma2 semaphore(%run_scoped3A : memref<!tpu.dma_semaphore, #tpu.memory_space<semaphore_mem>>) src(%dma_wait3A_61 : memref<1600xi32, #tpu.memory_space<hbm>>) dst(%arg7 : memref<1600xi32, #tpu.memory_space<vmem>>)
      tpu.yield
    }) : () -> ()
    %multiple_of3A_4 = arith.constant 0 : i32
    %multiple_of3A_5 = tpu.assume_multiple %multiple_of3A_4, 8 : i32
    %dma_start3A = arith.constant 0 : i32
    %dma_start3A_6 = arith.constant 0 : i32
    %dma_start3A_7 = arith.constant 0 : i32
    %dma_start3A_8 = arith.constant 0 : i32
    %dma_start3A_9 = tpu.memref_slice %arg8[%dma_start3A, %dma_start3A_7, %dma_start3A_8] : memref<2x200x128xf32, #tpu.memory_space<vmem>> -> memref<1x200x128xf32, #tpu.memory_space<vmem>>
    %dma_start3A_10 = tpu.memref_squeeze %dma_start3A_9 : memref<1x200x128xf32, #tpu.memory_space<vmem>> -> memref<200x128xf32, #tpu.memory_space<vmem>>
    %dma_start3A_11 = tpu.memref_slice %arg6[%multiple_of3A_5] : memref<1600xi32, #tpu.memory_space<vmem>> -> memref<200xi32, #tpu.memory_space<vmem>>
    %dma_start3A_12 = arith.constant 0 : i32
    %dma_start3A_13 = arith.constant 0 : i32
    %dma_start3A_14 = tpu.memref_slice %arg2[%dma_start3A_12, %dma_start3A_13] : memref<10000x128xf32, #tpu.memory_space<hbm>> -> memref<10000x128xf32, #tpu.memory_space<hbm>>
    %dma_start3A_15 = tpu.memref_slice %arg10[%dma_start3A_6] : memref<2x!tpu.dma_semaphore, #tpu.memory_space<semaphore_mem>> -> memref<1x!tpu.dma_semaphore, #tpu.memory_space<semaphore_mem>>
    %dma_start3A_16 = tpu.memref_squeeze %dma_start3A_15 : memref<1x!tpu.dma_semaphore, #tpu.memory_space<semaphore_mem>> -> memref<!tpu.dma_semaphore, #tpu.memory_space<semaphore_mem>>
    tpu.enqueue_indirect_dma source(%dma_start3A_14 : memref<10000x128xf32, #tpu.memory_space<hbm>>) target(%dma_start3A_10 : memref<200x128xf32, #tpu.memory_space<vmem>>) offsets(%dma_start3A_11 : memref<200xi32, #tpu.memory_space<vmem>>) semaphore(%dma_start3A_16 : memref<!tpu.dma_semaphore, #tpu.memory_space<semaphore_mem>>)
    %dma_start3A_17 = arith.constant 0 : i32
    %dma_start3A_18 = arith.constant 0 : i32
    %dma_start3A_19 = arith.constant 0 : i32
    %dma_start3A_20 = arith.constant 0 : i32
    %dma_start3A_21 = tpu.memref_slice %arg9[%dma_start3A_17, %dma_start3A_19, %dma_start3A_20] : memref<2x200x128xf32, #tpu.memory_space<vmem>> -> memref<1x200x128xf32, #tpu.memory_space<vmem>>
    %dma_start3A_22 = tpu.memref_squeeze %dma_start3A_21 : memref<1x200x128xf32, #tpu.memory_space<vmem>> -> memref<200x128xf32, #tpu.memory_space<vmem>>
    %dma_start3A_23 = tpu.memref_slice %arg7[%multiple_of3A_5] : memref<1600xi32, #tpu.memory_space<vmem>> -> memref<200xi32, #tpu.memory_space<vmem>>
    %dma_start3A_24 = arith.constant 0 : i32
    %dma_start3A_25 = arith.constant 0 : i32
    %dma_start3A_26 = tpu.memref_slice %arg2[%dma_start3A_24, %dma_start3A_25] : memref<10000x128xf32, #tpu.memory_space<hbm>> -> memref<10000x128xf32, #tpu.memory_space<hbm>>
    %dma_start3A_27 = tpu.memref_slice %arg11[%dma_start3A_18] : memref<2x!tpu.dma_semaphore, #tpu.memory_space<semaphore_mem>> -> memref<1x!tpu.dma_semaphore, #tpu.memory_space<semaphore_mem>>
    %dma_start3A_28 = tpu.memref_squeeze %dma_start3A_27 : memref<1x!tpu.dma_semaphore, #tpu.memory_space<semaphore_mem>> -> memref<!tpu.dma_semaphore, #tpu.memory_space<semaphore_mem>>
    tpu.enqueue_indirect_dma source(%dma_start3A_26 : memref<10000x128xf32, #tpu.memory_space<hbm>>) target(%dma_start3A_22 : memref<200x128xf32, #tpu.memory_space<vmem>>) offsets(%dma_start3A_23 : memref<200xi32, #tpu.memory_space<vmem>>) semaphore(%dma_start3A_28 : memref<!tpu.dma_semaphore, #tpu.memory_space<semaphore_mem>>)
    %multiple_of3A_29 = arith.constant 200 : i32
    %multiple_of3A_30 = tpu.assume_multiple %multiple_of3A_29, 8 : i32
    %dma_start3A_31 = arith.constant 1 : i32
    %dma_start3A_32 = arith.constant 1 : i32
    %dma_start3A_33 = arith.constant 0 : i32
    %dma_start3A_34 = arith.constant 0 : i32
    %dma_start3A_35 = tpu.memref_slice %arg8[%dma_start3A_31, %dma_start3A_33, %dma_start3A_34] : memref<2x200x128xf32, #tpu.memory_space<vmem>> -> memref<1x200x128xf32, #tpu.memory_space<vmem>>
    %dma_start3A_36 = tpu.memref_squeeze %dma_start3A_35 : memref<1x200x128xf32, #tpu.memory_space<vmem>> -> memref<200x128xf32, #tpu.memory_space<vmem>>
    %dma_start3A_37 = tpu.memref_slice %arg6[%multiple_of3A_30] : memref<1600xi32, #tpu.memory_space<vmem>> -> memref<200xi32, #tpu.memory_space<vmem>>
    %dma_start3A_38 = arith.constant 0 : i32
    %dma_start3A_39 = arith.constant 0 : i32
    %dma_start3A_40 = tpu.memref_slice %arg2[%dma_start3A_38, %dma_start3A_39] : memref<10000x128xf32, #tpu.memory_space<hbm>> -> memref<10000x128xf32, #tpu.memory_space<hbm>>
    %dma_start3A_41 = tpu.memref_slice %arg10[%dma_start3A_32] : memref<2x!tpu.dma_semaphore, #tpu.memory_space<semaphore_mem>> -> memref<1x!tpu.dma_semaphore, #tpu.memory_space<semaphore_mem>>
    %dma_start3A_42 = tpu.memref_squeeze %dma_start3A_41 : memref<1x!tpu.dma_semaphore, #tpu.memory_space<semaphore_mem>> -> memref<!tpu.dma_semaphore, #tpu.memory_space<semaphore_mem>>
    tpu.enqueue_indirect_dma source(%dma_start3A_40 : memref<10000x128xf32, #tpu.memory_space<hbm>>) target(%dma_start3A_36 : memref<200x128xf32, #tpu.memory_space<vmem>>) offsets(%dma_start3A_37 : memref<200xi32, #tpu.memory_space<vmem>>) semaphore(%dma_start3A_42 : memref<!tpu.dma_semaphore, #tpu.memory_space<semaphore_mem>>)
    %dma_start3A_43 = arith.constant 1 : i32
    %dma_start3A_44 = arith.constant 1 : i32
    %dma_start3A_45 = arith.constant 0 : i32
    %dma_start3A_46 = arith.constant 0 : i32
    %dma_start3A_47 = tpu.memref_slice %arg9[%dma_start3A_43, %dma_start3A_45, %dma_start3A_46] : memref<2x200x128xf32, #tpu.memory_space<vmem>> -> memref<1x200x128xf32, #tpu.memory_space<vmem>>
    %dma_start3A_48 = tpu.memref_squeeze %dma_start3A_47 : memref<1x200x128xf32, #tpu.memory_space<vmem>> -> memref<200x128xf32, #tpu.memory_space<vmem>>
    %dma_start3A_49 = tpu.memref_slice %arg7[%multiple_of3A_30] : memref<1600xi32, #tpu.memory_space<vmem>> -> memref<200xi32, #tpu.memory_space<vmem>>
    %dma_start3A_50 = arith.constant 0 : i32
    %dma_start3A_51 = arith.constant 0 : i32
    %dma_start3A_52 = tpu.memref_slice %arg2[%dma_start3A_50, %dma_start3A_51] : memref<10000x128xf32, #tpu.memory_space<hbm>> -> memref<10000x128xf32, #tpu.memory_space<hbm>>
    %dma_start3A_53 = tpu.memref_slice %arg11[%dma_start3A_44] : memref<2x!tpu.dma_semaphore, #tpu.memory_space<semaphore_mem>> -> memref<1x!tpu.dma_semaphore, #tpu.memory_space<semaphore_mem>>
    %dma_start3A_54 = tpu.memref_squeeze %dma_start3A_53 : memref<1x!tpu.dma_semaphore, #tpu.memory_space<semaphore_mem>> -> memref<!tpu.dma_semaphore, #tpu.memory_space<semaphore_mem>>
    tpu.enqueue_indirect_dma source(%dma_start3A_52 : memref<10000x128xf32, #tpu.memory_space<hbm>>) target(%dma_start3A_48 : memref<200x128xf32, #tpu.memory_space<vmem>>) offsets(%dma_start3A_49 : memref<200xi32, #tpu.memory_space<vmem>>) semaphore(%dma_start3A_54 : memref<!tpu.dma_semaphore, #tpu.memory_space<semaphore_mem>>)
    %scan3A = arith.constant 0 : i32
    %scan3A_55 = arith.constant 4 : i32
    %scan3A_56 = arith.addi %scan3A, %scan3A_55 : i32
    %scan3A_57 = arith.constant 1 : i32
    scf.for %scan3A_59 = %scan3A to %scan3A_56 step %scan3A_57  : i32 {
      %mul3A_60 = arith.constant 2 : i32
      %mul3A_61 = arith.muli %scan3A_59, %mul3A_60 : i32
      %add3A_62 = arith.constant 0 : i32
      %add3A_63 = arith.addi %add3A_62, %mul3A_61 : i32
      %add3A_64 = arith.constant 0 : i32
      %add3A_65 = arith.addi %add3A_63, %add3A_64 : i32
      %dma_wait3A = arith.constant 0 : i32
      %dma_wait3A_66 = arith.constant 0 : i32
      %dma_wait3A_67 = arith.constant 0 : i32
      %dma_wait3A_68 = arith.constant 0 : i32
      %dma_wait3A_69 = tpu.memref_slice %arg8[%dma_wait3A, %dma_wait3A_67, %dma_wait3A_68] : memref<2x200x128xf32, #tpu.memory_space<vmem>> -> memref<1x200x128xf32, #tpu.memory_space<vmem>>
      %dma_wait3A_70 = tpu.memref_squeeze %dma_wait3A_69 : memref<1x200x128xf32, #tpu.memory_space<vmem>> -> memref<200x128xf32, #tpu.memory_space<vmem>>
      %dma_wait3A_71 = arith.constant 0 : i32
      %dma_wait3A_72 = tpu.memref_slice %arg6[%dma_wait3A_71] : memref<1600xi32, #tpu.memory_space<vmem>> -> memref<200xi32, #tpu.memory_space<vmem>>
      %dma_wait3A_73 = arith.constant 0 : i32
      %dma_wait3A_74 = arith.constant 0 : i32
      %dma_wait3A_75 = tpu.memref_slice %arg2[%dma_wait3A_73, %dma_wait3A_74] : memref<10000x128xf32, #tpu.memory_space<hbm>> -> memref<10000x128xf32, #tpu.memory_space<hbm>>
      %dma_wait3A_76 = tpu.memref_slice %arg10[%dma_wait3A_66] : memref<2x!tpu.dma_semaphore, #tpu.memory_space<semaphore_mem>> -> memref<1x!tpu.dma_semaphore, #tpu.memory_space<semaphore_mem>>
      %dma_wait3A_77 = tpu.memref_squeeze %dma_wait3A_76 : memref<1x!tpu.dma_semaphore, #tpu.memory_space<semaphore_mem>> -> memref<!tpu.dma_semaphore, #tpu.memory_space<semaphore_mem>>
      tpu.wait_indirect_dma semaphore(%dma_wait3A_77 : memref<!tpu.dma_semaphore, #tpu.memory_space<semaphore_mem>>) src(%dma_wait3A_75 : memref<10000x128xf32, #tpu.memory_space<hbm>>) dst(%dma_wait3A_70 : memref<200x128xf32, #tpu.memory_space<vmem>>)
      %dma_wait3A_78 = arith.constant 0 : i32
      %dma_wait3A_79 = arith.constant 0 : i32
      %dma_wait3A_80 = arith.constant 0 : i32
      %dma_wait3A_81 = arith.constant 0 : i32
      %dma_wait3A_82 = tpu.memref_slice %arg9[%dma_wait3A_78, %dma_wait3A_80, %dma_wait3A_81] : memref<2x200x128xf32, #tpu.memory_space<vmem>> -> memref<1x200x128xf32, #tpu.memory_space<vmem>>
      %dma_wait3A_83 = tpu.memref_squeeze %dma_wait3A_82 : memref<1x200x128xf32, #tpu.memory_space<vmem>> -> memref<200x128xf32, #tpu.memory_space<vmem>>
      %dma_wait3A_84 = arith.constant 0 : i32
      %dma_wait3A_85 = tpu.memref_slice %arg7[%dma_wait3A_84] : memref<1600xi32, #tpu.memory_space<vmem>> -> memref<200xi32, #tpu.memory_space<vmem>>
      %dma_wait3A_86 = arith.constant 0 : i32
      %dma_wait3A_87 = arith.constant 0 : i32
      %dma_wait3A_88 = tpu.memref_slice %arg2[%dma_wait3A_86, %dma_wait3A_87] : memref<10000x128xf32, #tpu.memory_space<hbm>> -> memref<10000x128xf32, #tpu.memory_space<hbm>>
      %dma_wait3A_89 = tpu.memref_slice %arg11[%dma_wait3A_79] : memref<2x!tpu.dma_semaphore, #tpu.memory_space<semaphore_mem>> -> memref<1x!tpu.dma_semaphore, #tpu.memory_space<semaphore_mem>>
      %dma_wait3A_90 = tpu.memref_squeeze %dma_wait3A_89 : memref<1x!tpu.dma_semaphore, #tpu.memory_space<semaphore_mem>> -> memref<!tpu.dma_semaphore, #tpu.memory_space<semaphore_mem>>
      tpu.wait_indirect_dma semaphore(%dma_wait3A_90 : memref<!tpu.dma_semaphore, #tpu.memory_space<semaphore_mem>>) src(%dma_wait3A_88 : memref<10000x128xf32, #tpu.memory_space<hbm>>) dst(%dma_wait3A_83 : memref<200x128xf32, #tpu.memory_space<vmem>>)
      %parallel_loop3A = arith.constant 0 : i32
      %parallel_loop3A_91 = arith.constant 200 : i32
      %parallel_loop3A_92 = arith.constant 1 : i32
      scf.for %parallel_loop3A_142 = %parallel_loop3A to %parallel_loop3A_91 step %parallel_loop3A_92  : i32 {
        %parallel_loop3A_143 = arith.constant 0 : i32
        %parallel_loop3A_144 = arith.index_cast %parallel_loop3A_143 : i32 to index
        %parallel_loop3A_145 = arith.index_cast %parallel_loop3A_142 : i32 to index
        %parallel_loop3A_146 = arith.constant 0 : index
        %parallel_loop3A_147 = tpu.vector_load %arg8[%parallel_loop3A_144, %parallel_loop3A_145, %parallel_loop3A_146] {strides = array<i32>} : memref<2x200x128xf32, #tpu.memory_space<vmem>>, vector<1x1x16xf32>,
        %parallel_loop3A_148 = vector.shape_cast %parallel_loop3A_147 : vector<1x1x16xf32> to vector<16xf32>
        %parallel_loop3A_149 = arith.constant 0 : i32
        %parallel_loop3A_150 = arith.index_cast %parallel_loop3A_149 : i32 to index
        %parallel_loop3A_151 = arith.index_cast %parallel_loop3A_142 : i32 to index
        %parallel_loop3A_152 = arith.constant 0 : index
        %parallel_loop3A_153 = tpu.vector_load %arg9[%parallel_loop3A_150, %parallel_loop3A_151, %parallel_loop3A_152] {strides = array<i32>} : memref<2x200x128xf32, #tpu.memory_space<vmem>>, vector<1x1x16xf32>,
        %parallel_loop3A_154 = vector.shape_cast %parallel_loop3A_153 : vector<1x1x16xf32> to vector<16xf32>
        %parallel_loop3A_155 = arith.mulf %parallel_loop3A_148, %parallel_loop3A_154 : vector<16xf32>
        %parallel_loop3A_156 = arith.constant 0 : i32
        %parallel_loop3A_157 = arith.index_cast %parallel_loop3A_156 : i32 to index
        %parallel_loop3A_158 = arith.index_cast %parallel_loop3A_142 : i32 to index
        %parallel_loop3A_159 = arith.constant 0 : index
        %parallel_loop3A_160 = tpu.vector_load %arg8[%parallel_loop3A_157, %parallel_loop3A_158, %parallel_loop3A_159] {strides = array<i32>} : memref<2x200x128xf32, #tpu.memory_space<vmem>>, vector<1x1x16xf32>,
        %parallel_loop3A_161 = vector.shape_cast %parallel_loop3A_160 : vector<1x1x16xf32> to vector<16xf32>
        %parallel_loop3A_162 = vector.shape_cast %parallel_loop3A_155 : vector<16xf32> to vector<1x1x16xf32>
        tpu.vector_store %arg8[%parallel_loop3A_157, %parallel_loop3A_158, %parallel_loop3A_159], %parallel_loop3A_162 {strides = array<i32>} : memref<2x200x128xf32, #tpu.memory_space<vmem>>, vector<1x1x16xf32>,
        %parallel_loop3A_163 = arith.constant 0 : i32
        %parallel_loop3A_164 = arith.index_cast %parallel_loop3A_163 : i32 to index
        %parallel_loop3A_165 = arith.index_cast %parallel_loop3A_142 : i32 to index
        %parallel_loop3A_166 = arith.constant 16 : index
        %parallel_loop3A_167 = tpu.vector_load %arg8[%parallel_loop3A_164, %parallel_loop3A_165, %parallel_loop3A_166] {strides = array<i32>} : memref<2x200x128xf32, #tpu.memory_space<vmem>>, vector<1x1x16xf32>,
        %parallel_loop3A_168 = vector.shape_cast %parallel_loop3A_167 : vector<1x1x16xf32> to vector<16xf32>
        %parallel_loop3A_169 = arith.constant 0 : i32
        %parallel_loop3A_170 = arith.index_cast %parallel_loop3A_169 : i32 to index
        %parallel_loop3A_171 = arith.index_cast %parallel_loop3A_142 : i32 to index
        %parallel_loop3A_172 = arith.constant 16 : index
        %parallel_loop3A_173 = tpu.vector_load %arg9[%parallel_loop3A_170, %parallel_loop3A_171, %parallel_loop3A_172] {strides = array<i32>} : memref<2x200x128xf32, #tpu.memory_space<vmem>>, vector<1x1x16xf32>,
        %parallel_loop3A_174 = vector.shape_cast %parallel_loop3A_173 : vector<1x1x16xf32> to vector<16xf32>
        %parallel_loop3A_175 = arith.mulf %parallel_loop3A_168, %parallel_loop3A_174 : vector<16xf32>
        %parallel_loop3A_176 = arith.constant 0 : i32
        %parallel_loop3A_177 = arith.index_cast %parallel_loop3A_176 : i32 to index
        %parallel_loop3A_178 = arith.index_cast %parallel_loop3A_142 : i32 to index
        %parallel_loop3A_179 = arith.constant 16 : index
        %parallel_loop3A_180 = tpu.vector_load %arg8[%parallel_loop3A_177, %parallel_loop3A_178, %parallel_loop3A_179] {strides = array<i32>} : memref<2x200x128xf32, #tpu.memory_space<vmem>>, vector<1x1x16xf32>,
        %parallel_loop3A_181 = vector.shape_cast %parallel_loop3A_180 : vector<1x1x16xf32> to vector<16xf32>
        %parallel_loop3A_182 = vector.shape_cast %parallel_loop3A_175 : vector<16xf32> to vector<1x1x16xf32>
        tpu.vector_store %arg8[%parallel_loop3A_177, %parallel_loop3A_178, %parallel_loop3A_179], %parallel_loop3A_182 {strides = array<i32>} : memref<2x200x128xf32, #tpu.memory_space<vmem>>, vector<1x1x16xf32>,
        %parallel_loop3A_183 = arith.constant 0 : i32
        %parallel_loop3A_184 = arith.index_cast %parallel_loop3A_183 : i32 to index
        %parallel_loop3A_185 = arith.index_cast %parallel_loop3A_142 : i32 to index
        %parallel_loop3A_186 = arith.constant 32 : index
        %parallel_loop3A_187 = tpu.vector_load %arg8[%parallel_loop3A_184, %parallel_loop3A_185, %parallel_loop3A_186] {strides = array<i32>} : memref<2x200x128xf32, #tpu.memory_space<vmem>>, vector<1x1x16xf32>,
        %parallel_loop3A_188 = vector.shape_cast %parallel_loop3A_187 : vector<1x1x16xf32> to vector<16xf32>
        %parallel_loop3A_189 = arith.constant 0 : i32
        %parallel_loop3A_190 = arith.index_cast %parallel_loop3A_189 : i32 to index
        %parallel_loop3A_191 = arith.index_cast %parallel_loop3A_142 : i32 to index
        %parallel_loop3A_192 = arith.constant 32 : index
        %parallel_loop3A_193 = tpu.vector_load %arg9[%parallel_loop3A_190, %parallel_loop3A_191, %parallel_loop3A_192] {strides = array<i32>} : memref<2x200x128xf32, #tpu.memory_space<vmem>>, vector<1x1x16xf32>,
        %parallel_loop3A_194 = vector.shape_cast %parallel_loop3A_193 : vector<1x1x16xf32> to vector<16xf32>
        %parallel_loop3A_195 = arith.mulf %parallel_loop3A_188, %parallel_loop3A_194 : vector<16xf32>
        %parallel_loop3A_196 = arith.constant 0 : i32
        %parallel_loop3A_197 = arith.index_cast %parallel_loop3A_196 : i32 to index
        %parallel_loop3A_198 = arith.index_cast %parallel_loop3A_142 : i32 to index
        %parallel_loop3A_199 = arith.constant 32 : index
        %parallel_loop3A_200 = tpu.vector_load %arg8[%parallel_loop3A_197, %parallel_loop3A_198, %parallel_loop3A_199] {strides = array<i32>} : memref<2x200x128xf32, #tpu.memory_space<vmem>>, vector<1x1x16xf32>,
        %parallel_loop3A_201 = vector.shape_cast %parallel_loop3A_200 : vector<1x1x16xf32> to vector<16xf32>
        %parallel_loop3A_202 = vector.shape_cast %parallel_loop3A_195 : vector<16xf32> to vector<1x1x16xf32>
        tpu.vector_store %arg8[%parallel_loop3A_197, %parallel_loop3A_198, %parallel_loop3A_199], %parallel_loop3A_202 {strides = array<i32>} : memref<2x200x128xf32, #tpu.memory_space<vmem>>, vector<1x1x16xf32>,
        %parallel_loop3A_203 = arith.constant 0 : i32
        %parallel_loop3A_204 = arith.index_cast %parallel_loop3A_203 : i32 to index
        %parallel_loop3A_205 = arith.index_cast %parallel_loop3A_142 : i32 to index
        %parallel_loop3A_206 = arith.constant 48 : index
        %parallel_loop3A_207 = tpu.vector_load %arg8[%parallel_loop3A_204, %parallel_loop3A_205, %parallel_loop3A_206] {strides = array<i32>} : memref<2x200x128xf32, #tpu.memory_space<vmem>>, vector<1x1x16xf32>,
        %parallel_loop3A_208 = vector.shape_cast %parallel_loop3A_207 : vector<1x1x16xf32> to vector<16xf32>
        %parallel_loop3A_209 = arith.constant 0 : i32
        %parallel_loop3A_210 = arith.index_cast %parallel_loop3A_209 : i32 to index
        %parallel_loop3A_211 = arith.index_cast %parallel_loop3A_142 : i32 to index
        %parallel_loop3A_212 = arith.constant 48 : index
        %parallel_loop3A_213 = tpu.vector_load %arg9[%parallel_loop3A_210, %parallel_loop3A_211, %parallel_loop3A_212] {strides = array<i32>} : memref<2x200x128xf32, #tpu.memory_space<vmem>>, vector<1x1x16xf32>,
        %parallel_loop3A_214 = vector.shape_cast %parallel_loop3A_213 : vector<1x1x16xf32> to vector<16xf32>
        %parallel_loop3A_215 = arith.mulf %parallel_loop3A_208, %parallel_loop3A_214 : vector<16xf32>
        %parallel_loop3A_216 = arith.constant 0 : i32
        %parallel_loop3A_217 = arith.index_cast %parallel_loop3A_216 : i32 to index
        %parallel_loop3A_218 = arith.index_cast %parallel_loop3A_142 : i32 to index
        %parallel_loop3A_219 = arith.constant 48 : index
        %parallel_loop3A_220 = tpu.vector_load %arg8[%parallel_loop3A_217, %parallel_loop3A_218, %parallel_loop3A_219] {strides = array<i32>} : memref<2x200x128xf32, #tpu.memory_space<vmem>>, vector<1x1x16xf32>,
        %parallel_loop3A_221 = vector.shape_cast %parallel_loop3A_220 : vector<1x1x16xf32> to vector<16xf32>
        %parallel_loop3A_222 = vector.shape_cast %parallel_loop3A_215 : vector<16xf32> to vector<1x1x16xf32>
        tpu.vector_store %arg8[%parallel_loop3A_217, %parallel_loop3A_218, %parallel_loop3A_219], %parallel_loop3A_222 {strides = array<i32>} : memref<2x200x128xf32, #tpu.memory_space<vmem>>, vector<1x1x16xf32>,
        %parallel_loop3A_223 = arith.constant 0 : i32
        %parallel_loop3A_224 = arith.index_cast %parallel_loop3A_223 : i32 to index
        %parallel_loop3A_225 = arith.index_cast %parallel_loop3A_142 : i32 to index
        %parallel_loop3A_226 = arith.constant 64 : index
        %parallel_loop3A_227 = tpu.vector_load %arg8[%parallel_loop3A_224, %parallel_loop3A_225, %parallel_loop3A_226] {strides = array<i32>} : memref<2x200x128xf32, #tpu.memory_space<vmem>>, vector<1x1x16xf32>,
        %parallel_loop3A_228 = vector.shape_cast %parallel_loop3A_227 : vector<1x1x16xf32> to vector<16xf32>
        %parallel_loop3A_229 = arith.constant 0 : i32
        %parallel_loop3A_230 = arith.index_cast %parallel_loop3A_229 : i32 to index
        %parallel_loop3A_231 = arith.index_cast %parallel_loop3A_142 : i32 to index
        %parallel_loop3A_232 = arith.constant 64 : index
        %parallel_loop3A_233 = tpu.vector_load %arg9[%parallel_loop3A_230, %parallel_loop3A_231, %parallel_loop3A_232] {strides = array<i32>} : memref<2x200x128xf32, #tpu.memory_space<vmem>>, vector<1x1x16xf32>,
        %parallel_loop3A_234 = vector.shape_cast %parallel_loop3A_233 : vector<1x1x16xf32> to vector<16xf32>
        %parallel_loop3A_235 = arith.mulf %parallel_loop3A_228, %parallel_loop3A_234 : vector<16xf32>
        %parallel_loop3A_236 = arith.constant 0 : i32
        %parallel_loop3A_237 = arith.index_cast %parallel_loop3A_236 : i32 to index
        %parallel_loop3A_238 = arith.index_cast %parallel_loop3A_142 : i32 to index
        %parallel_loop3A_239 = arith.constant 64 : index
        %parallel_loop3A_240 = tpu.vector_load %arg8[%parallel_loop3A_237, %parallel_loop3A_238, %parallel_loop3A_239] {strides = array<i32>} : memref<2x200x128xf32, #tpu.memory_space<vmem>>, vector<1x1x16xf32>,
        %parallel_loop3A_241 = vector.shape_cast %parallel_loop3A_240 : vector<1x1x16xf32> to vector<16xf32>
        %parallel_loop3A_242 = vector.shape_cast %parallel_loop3A_235 : vector<16xf32> to vector<1x1x16xf32>
        tpu.vector_store %arg8[%parallel_loop3A_237, %parallel_loop3A_238, %parallel_loop3A_239], %parallel_loop3A_242 {strides = array<i32>} : memref<2x200x128xf32, #tpu.memory_space<vmem>>, vector<1x1x16xf32>,
        %parallel_loop3A_243 = arith.constant 0 : i32
        %parallel_loop3A_244 = arith.index_cast %parallel_loop3A_243 : i32 to index
        %parallel_loop3A_245 = arith.index_cast %parallel_loop3A_142 : i32 to index
        %parallel_loop3A_246 = arith.constant 80 : index
        %parallel_loop3A_247 = tpu.vector_load %arg8[%parallel_loop3A_244, %parallel_loop3A_245, %parallel_loop3A_246] {strides = array<i32>} : memref<2x200x128xf32, #tpu.memory_space<vmem>>, vector<1x1x16xf32>,
        %parallel_loop3A_248 = vector.shape_cast %parallel_loop3A_247 : vector<1x1x16xf32> to vector<16xf32>
        %parallel_loop3A_249 = arith.constant 0 : i32
        %parallel_loop3A_250 = arith.index_cast %parallel_loop3A_249 : i32 to index
        %parallel_loop3A_251 = arith.index_cast %parallel_loop3A_142 : i32 to index
        %parallel_loop3A_252 = arith.constant 80 : index
        %parallel_loop3A_253 = tpu.vector_load %arg9[%parallel_loop3A_250, %parallel_loop3A_251, %parallel_loop3A_252] {strides = array<i32>} : memref<2x200x128xf32, #tpu.memory_space<vmem>>, vector<1x1x16xf32>,
        %parallel_loop3A_254 = vector.shape_cast %parallel_loop3A_253 : vector<1x1x16xf32> to vector<16xf32>
        %parallel_loop3A_255 = arith.mulf %parallel_loop3A_248, %parallel_loop3A_254 : vector<16xf32>
        %parallel_loop3A_256 = arith.constant 0 : i32
        %parallel_loop3A_257 = arith.index_cast %parallel_loop3A_256 : i32 to index
        %parallel_loop3A_258 = arith.index_cast %parallel_loop3A_142 : i32 to index
        %parallel_loop3A_259 = arith.constant 80 : index
        %parallel_loop3A_260 = tpu.vector_load %arg8[%parallel_loop3A_257, %parallel_loop3A_258, %parallel_loop3A_259] {strides = array<i32>} : memref<2x200x128xf32, #tpu.memory_space<vmem>>, vector<1x1x16xf32>,
        %parallel_loop3A_261 = vector.shape_cast %parallel_loop3A_260 : vector<1x1x16xf32> to vector<16xf32>
        %parallel_loop3A_262 = vector.shape_cast %parallel_loop3A_255 : vector<16xf32> to vector<1x1x16xf32>
        tpu.vector_store %arg8[%parallel_loop3A_257, %parallel_loop3A_258, %parallel_loop3A_259], %parallel_loop3A_262 {strides = array<i32>} : memref<2x200x128xf32, #tpu.memory_space<vmem>>, vector<1x1x16xf32>,
        %parallel_loop3A_263 = arith.constant 0 : i32
        %parallel_loop3A_264 = arith.index_cast %parallel_loop3A_263 : i32 to index
        %parallel_loop3A_265 = arith.index_cast %parallel_loop3A_142 : i32 to index
        %parallel_loop3A_266 = arith.constant 96 : index
        %parallel_loop3A_267 = tpu.vector_load %arg8[%parallel_loop3A_264, %parallel_loop3A_265, %parallel_loop3A_266] {strides = array<i32>} : memref<2x200x128xf32, #tpu.memory_space<vmem>>, vector<1x1x16xf32>,
        %parallel_loop3A_268 = vector.shape_cast %parallel_loop3A_267 : vector<1x1x16xf32> to vector<16xf32>
        %parallel_loop3A_269 = arith.constant 0 : i32
        %parallel_loop3A_270 = arith.index_cast %parallel_loop3A_269 : i32 to index
        %parallel_loop3A_271 = arith.index_cast %parallel_loop3A_142 : i32 to index
        %parallel_loop3A_272 = arith.constant 96 : index
        %parallel_loop3A_273 = tpu.vector_load %arg9[%parallel_loop3A_270, %parallel_loop3A_271, %parallel_loop3A_272] {strides = array<i32>} : memref<2x200x128xf32, #tpu.memory_space<vmem>>, vector<1x1x16xf32>,
        %parallel_loop3A_274 = vector.shape_cast %parallel_loop3A_273 : vector<1x1x16xf32> to vector<16xf32>
        %parallel_loop3A_275 = arith.mulf %parallel_loop3A_268, %parallel_loop3A_274 : vector<16xf32>
        %parallel_loop3A_276 = arith.constant 0 : i32
        %parallel_loop3A_277 = arith.index_cast %parallel_loop3A_276 : i32 to index
        %parallel_loop3A_278 = arith.index_cast %parallel_loop3A_142 : i32 to index
        %parallel_loop3A_279 = arith.constant 96 : index
        %parallel_loop3A_280 = tpu.vector_load %arg8[%parallel_loop3A_277, %parallel_loop3A_278, %parallel_loop3A_279] {strides = array<i32>} : memref<2x200x128xf32, #tpu.memory_space<vmem>>, vector<1x1x16xf32>,
        %parallel_loop3A_281 = vector.shape_cast %parallel_loop3A_280 : vector<1x1x16xf32> to vector<16xf32>
        %parallel_loop3A_282 = vector.shape_cast %parallel_loop3A_275 : vector<16xf32> to vector<1x1x16xf32>
        tpu.vector_store %arg8[%parallel_loop3A_277, %parallel_loop3A_278, %parallel_loop3A_279], %parallel_loop3A_282 {strides = array<i32>} : memref<2x200x128xf32, #tpu.memory_space<vmem>>, vector<1x1x16xf32>,
        %parallel_loop3A_283 = arith.constant 0 : i32
        %parallel_loop3A_284 = arith.index_cast %parallel_loop3A_283 : i32 to index
        %parallel_loop3A_285 = arith.index_cast %parallel_loop3A_142 : i32 to index
        %parallel_loop3A_286 = arith.constant 112 : index
        %parallel_loop3A_287 = tpu.vector_load %arg8[%parallel_loop3A_284, %parallel_loop3A_285, %parallel_loop3A_286] {strides = array<i32>} : memref<2x200x128xf32, #tpu.memory_space<vmem>>, vector<1x1x16xf32>,
        %parallel_loop3A_288 = vector.shape_cast %parallel_loop3A_287 : vector<1x1x16xf32> to vector<16xf32>
        %parallel_loop3A_289 = arith.constant 0 : i32
        %parallel_loop3A_290 = arith.index_cast %parallel_loop3A_289 : i32 to index
        %parallel_loop3A_291 = arith.index_cast %parallel_loop3A_142 : i32 to index
        %parallel_loop3A_292 = arith.constant 112 : index
        %parallel_loop3A_293 = tpu.vector_load %arg9[%parallel_loop3A_290, %parallel_loop3A_291, %parallel_loop3A_292] {strides = array<i32>} : memref<2x200x128xf32, #tpu.memory_space<vmem>>, vector<1x1x16xf32>,
        %parallel_loop3A_294 = vector.shape_cast %parallel_loop3A_293 : vector<1x1x16xf32> to vector<16xf32>
        %parallel_loop3A_295 = arith.mulf %parallel_loop3A_288, %parallel_loop3A_294 : vector<16xf32>
        %parallel_loop3A_296 = arith.constant 0 : i32
        %parallel_loop3A_297 = arith.index_cast %parallel_loop3A_296 : i32 to index
        %parallel_loop3A_298 = arith.index_cast %parallel_loop3A_142 : i32 to index
        %parallel_loop3A_299 = arith.constant 112 : index
        %parallel_loop3A_300 = tpu.vector_load %arg8[%parallel_loop3A_297, %parallel_loop3A_298, %parallel_loop3A_299] {strides = array<i32>} : memref<2x200x128xf32, #tpu.memory_space<vmem>>, vector<1x1x16xf32>,
        %parallel_loop3A_301 = vector.shape_cast %parallel_loop3A_300 : vector<1x1x16xf32> to vector<16xf32>
        %parallel_loop3A_302 = vector.shape_cast %parallel_loop3A_295 : vector<16xf32> to vector<1x1x16xf32>
        tpu.vector_store %arg8[%parallel_loop3A_297, %parallel_loop3A_298, %parallel_loop3A_299], %parallel_loop3A_302 {strides = array<i32>} : memref<2x200x128xf32, #tpu.memory_space<vmem>>, vector<1x1x16xf32>,
      } {sc.loop_unroll_factor = 4 : i64, sc.parallel_access}
      %mul3A_93 = arith.constant 200 : i32
      %mul3A_94 = arith.muli %add3A_65, %mul3A_93 : i32
      %add3A_95 = arith.addi %multiple_of3A, %mul3A_94 : i32
      %run_scoped3A = arith.constant 0 : i32
      "tpu.region"() ({
        %run_scoped3A_142 = tpu.sem_alloc : memref<!tpu.dma_semaphore, #tpu.memory_space<semaphore_mem>>
        %dma_start3A_143 = arith.constant 0 : i32
        %dma_start3A_144 = arith.constant 0 : i32
        %dma_start3A_145 = tpu.memref_slice %arg8[%run_scoped3A, %dma_start3A_143, %dma_start3A_144] : memref<2x200x128xf32, #tpu.memory_space<vmem>> -> memref<1x200x128xf32, #tpu.memory_space<vmem>>
        %dma_start3A_146 = tpu.memref_squeeze %dma_start3A_145 : memref<1x200x128xf32, #tpu.memory_space<vmem>> -> memref<200x128xf32, #tpu.memory_space<vmem>>
        %dma_start3A_147 = arith.constant 0 : i32
        %dma_start3A_148 = tpu.memref_slice %arg5[%add3A_95, %dma_start3A_147] : memref<38560x128xf32, #tpu.memory_space<hbm>> -> memref<200x128xf32, #tpu.memory_space<hbm>>
        %dma_start3A_149 = arith.constant 0 : i32
        %dma_start3A_150 = tpu.memref_slice %arg5[%add3A_95, %dma_start3A_149] : memref<38560x128xf32, #tpu.memory_space<hbm>> -> memref<200x128xf32, #tpu.memory_space<hbm>>
        %dma_start3A_151 = arith.constant 0 : i32
        %dma_start3A_152 = arith.constant 0 : i32
        %dma_start3A_153 = tpu.memref_slice %arg8[%run_scoped3A, %dma_start3A_151, %dma_start3A_152] : memref<2x200x128xf32, #tpu.memory_space<vmem>> -> memref<1x200x128xf32, #tpu.memory_space<vmem>>
        %dma_start3A_154 = tpu.memref_squeeze %dma_start3A_153 : memref<1x200x128xf32, #tpu.memory_space<vmem>> -> memref<200x128xf32, #tpu.memory_space<vmem>>
        tpu.enqueue_dma source(%dma_start3A_154 : memref<200x128xf32, #tpu.memory_space<vmem>>) target(%dma_start3A_150 : memref<200x128xf32, #tpu.memory_space<hbm>>) target_semaphore(%run_scoped3A_142 : memref<!tpu.dma_semaphore, #tpu.memory_space<semaphore_mem>>)
        %dma_wait3A_155 = arith.constant 0 : i32
        %dma_wait3A_156 = arith.constant 0 : i32
        %dma_wait3A_157 = tpu.memref_slice %arg8[%run_scoped3A, %dma_wait3A_155, %dma_wait3A_156] : memref<2x200x128xf32, #tpu.memory_space<vmem>> -> memref<1x200x128xf32, #tpu.memory_space<vmem>>
        %dma_wait3A_158 = tpu.memref_squeeze %dma_wait3A_157 : memref<1x200x128xf32, #tpu.memory_space<vmem>> -> memref<200x128xf32, #tpu.memory_space<vmem>>
        %dma_wait3A_159 = arith.constant 0 : i32
        %dma_wait3A_160 = tpu.memref_slice %arg5[%add3A_95, %dma_wait3A_159] : memref<38560x128xf32, #tpu.memory_space<hbm>> -> memref<200x128xf32, #tpu.memory_space<hbm>>
        %dma_wait3A_161 = arith.constant 0 : i32
        %dma_wait3A_162 = tpu.memref_slice %arg5[%add3A_95, %dma_wait3A_161] : memref<38560x128xf32, #tpu.memory_space<hbm>> -> memref<200x128xf32, #tpu.memory_space<hbm>>
        %dma_wait3A_163 = arith.constant 0 : i32
        %dma_wait3A_164 = arith.constant 0 : i32
        %dma_wait3A_165 = tpu.memref_slice %arg8[%run_scoped3A, %dma_wait3A_163, %dma_wait3A_164] : memref<2x200x128xf32, #tpu.memory_space<vmem>> -> memref<1x200x128xf32, #tpu.memory_space<vmem>>
        %dma_wait3A_166 = tpu.memref_squeeze %dma_wait3A_165 : memref<1x200x128xf32, #tpu.memory_space<vmem>> -> memref<200x128xf32, #tpu.memory_space<vmem>>
        tpu.wait_dma2 semaphore(%run_scoped3A_142 : memref<!tpu.dma_semaphore, #tpu.memory_space<semaphore_mem>>) src(%dma_wait3A_166 : memref<200x128xf32, #tpu.memory_space<vmem>>) dst(%dma_wait3A_162 : memref<200x128xf32, #tpu.memory_space<hbm>>)
        tpu.yield
      }) : () -> ()
      %add3A_96 = arith.constant 2 : i32
      %add3A_97 = arith.addi %add3A_65, %add3A_96 : i32
      %lt3A = arith.constant 8 : i32
      %lt3A_98 = arith.cmpi slt, %add3A_97, %lt3A : i32
      %convert_element_type3A = arith.extui %lt3A_98 : i1 to i32
      %cond3A = arith.constant 0 : i32
      %cond3A_99 = arith.cmpi ne, %convert_element_type3A, %cond3A : i32
      scf.if %cond3A_99 {
        %add3A_142 = arith.constant 2 : i32
        %add3A_143 = arith.addi %add3A_65, %add3A_142 : i32
        %mul3A_144 = arith.constant 200 : i32
        %mul3A_145 = arith.muli %add3A_143, %mul3A_144 : i32
        %multiple_of3A_146 = tpu.assume_multiple %mul3A_145, 8 : i32
        %dma_start3A_147 = arith.constant 0 : i32
        %dma_start3A_148 = arith.constant 0 : i32
        %dma_start3A_149 = arith.constant 0 : i32
        %dma_start3A_150 = arith.constant 0 : i32
        %dma_start3A_151 = tpu.memref_slice %arg8[%dma_start3A_147, %dma_start3A_149, %dma_start3A_150] : memref<2x200x128xf32, #tpu.memory_space<vmem>> -> memref<1x200x128xf32, #tpu.memory_space<vmem>>
        %dma_start3A_152 = tpu.memref_squeeze %dma_start3A_151 : memref<1x200x128xf32, #tpu.memory_space<vmem>> -> memref<200x128xf32, #tpu.memory_space<vmem>>
        %dma_start3A_153 = tpu.memref_slice %arg6[%multiple_of3A_146] : memref<1600xi32, #tpu.memory_space<vmem>> -> memref<200xi32, #tpu.memory_space<vmem>>
        %dma_start3A_154 = arith.constant 0 : i32
        %dma_start3A_155 = arith.constant 0 : i32
        %dma_start3A_156 = tpu.memref_slice %arg2[%dma_start3A_154, %dma_start3A_155] : memref<10000x128xf32, #tpu.memory_space<hbm>> -> memref<10000x128xf32, #tpu.memory_space<hbm>>
        %dma_start3A_157 = tpu.memref_slice %arg10[%dma_start3A_148] : memref<2x!tpu.dma_semaphore, #tpu.memory_space<semaphore_mem>> -> memref<1x!tpu.dma_semaphore, #tpu.memory_space<semaphore_mem>>
        %dma_start3A_158 = tpu.memref_squeeze %dma_start3A_157 : memref<1x!tpu.dma_semaphore, #tpu.memory_space<semaphore_mem>> -> memref<!tpu.dma_semaphore, #tpu.memory_space<semaphore_mem>>
        tpu.enqueue_indirect_dma source(%dma_start3A_156 : memref<10000x128xf32, #tpu.memory_space<hbm>>) target(%dma_start3A_152 : memref<200x128xf32, #tpu.memory_space<vmem>>) offsets(%dma_start3A_153 : memref<200xi32, #tpu.memory_space<vmem>>) semaphore(%dma_start3A_158 : memref<!tpu.dma_semaphore, #tpu.memory_space<semaphore_mem>>)
        %dma_start3A_159 = arith.constant 0 : i32
        %dma_start3A_160 = arith.constant 0 : i32
        %dma_start3A_161 = arith.constant 0 : i32
        %dma_start3A_162 = arith.constant 0 : i32
        %dma_start3A_163 = tpu.memref_slice %arg9[%dma_start3A_159, %dma_start3A_161, %dma_start3A_162] : memref<2x200x128xf32, #tpu.memory_space<vmem>> -> memref<1x200x128xf32, #tpu.memory_space<vmem>>
        %dma_start3A_164 = tpu.memref_squeeze %dma_start3A_163 : memref<1x200x128xf32, #tpu.memory_space<vmem>> -> memref<200x128xf32, #tpu.memory_space<vmem>>
        %dma_start3A_165 = tpu.memref_slice %arg7[%multiple_of3A_146] : memref<1600xi32, #tpu.memory_space<vmem>> -> memref<200xi32, #tpu.memory_space<vmem>>
        %dma_start3A_166 = arith.constant 0 : i32
        %dma_start3A_167 = arith.constant 0 : i32
        %dma_start3A_168 = tpu.memref_slice %arg2[%dma_start3A_166, %dma_start3A_167] : memref<10000x128xf32, #tpu.memory_space<hbm>> -> memref<10000x128xf32, #tpu.memory_space<hbm>>
        %dma_start3A_169 = tpu.memref_slice %arg11[%dma_start3A_160] : memref<2x!tpu.dma_semaphore, #tpu.memory_space<semaphore_mem>> -> memref<1x!tpu.dma_semaphore, #tpu.memory_space<semaphore_mem>>
        %dma_start3A_170 = tpu.memref_squeeze %dma_start3A_169 : memref<1x!tpu.dma_semaphore, #tpu.memory_space<semaphore_mem>> -> memref<!tpu.dma_semaphore, #tpu.memory_space<semaphore_mem>>
        tpu.enqueue_indirect_dma source(%dma_start3A_168 : memref<10000x128xf32, #tpu.memory_space<hbm>>) target(%dma_start3A_164 : memref<200x128xf32, #tpu.memory_space<vmem>>) offsets(%dma_start3A_165 : memref<200xi32, #tpu.memory_space<vmem>>) semaphore(%dma_start3A_170 : memref<!tpu.dma_semaphore, #tpu.memory_space<semaphore_mem>>)
      } else {
      }
      %add3A_100 = arith.constant 1 : i32
      %add3A_101 = arith.addi %add3A_63, %add3A_100 : i32
      %dma_wait3A_102 = arith.constant 1 : i32
      %dma_wait3A_103 = arith.constant 1 : i32
      %dma_wait3A_104 = arith.constant 0 : i32
      %dma_wait3A_105 = arith.constant 0 : i32
      %dma_wait3A_106 = tpu.memref_slice %arg8[%dma_wait3A_102, %dma_wait3A_104, %dma_wait3A_105] : memref<2x200x128xf32, #tpu.memory_space<vmem>> -> memref<1x200x128xf32, #tpu.memory_space<vmem>>
      %dma_wait3A_107 = tpu.memref_squeeze %dma_wait3A_106 : memref<1x200x128xf32, #tpu.memory_space<vmem>> -> memref<200x128xf32, #tpu.memory_space<vmem>>
      %dma_wait3A_108 = arith.constant 0 : i32
      %dma_wait3A_109 = tpu.memref_slice %arg6[%dma_wait3A_108] : memref<1600xi32, #tpu.memory_space<vmem>> -> memref<200xi32, #tpu.memory_space<vmem>>
      %dma_wait3A_110 = arith.constant 0 : i32
      %dma_wait3A_111 = arith.constant 0 : i32
      %dma_wait3A_112 = tpu.memref_slice %arg2[%dma_wait3A_110, %dma_wait3A_111] : memref<10000x128xf32, #tpu.memory_space<hbm>> -> memref<10000x128xf32, #tpu.memory_space<hbm>>
      %dma_wait3A_113 = tpu.memref_slice %arg10[%dma_wait3A_103] : memref<2x!tpu.dma_semaphore, #tpu.memory_space<semaphore_mem>> -> memref<1x!tpu.dma_semaphore, #tpu.memory_space<semaphore_mem>>
      %dma_wait3A_114 = tpu.memref_squeeze %dma_wait3A_113 : memref<1x!tpu.dma_semaphore, #tpu.memory_space<semaphore_mem>> -> memref<!tpu.dma_semaphore, #tpu.memory_space<semaphore_mem>>
      tpu.wait_indirect_dma semaphore(%dma_wait3A_114 : memref<!tpu.dma_semaphore, #tpu.memory_space<semaphore_mem>>) src(%dma_wait3A_112 : memref<10000x128xf32, #tpu.memory_space<hbm>>) dst(%dma_wait3A_107 : memref<200x128xf32, #tpu.memory_space<vmem>>)
      %dma_wait3A_115 = arith.constant 1 : i32
      %dma_wait3A_116 = arith.constant 1 : i32
      %dma_wait3A_117 = arith.constant 0 : i32
      %dma_wait3A_118 = arith.constant 0 : i32
      %dma_wait3A_119 = tpu.memref_slice %arg9[%dma_wait3A_115, %dma_wait3A_117, %dma_wait3A_118] : memref<2x200x128xf32, #tpu.memory_space<vmem>> -> memref<1x200x128xf32, #tpu.memory_space<vmem>>
      %dma_wait3A_120 = tpu.memref_squeeze %dma_wait3A_119 : memref<1x200x128xf32, #tpu.memory_space<vmem>> -> memref<200x128xf32, #tpu.memory_space<vmem>>
      %dma_wait3A_121 = arith.constant 0 : i32
      %dma_wait3A_122 = tpu.memref_slice %arg7[%dma_wait3A_121] : memref<1600xi32, #tpu.memory_space<vmem>> -> memref<200xi32, #tpu.memory_space<vmem>>
      %dma_wait3A_123 = arith.constant 0 : i32
      %dma_wait3A_124 = arith.constant 0 : i32
      %dma_wait3A_125 = tpu.memref_slice %arg2[%dma_wait3A_123, %dma_wait3A_124] : memref<10000x128xf32, #tpu.memory_space<hbm>> -> memref<10000x128xf32, #tpu.memory_space<hbm>>
      %dma_wait3A_126 = tpu.memref_slice %arg11[%dma_wait3A_116] : memref<2x!tpu.dma_semaphore, #tpu.memory_space<semaphore_mem>> -> memref<1x!tpu.dma_semaphore, #tpu.memory_space<semaphore_mem>>
      %dma_wait3A_127 = tpu.memref_squeeze %dma_wait3A_126 : memref<1x!tpu.dma_semaphore, #tpu.memory_space<semaphore_mem>> -> memref<!tpu.dma_semaphore, #tpu.memory_space<semaphore_mem>>
      tpu.wait_indirect_dma semaphore(%dma_wait3A_127 : memref<!tpu.dma_semaphore, #tpu.memory_space<semaphore_mem>>) src(%dma_wait3A_125 : memref<10000x128xf32, #tpu.memory_space<hbm>>) dst(%dma_wait3A_120 : memref<200x128xf32, #tpu.memory_space<vmem>>)
      %parallel_loop3A_128 = arith.constant 0 : i32
      %parallel_loop3A_129 = arith.constant 200 : i32
      %parallel_loop3A_130 = arith.constant 1 : i32
      scf.for %parallel_loop3A_142 = %parallel_loop3A_128 to %parallel_loop3A_129 step %parallel_loop3A_130  : i32 {
        %parallel_loop3A_143 = arith.constant 1 : i32
        %parallel_loop3A_144 = arith.index_cast %parallel_loop3A_143 : i32 to index
        %parallel_loop3A_145 = arith.index_cast %parallel_loop3A_142 : i32 to index
        %parallel_loop3A_146 = arith.constant 0 : index
        %parallel_loop3A_147 = tpu.vector_load %arg8[%parallel_loop3A_144, %parallel_loop3A_145, %parallel_loop3A_146] {strides = array<i32>} : memref<2x200x128xf32, #tpu.memory_space<vmem>>, vector<1x1x16xf32>,
        %parallel_loop3A_148 = vector.shape_cast %parallel_loop3A_147 : vector<1x1x16xf32> to vector<16xf32>
        %parallel_loop3A_149 = arith.constant 1 : i32
        %parallel_loop3A_150 = arith.index_cast %parallel_loop3A_149 : i32 to index
        %parallel_loop3A_151 = arith.index_cast %parallel_loop3A_142 : i32 to index
        %parallel_loop3A_152 = arith.constant 0 : index
        %parallel_loop3A_153 = tpu.vector_load %arg9[%parallel_loop3A_150, %parallel_loop3A_151, %parallel_loop3A_152] {strides = array<i32>} : memref<2x200x128xf32, #tpu.memory_space<vmem>>, vector<1x1x16xf32>,
        %parallel_loop3A_154 = vector.shape_cast %parallel_loop3A_153 : vector<1x1x16xf32> to vector<16xf32>
        %parallel_loop3A_155 = arith.mulf %parallel_loop3A_148, %parallel_loop3A_154 : vector<16xf32>
        %parallel_loop3A_156 = arith.constant 1 : i32
        %parallel_loop3A_157 = arith.index_cast %parallel_loop3A_156 : i32 to index
        %parallel_loop3A_158 = arith.index_cast %parallel_loop3A_142 : i32 to index
        %parallel_loop3A_159 = arith.constant 0 : index
        %parallel_loop3A_160 = tpu.vector_load %arg8[%parallel_loop3A_157, %parallel_loop3A_158, %parallel_loop3A_159] {strides = array<i32>} : memref<2x200x128xf32, #tpu.memory_space<vmem>>, vector<1x1x16xf32>,
        %parallel_loop3A_161 = vector.shape_cast %parallel_loop3A_160 : vector<1x1x16xf32> to vector<16xf32>
        %parallel_loop3A_162 = vector.shape_cast %parallel_loop3A_155 : vector<16xf32> to vector<1x1x16xf32>
        tpu.vector_store %arg8[%parallel_loop3A_157, %parallel_loop3A_158, %parallel_loop3A_159], %parallel_loop3A_162 {strides = array<i32>} : memref<2x200x128xf32, #tpu.memory_space<vmem>>, vector<1x1x16xf32>,
        %parallel_loop3A_163 = arith.constant 1 : i32
        %parallel_loop3A_164 = arith.index_cast %parallel_loop3A_163 : i32 to index
        %parallel_loop3A_165 = arith.index_cast %parallel_loop3A_142 : i32 to index
        %parallel_loop3A_166 = arith.constant 16 : index
        %parallel_loop3A_167 = tpu.vector_load %arg8[%parallel_loop3A_164, %parallel_loop3A_165, %parallel_loop3A_166] {strides = array<i32>} : memref<2x200x128xf32, #tpu.memory_space<vmem>>, vector<1x1x16xf32>,
        %parallel_loop3A_168 = vector.shape_cast %parallel_loop3A_167 : vector<1x1x16xf32> to vector<16xf32>
        %parallel_loop3A_169 = arith.constant 1 : i32
        %parallel_loop3A_170 = arith.index_cast %parallel_loop3A_169 : i32 to index
        %parallel_loop3A_171 = arith.index_cast %parallel_loop3A_142 : i32 to index
        %parallel_loop3A_172 = arith.constant 16 : index
        %parallel_loop3A_173 = tpu.vector_load %arg9[%parallel_loop3A_170, %parallel_loop3A_171, %parallel_loop3A_172] {strides = array<i32>} : memref<2x200x128xf32, #tpu.memory_space<vmem>>, vector<1x1x16xf32>,
        %parallel_loop3A_174 = vector.shape_cast %parallel_loop3A_173 : vector<1x1x16xf32> to vector<16xf32>
        %parallel_loop3A_175 = arith.mulf %parallel_loop3A_168, %parallel_loop3A_174 : vector<16xf32>
        %parallel_loop3A_176 = arith.constant 1 : i32
        %parallel_loop3A_177 = arith.index_cast %parallel_loop3A_176 : i32 to index
        %parallel_loop3A_178 = arith.index_cast %parallel_loop3A_142 : i32 to index
        %parallel_loop3A_179 = arith.constant 16 : index
        %parallel_loop3A_180 = tpu.vector_load %arg8[%parallel_loop3A_177, %parallel_loop3A_178, %parallel_loop3A_179] {strides = array<i32>} : memref<2x200x128xf32, #tpu.memory_space<vmem>>, vector<1x1x16xf32>,
        %parallel_loop3A_181 = vector.shape_cast %parallel_loop3A_180 : vector<1x1x16xf32> to vector<16xf32>
        %parallel_loop3A_182 = vector.shape_cast %parallel_loop3A_175 : vector<16xf32> to vector<1x1x16xf32>
        tpu.vector_store %arg8[%parallel_loop3A_177, %parallel_loop3A_178, %parallel_loop3A_179], %parallel_loop3A_182 {strides = array<i32>} : memref<2x200x128xf32, #tpu.memory_space<vmem>>, vector<1x1x16xf32>,
        %parallel_loop3A_183 = arith.constant 1 : i32
        %parallel_loop3A_184 = arith.index_cast %parallel_loop3A_183 : i32 to index
        %parallel_loop3A_185 = arith.index_cast %parallel_loop3A_142 : i32 to index
        %parallel_loop3A_186 = arith.constant 32 : index
        %parallel_loop3A_187 = tpu.vector_load %arg8[%parallel_loop3A_184, %parallel_loop3A_185, %parallel_loop3A_186] {strides = array<i32>} : memref<2x200x128xf32, #tpu.memory_space<vmem>>, vector<1x1x16xf32>,
        %parallel_loop3A_188 = vector.shape_cast %parallel_loop3A_187 : vector<1x1x16xf32> to vector<16xf32>
        %parallel_loop3A_189 = arith.constant 1 : i32
        %parallel_loop3A_190 = arith.index_cast %parallel_loop3A_189 : i32 to index
        %parallel_loop3A_191 = arith.index_cast %parallel_loop3A_142 : i32 to index
        %parallel_loop3A_192 = arith.constant 32 : index
        %parallel_loop3A_193 = tpu.vector_load %arg9[%parallel_loop3A_190, %parallel_loop3A_191, %parallel_loop3A_192] {strides = array<i32>} : memref<2x200x128xf32, #tpu.memory_space<vmem>>, vector<1x1x16xf32>,
        %parallel_loop3A_194 = vector.shape_cast %parallel_loop3A_193 : vector<1x1x16xf32> to vector<16xf32>
        %parallel_loop3A_195 = arith.mulf %parallel_loop3A_188, %parallel_loop3A_194 : vector<16xf32>
        %parallel_loop3A_196 = arith.constant 1 : i32
        %parallel_loop3A_197 = arith.index_cast %parallel_loop3A_196 : i32 to index
        %parallel_loop3A_198 = arith.index_cast %parallel_loop3A_142 : i32 to index
        %parallel_loop3A_199 = arith.constant 32 : index
        %parallel_loop3A_200 = tpu.vector_load %arg8[%parallel_loop3A_197, %parallel_loop3A_198, %parallel_loop3A_199] {strides = array<i32>} : memref<2x200x128xf32, #tpu.memory_space<vmem>>, vector<1x1x16xf32>,
        %parallel_loop3A_201 = vector.shape_cast %parallel_loop3A_200 : vector<1x1x16xf32> to vector<16xf32>
        %parallel_loop3A_202 = vector.shape_cast %parallel_loop3A_195 : vector<16xf32> to vector<1x1x16xf32>
        tpu.vector_store %arg8[%parallel_loop3A_197, %parallel_loop3A_198, %parallel_loop3A_199], %parallel_loop3A_202 {strides = array<i32>} : memref<2x200x128xf32, #tpu.memory_space<vmem>>, vector<1x1x16xf32>,
        %parallel_loop3A_203 = arith.constant 1 : i32
        %parallel_loop3A_204 = arith.index_cast %parallel_loop3A_203 : i32 to index
        %parallel_loop3A_205 = arith.index_cast %parallel_loop3A_142 : i32 to index
        %parallel_loop3A_206 = arith.constant 48 : index
        %parallel_loop3A_207 = tpu.vector_load %arg8[%parallel_loop3A_204, %parallel_loop3A_205, %parallel_loop3A_206] {strides = array<i32>} : memref<2x200x128xf32, #tpu.memory_space<vmem>>, vector<1x1x16xf32>,
        %parallel_loop3A_208 = vector.shape_cast %parallel_loop3A_207 : vector<1x1x16xf32> to vector<16xf32>
        %parallel_loop3A_209 = arith.constant 1 : i32
        %parallel_loop3A_210 = arith.index_cast %parallel_loop3A_209 : i32 to index
        %parallel_loop3A_211 = arith.index_cast %parallel_loop3A_142 : i32 to index
        %parallel_loop3A_212 = arith.constant 48 : index
        %parallel_loop3A_213 = tpu.vector_load %arg9[%parallel_loop3A_210, %parallel_loop3A_211, %parallel_loop3A_212] {strides = array<i32>} : memref<2x200x128xf32, #tpu.memory_space<vmem>>, vector<1x1x16xf32>,
        %parallel_loop3A_214 = vector.shape_cast %parallel_loop3A_213 : vector<1x1x16xf32> to vector<16xf32>
        %parallel_loop3A_215 = arith.mulf %parallel_loop3A_208, %parallel_loop3A_214 : vector<16xf32>
        %parallel_loop3A_216 = arith.constant 1 : i32
        %parallel_loop3A_217 = arith.index_cast %parallel_loop3A_216 : i32 to index
        %parallel_loop3A_218 = arith.index_cast %parallel_loop3A_142 : i32 to index
        %parallel_loop3A_219 = arith.constant 48 : index
        %parallel_loop3A_220 = tpu.vector_load %arg8[%parallel_loop3A_217, %parallel_loop3A_218, %parallel_loop3A_219] {strides = array<i32>} : memref<2x200x128xf32, #tpu.memory_space<vmem>>, vector<1x1x16xf32>,
        %parallel_loop3A_221 = vector.shape_cast %parallel_loop3A_220 : vector<1x1x16xf32> to vector<16xf32>
        %parallel_loop3A_222 = vector.shape_cast %parallel_loop3A_215 : vector<16xf32> to vector<1x1x16xf32>
        tpu.vector_store %arg8[%parallel_loop3A_217, %parallel_loop3A_218, %parallel_loop3A_219], %parallel_loop3A_222 {strides = array<i32>} : memref<2x200x128xf32, #tpu.memory_space<vmem>>, vector<1x1x16xf32>,
        %parallel_loop3A_223 = arith.constant 1 : i32
        %parallel_loop3A_224 = arith.index_cast %parallel_loop3A_223 : i32 to index
        %parallel_loop3A_225 = arith.index_cast %parallel_loop3A_142 : i32 to index
        %parallel_loop3A_226 = arith.constant 64 : index
        %parallel_loop3A_227 = tpu.vector_load %arg8[%parallel_loop3A_224, %parallel_loop3A_225, %parallel_loop3A_226] {strides = array<i32>} : memref<2x200x128xf32, #tpu.memory_space<vmem>>, vector<1x1x16xf32>,
        %parallel_loop3A_228 = vector.shape_cast %parallel_loop3A_227 : vector<1x1x16xf32> to vector<16xf32>
        %parallel_loop3A_229 = arith.constant 1 : i32
        %parallel_loop3A_230 = arith.index_cast %parallel_loop3A_229 : i32 to index
        %parallel_loop3A_231 = arith.index_cast %parallel_loop3A_142 : i32 to index
        %parallel_loop3A_232 = arith.constant 64 : index
        %parallel_loop3A_233 = tpu.vector_load %arg9[%parallel_loop3A_230, %parallel_loop3A_231, %parallel_loop3A_232] {strides = array<i32>} : memref<2x200x128xf32, #tpu.memory_space<vmem>>, vector<1x1x16xf32>,
        %parallel_loop3A_234 = vector.shape_cast %parallel_loop3A_233 : vector<1x1x16xf32> to vector<16xf32>
        %parallel_loop3A_235 = arith.mulf %parallel_loop3A_228, %parallel_loop3A_234 : vector<16xf32>
        %parallel_loop3A_236 = arith.constant 1 : i32
        %parallel_loop3A_237 = arith.index_cast %parallel_loop3A_236 : i32 to index
        %parallel_loop3A_238 = arith.index_cast %parallel_loop3A_142 : i32 to index
        %parallel_loop3A_239 = arith.constant 64 : index
        %parallel_loop3A_240 = tpu.vector_load %arg8[%parallel_loop3A_237, %parallel_loop3A_238, %parallel_loop3A_239] {strides = array<i32>} : memref<2x200x128xf32, #tpu.memory_space<vmem>>, vector<1x1x16xf32>,
        %parallel_loop3A_241 = vector.shape_cast %parallel_loop3A_240 : vector<1x1x16xf32> to vector<16xf32>
        %parallel_loop3A_242 = vector.shape_cast %parallel_loop3A_235 : vector<16xf32> to vector<1x1x16xf32>
        tpu.vector_store %arg8[%parallel_loop3A_237, %parallel_loop3A_238, %parallel_loop3A_239], %parallel_loop3A_242 {strides = array<i32>} : memref<2x200x128xf32, #tpu.memory_space<vmem>>, vector<1x1x16xf32>,
        %parallel_loop3A_243 = arith.constant 1 : i32
        %parallel_loop3A_244 = arith.index_cast %parallel_loop3A_243 : i32 to index
        %parallel_loop3A_245 = arith.index_cast %parallel_loop3A_142 : i32 to index
        %parallel_loop3A_246 = arith.constant 80 : index
        %parallel_loop3A_247 = tpu.vector_load %arg8[%parallel_loop3A_244, %parallel_loop3A_245, %parallel_loop3A_246] {strides = array<i32>} : memref<2x200x128xf32, #tpu.memory_space<vmem>>, vector<1x1x16xf32>,
        %parallel_loop3A_248 = vector.shape_cast %parallel_loop3A_247 : vector<1x1x16xf32> to vector<16xf32>
        %parallel_loop3A_249 = arith.constant 1 : i32
        %parallel_loop3A_250 = arith.index_cast %parallel_loop3A_249 : i32 to index
        %parallel_loop3A_251 = arith.index_cast %parallel_loop3A_142 : i32 to index
        %parallel_loop3A_252 = arith.constant 80 : index
        %parallel_loop3A_253 = tpu.vector_load %arg9[%parallel_loop3A_250, %parallel_loop3A_251, %parallel_loop3A_252] {strides = array<i32>} : memref<2x200x128xf32, #tpu.memory_space<vmem>>, vector<1x1x16xf32>,
        %parallel_loop3A_254 = vector.shape_cast %parallel_loop3A_253 : vector<1x1x16xf32> to vector<16xf32>
        %parallel_loop3A_255 = arith.mulf %parallel_loop3A_248, %parallel_loop3A_254 : vector<16xf32>
        %parallel_loop3A_256 = arith.constant 1 : i32
        %parallel_loop3A_257 = arith.index_cast %parallel_loop3A_256 : i32 to index
        %parallel_loop3A_258 = arith.index_cast %parallel_loop3A_142 : i32 to index
        %parallel_loop3A_259 = arith.constant 80 : index
        %parallel_loop3A_260 = tpu.vector_load %arg8[%parallel_loop3A_257, %parallel_loop3A_258, %parallel_loop3A_259] {strides = array<i32>} : memref<2x200x128xf32, #tpu.memory_space<vmem>>, vector<1x1x16xf32>,
        %parallel_loop3A_261 = vector.shape_cast %parallel_loop3A_260 : vector<1x1x16xf32> to vector<16xf32>
        %parallel_loop3A_262 = vector.shape_cast %parallel_loop3A_255 : vector<16xf32> to vector<1x1x16xf32>
        tpu.vector_store %arg8[%parallel_loop3A_257, %parallel_loop3A_258, %parallel_loop3A_259], %parallel_loop3A_262 {strides = array<i32>} : memref<2x200x128xf32, #tpu.memory_space<vmem>>, vector<1x1x16xf32>,
        %parallel_loop3A_263 = arith.constant 1 : i32
        %parallel_loop3A_264 = arith.index_cast %parallel_loop3A_263 : i32 to index
        %parallel_loop3A_265 = arith.index_cast %parallel_loop3A_142 : i32 to index
        %parallel_loop3A_266 = arith.constant 96 : index
        %parallel_loop3A_267 = tpu.vector_load %arg8[%parallel_loop3A_264, %parallel_loop3A_265, %parallel_loop3A_266] {strides = array<i32>} : memref<2x200x128xf32, #tpu.memory_space<vmem>>, vector<1x1x16xf32>,
        %parallel_loop3A_268 = vector.shape_cast %parallel_loop3A_267 : vector<1x1x16xf32> to vector<16xf32>
        %parallel_loop3A_269 = arith.constant 1 : i32
        %parallel_loop3A_270 = arith.index_cast %parallel_loop3A_269 : i32 to index
        %parallel_loop3A_271 = arith.index_cast %parallel_loop3A_142 : i32 to index
        %parallel_loop3A_272 = arith.constant 96 : index
        %parallel_loop3A_273 = tpu.vector_load %arg9[%parallel_loop3A_270, %parallel_loop3A_271, %parallel_loop3A_272] {strides = array<i32>} : memref<2x200x128xf32, #tpu.memory_space<vmem>>, vector<1x1x16xf32>,
        %parallel_loop3A_274 = vector.shape_cast %parallel_loop3A_273 : vector<1x1x16xf32> to vector<16xf32>
        %parallel_loop3A_275 = arith.mulf %parallel_loop3A_268, %parallel_loop3A_274 : vector<16xf32>
        %parallel_loop3A_276 = arith.constant 1 : i32
        %parallel_loop3A_277 = arith.index_cast %parallel_loop3A_276 : i32 to index
        %parallel_loop3A_278 = arith.index_cast %parallel_loop3A_142 : i32 to index
        %parallel_loop3A_279 = arith.constant 96 : index
        %parallel_loop3A_280 = tpu.vector_load %arg8[%parallel_loop3A_277, %parallel_loop3A_278, %parallel_loop3A_279] {strides = array<i32>} : memref<2x200x128xf32, #tpu.memory_space<vmem>>, vector<1x1x16xf32>,
        %parallel_loop3A_281 = vector.shape_cast %parallel_loop3A_280 : vector<1x1x16xf32> to vector<16xf32>
        %parallel_loop3A_282 = vector.shape_cast %parallel_loop3A_275 : vector<16xf32> to vector<1x1x16xf32>
        tpu.vector_store %arg8[%parallel_loop3A_277, %parallel_loop3A_278, %parallel_loop3A_279], %parallel_loop3A_282 {strides = array<i32>} : memref<2x200x128xf32, #tpu.memory_space<vmem>>, vector<1x1x16xf32>,
        %parallel_loop3A_283 = arith.constant 1 : i32
        %parallel_loop3A_284 = arith.index_cast %parallel_loop3A_283 : i32 to index
        %parallel_loop3A_285 = arith.index_cast %parallel_loop3A_142 : i32 to index
        %parallel_loop3A_286 = arith.constant 112 : index
        %parallel_loop3A_287 = tpu.vector_load %arg8[%parallel_loop3A_284, %parallel_loop3A_285, %parallel_loop3A_286] {strides = array<i32>} : memref<2x200x128xf32, #tpu.memory_space<vmem>>, vector<1x1x16xf32>,
        %parallel_loop3A_288 = vector.shape_cast %parallel_loop3A_287 : vector<1x1x16xf32> to vector<16xf32>
        %parallel_loop3A_289 = arith.constant 1 : i32
        %parallel_loop3A_290 = arith.index_cast %parallel_loop3A_289 : i32 to index
        %parallel_loop3A_291 = arith.index_cast %parallel_loop3A_142 : i32 to index
        %parallel_loop3A_292 = arith.constant 112 : index
        %parallel_loop3A_293 = tpu.vector_load %arg9[%parallel_loop3A_290, %parallel_loop3A_291, %parallel_loop3A_292] {strides = array<i32>} : memref<2x200x128xf32, #tpu.memory_space<vmem>>, vector<1x1x16xf32>,
        %parallel_loop3A_294 = vector.shape_cast %parallel_loop3A_293 : vector<1x1x16xf32> to vector<16xf32>
        %parallel_loop3A_295 = arith.mulf %parallel_loop3A_288, %parallel_loop3A_294 : vector<16xf32>
        %parallel_loop3A_296 = arith.constant 1 : i32
        %parallel_loop3A_297 = arith.index_cast %parallel_loop3A_296 : i32 to index
        %parallel_loop3A_298 = arith.index_cast %parallel_loop3A_142 : i32 to index
        %parallel_loop3A_299 = arith.constant 112 : index
        %parallel_loop3A_300 = tpu.vector_load %arg8[%parallel_loop3A_297, %parallel_loop3A_298, %parallel_loop3A_299] {strides = array<i32>} : memref<2x200x128xf32, #tpu.memory_space<vmem>>, vector<1x1x16xf32>,
        %parallel_loop3A_301 = vector.shape_cast %parallel_loop3A_300 : vector<1x1x16xf32> to vector<16xf32>
        %parallel_loop3A_302 = vector.shape_cast %parallel_loop3A_295 : vector<16xf32> to vector<1x1x16xf32>
        tpu.vector_store %arg8[%parallel_loop3A_297, %parallel_loop3A_298, %parallel_loop3A_299], %parallel_loop3A_302 {strides = array<i32>} : memref<2x200x128xf32, #tpu.memory_space<vmem>>, vector<1x1x16xf32>,
      } {sc.loop_unroll_factor = 4 : i64, sc.parallel_access}
      %mul3A_131 = arith.constant 200 : i32
      %mul3A_132 = arith.muli %add3A_101, %mul3A_131 : i32
      %add3A_133 = arith.addi %multiple_of3A, %mul3A_132 : i32
      %run_scoped3A_134 = arith.constant 1 : i32
      "tpu.region"() ({
        %run_scoped3A_142 = tpu.sem_alloc : memref<!tpu.dma_semaphore, #tpu.memory_space<semaphore_mem>>
        %dma_start3A_143 = arith.constant 0 : i32
        %dma_start3A_144 = arith.constant 0 : i32
        %dma_start3A_145 = tpu.memref_slice %arg8[%run_scoped3A_134, %dma_start3A_143, %dma_start3A_144] : memref<2x200x128xf32, #tpu.memory_space<vmem>> -> memref<1x200x128xf32, #tpu.memory_space<vmem>>
        %dma_start3A_146 = tpu.memref_squeeze %dma_start3A_145 : memref<1x200x128xf32, #tpu.memory_space<vmem>> -> memref<200x128xf32, #tpu.memory_space<vmem>>
        %dma_start3A_147 = arith.constant 0 : i32
        %dma_start3A_148 = tpu.memref_slice %arg5[%add3A_133, %dma_start3A_147] : memref<38560x128xf32, #tpu.memory_space<hbm>> -> memref<200x128xf32, #tpu.memory_space<hbm>>
        %dma_start3A_149 = arith.constant 0 : i32
        %dma_start3A_150 = tpu.memref_slice %arg5[%add3A_133, %dma_start3A_149] : memref<38560x128xf32, #tpu.memory_space<hbm>> -> memref<200x128xf32, #tpu.memory_space<hbm>>
        %dma_start3A_151 = arith.constant 0 : i32
        %dma_start3A_152 = arith.constant 0 : i32
        %dma_start3A_153 = tpu.memref_slice %arg8[%run_scoped3A_134, %dma_start3A_151, %dma_start3A_152] : memref<2x200x128xf32, #tpu.memory_space<vmem>> -> memref<1x200x128xf32, #tpu.memory_space<vmem>>
        %dma_start3A_154 = tpu.memref_squeeze %dma_start3A_153 : memref<1x200x128xf32, #tpu.memory_space<vmem>> -> memref<200x128xf32, #tpu.memory_space<vmem>>
        tpu.enqueue_dma source(%dma_start3A_154 : memref<200x128xf32, #tpu.memory_space<vmem>>) target(%dma_start3A_150 : memref<200x128xf32, #tpu.memory_space<hbm>>) target_semaphore(%run_scoped3A_142 : memref<!tpu.dma_semaphore, #tpu.memory_space<semaphore_mem>>)
        %dma_wait3A_155 = arith.constant 0 : i32
        %dma_wait3A_156 = arith.constant 0 : i32
        %dma_wait3A_157 = tpu.memref_slice %arg8[%run_scoped3A_134, %dma_wait3A_155, %dma_wait3A_156] : memref<2x200x128xf32, #tpu.memory_space<vmem>> -> memref<1x200x128xf32, #tpu.memory_space<vmem>>
        %dma_wait3A_158 = tpu.memref_squeeze %dma_wait3A_157 : memref<1x200x128xf32, #tpu.memory_space<vmem>> -> memref<200x128xf32, #tpu.memory_space<vmem>>
        %dma_wait3A_159 = arith.constant 0 : i32
        %dma_wait3A_160 = tpu.memref_slice %arg5[%add3A_133, %dma_wait3A_159] : memref<38560x128xf32, #tpu.memory_space<hbm>> -> memref<200x128xf32, #tpu.memory_space<hbm>>
        %dma_wait3A_161 = arith.constant 0 : i32
        %dma_wait3A_162 = tpu.memref_slice %arg5[%add3A_133, %dma_wait3A_161] : memref<38560x128xf32, #tpu.memory_space<hbm>> -> memref<200x128xf32, #tpu.memory_space<hbm>>
        %dma_wait3A_163 = arith.constant 0 : i32
        %dma_wait3A_164 = arith.constant 0 : i32
        %dma_wait3A_165 = tpu.memref_slice %arg8[%run_scoped3A_134, %dma_wait3A_163, %dma_wait3A_164] : memref<2x200x128xf32, #tpu.memory_space<vmem>> -> memref<1x200x128xf32, #tpu.memory_space<vmem>>
        %dma_wait3A_166 = tpu.memref_squeeze %dma_wait3A_165 : memref<1x200x128xf32, #tpu.memory_space<vmem>> -> memref<200x128xf32, #tpu.memory_space<vmem>>
        tpu.wait_dma2 semaphore(%run_scoped3A_142 : memref<!tpu.dma_semaphore, #tpu.memory_space<semaphore_mem>>) src(%dma_wait3A_166 : memref<200x128xf32, #tpu.memory_space<vmem>>) dst(%dma_wait3A_162 : memref<200x128xf32, #tpu.memory_space<hbm>>)
        tpu.yield
      }) : () -> ()
      %add3A_135 = arith.constant 2 : i32
      %add3A_136 = arith.addi %add3A_101, %add3A_135 : i32
      %lt3A_137 = arith.constant 8 : i32
      %lt3A_138 = arith.cmpi slt, %add3A_136, %lt3A_137 : i32
      %convert_element_type3A_139 = arith.extui %lt3A_138 : i1 to i32
      %cond3A_140 = arith.constant 0 : i32
      %cond3A_141 = arith.cmpi ne, %convert_element_type3A_139, %cond3A_140 : i32
      scf.if %cond3A_141 {
        %add3A_142 = arith.constant 2 : i32
        %add3A_143 = arith.addi %add3A_101, %add3A_142 : i32
        %mul3A_144 = arith.constant 200 : i32
        %mul3A_145 = arith.muli %add3A_143, %mul3A_144 : i32
        %multiple_of3A_146 = tpu.assume_multiple %mul3A_145, 8 : i32
        %dma_start3A_147 = arith.constant 1 : i32
        %dma_start3A_148 = arith.constant 1 : i32
        %dma_start3A_149 = arith.constant 0 : i32
        %dma_start3A_150 = arith.constant 0 : i32
        %dma_start3A_151 = tpu.memref_slice %arg8[%dma_start3A_147, %dma_start3A_149, %dma_start3A_150] : memref<2x200x128xf32, #tpu.memory_space<vmem>> -> memref<1x200x128xf32, #tpu.memory_space<vmem>>
        %dma_start3A_152 = tpu.memref_squeeze %dma_start3A_151 : memref<1x200x128xf32, #tpu.memory_space<vmem>> -> memref<200x128xf32, #tpu.memory_space<vmem>>
        %dma_start3A_153 = tpu.memref_slice %arg6[%multiple_of3A_146] : memref<1600xi32, #tpu.memory_space<vmem>> -> memref<200xi32, #tpu.memory_space<vmem>>
        %dma_start3A_154 = arith.constant 0 : i32
        %dma_start3A_155 = arith.constant 0 : i32
        %dma_start3A_156 = tpu.memref_slice %arg2[%dma_start3A_154, %dma_start3A_155] : memref<10000x128xf32, #tpu.memory_space<hbm>> -> memref<10000x128xf32, #tpu.memory_space<hbm>>
        %dma_start3A_157 = tpu.memref_slice %arg10[%dma_start3A_148] : memref<2x!tpu.dma_semaphore, #tpu.memory_space<semaphore_mem>> -> memref<1x!tpu.dma_semaphore, #tpu.memory_space<semaphore_mem>>
        %dma_start3A_158 = tpu.memref_squeeze %dma_start3A_157 : memref<1x!tpu.dma_semaphore, #tpu.memory_space<semaphore_mem>> -> memref<!tpu.dma_semaphore, #tpu.memory_space<semaphore_mem>>
        tpu.enqueue_indirect_dma source(%dma_start3A_156 : memref<10000x128xf32, #tpu.memory_space<hbm>>) target(%dma_start3A_152 : memref<200x128xf32, #tpu.memory_space<vmem>>) offsets(%dma_start3A_153 : memref<200xi32, #tpu.memory_space<vmem>>) semaphore(%dma_start3A_158 : memref<!tpu.dma_semaphore, #tpu.memory_space<semaphore_mem>>)
        %dma_start3A_159 = arith.constant 1 : i32
        %dma_start3A_160 = arith.constant 1 : i32
        %dma_start3A_161 = arith.constant 0 : i32
        %dma_start3A_162 = arith.constant 0 : i32
        %dma_start3A_163 = tpu.memref_slice %arg9[%dma_start3A_159, %dma_start3A_161, %dma_start3A_162] : memref<2x200x128xf32, #tpu.memory_space<vmem>> -> memref<1x200x128xf32, #tpu.memory_space<vmem>>
        %dma_start3A_164 = tpu.memref_squeeze %dma_start3A_163 : memref<1x200x128xf32, #tpu.memory_space<vmem>> -> memref<200x128xf32, #tpu.memory_space<vmem>>
        %dma_start3A_165 = tpu.memref_slice %arg7[%multiple_of3A_146] : memref<1600xi32, #tpu.memory_space<vmem>> -> memref<200xi32, #tpu.memory_space<vmem>>
        %dma_start3A_166 = arith.constant 0 : i32
        %dma_start3A_167 = arith.constant 0 : i32
        %dma_start3A_168 = tpu.memref_slice %arg2[%dma_start3A_166, %dma_start3A_167] : memref<10000x128xf32, #tpu.memory_space<hbm>> -> memref<10000x128xf32, #tpu.memory_space<hbm>>
        %dma_start3A_169 = tpu.memref_slice %arg11[%dma_start3A_160] : memref<2x!tpu.dma_semaphore, #tpu.memory_space<semaphore_mem>> -> memref<1x!tpu.dma_semaphore, #tpu.memory_space<semaphore_mem>>
        %dma_start3A_170 = tpu.memref_squeeze %dma_start3A_169 : memref<1x!tpu.dma_semaphore, #tpu.memory_space<semaphore_mem>> -> memref<!tpu.dma_semaphore, #tpu.memory_space<semaphore_mem>>
        tpu.enqueue_indirect_dma source(%dma_start3A_168 : memref<10000x128xf32, #tpu.memory_space<hbm>>) target(%dma_start3A_164 : memref<200x128xf32, #tpu.memory_space<vmem>>) offsets(%dma_start3A_165 : memref<200xi32, #tpu.memory_space<vmem>>) semaphore(%dma_start3A_170 : memref<!tpu.dma_semaphore, #tpu.memory_space<semaphore_mem>>)
      } else {
      }
    }
    %scan3A_58 = arith.constant 4 : i32
    return
  }
}

module attributes {stable_mosaic.version = 14 : i64} {
  func.func @head_k(%arg0: i32, %arg1: memref<2560x128xf32, #tpu.memory_space<vmem>>, %arg2: memref<128x128xf32, #tpu.memory_space<vmem>>, %arg3: memref<1x128xf32, #tpu.memory_space<vmem>>, %arg4: memref<2x128xf32, #tpu.memory_space<vmem>>, %arg5: memref<2x1xf32, #tpu.memory_space<vmem>>, %arg6: memref<2x2560xf32, #tpu.memory_space<vmem>>) attributes {dimension_semantics = [#tpu.dimension_semantics<arbitrary>], iteration_bounds = array<i64: 24>, scalar_prefetch = 0 : i64, scratch_operands = 0 : i64, tpu.core_type = #tpu.core_type<tc>, window_params = [{transform_indices = @transform_0, window_bounds = array<i64: 2560, 128>}, {pipeline_mode = #tpu.pipeline_mode<synchronous>, transform_indices = @transform_1, window_bounds = array<i64: 128, 128>}, {pipeline_mode = #tpu.pipeline_mode<synchronous>, transform_indices = @transform_2, window_bounds = array<i64: 1, 128>}, {pipeline_mode = #tpu.pipeline_mode<synchronous>, transform_indices = @transform_3, window_bounds = array<i64: 2, 128>}, {pipeline_mode = #tpu.pipeline_mode<synchronous>, transform_indices = @transform_4, window_bounds = array<i64: 2, 1>}, {transform_indices = @transform_5, window_bounds = array<i64: 2, 2560>}]} {
    %get3A = arith.constant 0 : index
    %get3A_0 = arith.constant 0 : index
    %get3A_1 = vector.load %arg1[%get3A, %get3A_0] : memref<2560x128xf32, #tpu.memory_space<vmem>>, vector<2560x128xf32>
    %get3A_2 = arith.constant 0 : index
    %get3A_3 = arith.constant 0 : index
    %get3A_4 = vector.load %arg2[%get3A_2, %get3A_3] : memref<128x128xf32, #tpu.memory_space<vmem>>, vector<128x128xf32>
    %dot_general3A = arith.constant dense<0.000000e+00> : vector<2560x128xf32>
    %dot_general3A_5 = tpu.matmul %get3A_1, %get3A_4, %dot_general3A {dimension_numbers = #tpu.dot_dimension_numbers<[1], [0], [0], [1], [0, 0, 1, 1], [], []>, transpose_lhs_hint = false} : vector<2560x128xf32>, vector<128x128xf32>, vector<2560x128xf32> -> vector<2560x128xf32>
    %get3A_6 = arith.constant 0 : index
    %get3A_7 = arith.constant 0 : index
    %get3A_8 = vector.load %arg3[%get3A_6, %get3A_7] : memref<1x128xf32, #tpu.memory_space<vmem>>, vector<1x128xf32>
    %add3A = vector.broadcast %get3A_8 : vector<1x128xf32> to vector<2560x128xf32>
    %add3A_9 = arith.addf %dot_general3A_5, %add3A : vector<2560x128xf32>
    %max3A = arith.constant 0.000000e+00 : f32
    %max3A_10 = vector.broadcast %max3A : f32 to vector<2560x128xf32>
    %max3A_11 = arith.maximumf %add3A_9, %max3A_10 : vector<2560x128xf32>
    %get3A_12 = arith.constant 0 : index
    %get3A_13 = arith.constant 0 : index
    %get3A_14 = vector.load %arg4[%get3A_12, %get3A_13] : memref<2x128xf32, #tpu.memory_space<vmem>>, vector<2x128xf32>
    %dot_general3A_15 = arith.constant dense<0.000000e+00> : vector<2x2560xf32>
    %dot_general3A_16 = tpu.matmul %get3A_14, %max3A_11, %dot_general3A_15 {dimension_numbers = #tpu.dot_dimension_numbers<[1], [1], [0], [0], [0, 0, 1, 0], [], []>, transpose_lhs_hint = false} : vector<2x128xf32>, vector<2560x128xf32>, vector<2x2560xf32> -> vector<2x2560xf32>
    %get3A_17 = arith.constant 0 : index
    %get3A_18 = arith.constant 0 : index
    %get3A_19 = vector.load %arg5[%get3A_17, %get3A_18] : memref<2x1xf32, #tpu.memory_space<vmem>>, vector<2x1xf32>
    %add3A_20 = vector.broadcast %get3A_19 : vector<2x1xf32> to vector<2x2560xf32>
    %add3A_21 = arith.addf %dot_general3A_16, %add3A_20 : vector<2x2560xf32>
    %swap3A = arith.constant 0 : index
    %swap3A_22 = arith.constant 0 : index
    %swap3A_23 = vector.load %arg6[%swap3A, %swap3A_22] : memref<2x2560xf32, #tpu.memory_space<vmem>>, vector<2x2560xf32>
    tpu.vector_store %arg6[%swap3A, %swap3A_22], %add3A_21 {strides = array<i32>} : memref<2x2560xf32, #tpu.memory_space<vmem>>, vector<2x2560xf32>,
    return
  }
  func.func @transform_0(%arg0: i32) -> (i32, i32) {
    %c0_i32 = arith.constant 0 : i32
    %c0_i32_0 = arith.constant 0 : i32
    return %arg0, %c0_i32 : i32, i32
  }
  func.func @transform_1(%arg0: i32) -> (i32, i32) {
    %c0_i32 = arith.constant 0 : i32
    %c0_i32_0 = arith.constant 0 : i32
    %c0_i32_1 = arith.constant 0 : i32
    return %c0_i32, %c0_i32_0 : i32, i32
  }
  func.func @transform_2(%arg0: i32) -> (i32, i32) {
    %c0_i32 = arith.constant 0 : i32
    %c0_i32_0 = arith.constant 0 : i32
    %c0_i32_1 = arith.constant 0 : i32
    return %c0_i32, %c0_i32_0 : i32, i32
  }
  func.func @transform_3(%arg0: i32) -> (i32, i32) {
    %c0_i32 = arith.constant 0 : i32
    %c0_i32_0 = arith.constant 0 : i32
    %c0_i32_1 = arith.constant 0 : i32
    return %c0_i32, %c0_i32_0 : i32, i32
  }
  func.func @transform_4(%arg0: i32) -> (i32, i32) {
    %c0_i32 = arith.constant 0 : i32
    %c0_i32_0 = arith.constant 0 : i32
    %c0_i32_1 = arith.constant 0 : i32
    return %c0_i32, %c0_i32_0 : i32, i32
  }
  func.func @transform_5(%arg0: i32) -> (i32, i32) {
    %c0_i32 = arith.constant 0 : i32
    %c0_i32_0 = arith.constant 0 : i32
    return %c0_i32, %arg0 : i32, i32
  }
}

module attributes {stable_mosaic.version = 14 : i64} {
  func.func @head_k(%arg0: i32, %arg1: memref<2560x128xf32, #tpu.memory_space<vmem>>, %arg2: memref<128x128xf32, #tpu.memory_space<vmem>>, %arg3: memref<1x128xf32, #tpu.memory_space<vmem>>, %arg4: memref<2x128xf32, #tpu.memory_space<vmem>>, %arg5: memref<2x1xf32, #tpu.memory_space<vmem>>, %arg6: memref<2x2560xf32, #tpu.memory_space<vmem>>) attributes {dimension_semantics = [#tpu.dimension_semantics<arbitrary>], iteration_bounds = array<i64: 16>, scalar_prefetch = 0 : i64, scratch_operands = 0 : i64, tpu.core_type = #tpu.core_type<tc>, window_params = [{transform_indices = @transform_0, window_bounds = array<i64: 2560, 128>}, {pipeline_mode = #tpu.pipeline_mode<synchronous>, transform_indices = @transform_1, window_bounds = array<i64: 128, 128>}, {pipeline_mode = #tpu.pipeline_mode<synchronous>, transform_indices = @transform_2, window_bounds = array<i64: 1, 128>}, {pipeline_mode = #tpu.pipeline_mode<synchronous>, transform_indices = @transform_3, window_bounds = array<i64: 2, 128>}, {pipeline_mode = #tpu.pipeline_mode<synchronous>, transform_indices = @transform_4, window_bounds = array<i64: 2, 1>}, {transform_indices = @transform_5, window_bounds = array<i64: 2, 2560>}]} {
    %get3A = arith.constant 0 : index
    %get3A_0 = arith.constant 0 : index
    %get3A_1 = vector.load %arg1[%get3A, %get3A_0] : memref<2560x128xf32, #tpu.memory_space<vmem>>, vector<2560x128xf32>
    %get3A_2 = arith.constant 0 : index
    %get3A_3 = arith.constant 0 : index
    %get3A_4 = vector.load %arg2[%get3A_2, %get3A_3] : memref<128x128xf32, #tpu.memory_space<vmem>>, vector<128x128xf32>
    %dot_general3A = arith.constant dense<0.000000e+00> : vector<2560x128xf32>
    %dot_general3A_5 = tpu.matmul %get3A_1, %get3A_4, %dot_general3A {dimension_numbers = #tpu.dot_dimension_numbers<[1], [0], [0], [1], [0, 0, 1, 1], [], []>, transpose_lhs_hint = false} : vector<2560x128xf32>, vector<128x128xf32>, vector<2560x128xf32> -> vector<2560x128xf32>
    %get3A_6 = arith.constant 0 : index
    %get3A_7 = arith.constant 0 : index
    %get3A_8 = vector.load %arg3[%get3A_6, %get3A_7] : memref<1x128xf32, #tpu.memory_space<vmem>>, vector<1x128xf32>
    %add3A = vector.broadcast %get3A_8 : vector<1x128xf32> to vector<2560x128xf32>
    %add3A_9 = arith.addf %dot_general3A_5, %add3A : vector<2560x128xf32>
    %max3A = arith.constant 0.000000e+00 : f32
    %max3A_10 = vector.broadcast %max3A : f32 to vector<2560x128xf32>
    %max3A_11 = arith.maximumf %add3A_9, %max3A_10 : vector<2560x128xf32>
    %get3A_12 = arith.constant 0 : index
    %get3A_13 = arith.constant 0 : index
    %get3A_14 = vector.load %arg4[%get3A_12, %get3A_13] : memref<2x128xf32, #tpu.memory_space<vmem>>, vector<2x128xf32>
    %dot_general3A_15 = arith.constant dense<0.000000e+00> : vector<2x2560xf32>
    %dot_general3A_16 = tpu.matmul %get3A_14, %max3A_11, %dot_general3A_15 {dimension_numbers = #tpu.dot_dimension_numbers<[1], [1], [0], [0], [0, 0, 1, 0], [], []>, transpose_lhs_hint = false} : vector<2x128xf32>, vector<2560x128xf32>, vector<2x2560xf32> -> vector<2x2560xf32>
    %get3A_17 = arith.constant 0 : index
    %get3A_18 = arith.constant 0 : index
    %get3A_19 = vector.load %arg5[%get3A_17, %get3A_18] : memref<2x1xf32, #tpu.memory_space<vmem>>, vector<2x1xf32>
    %add3A_20 = vector.broadcast %get3A_19 : vector<2x1xf32> to vector<2x2560xf32>
    %add3A_21 = arith.addf %dot_general3A_16, %add3A_20 : vector<2x2560xf32>
    %swap3A = arith.constant 0 : index
    %swap3A_22 = arith.constant 0 : index
    %swap3A_23 = vector.load %arg6[%swap3A, %swap3A_22] : memref<2x2560xf32, #tpu.memory_space<vmem>>, vector<2x2560xf32>
    tpu.vector_store %arg6[%swap3A, %swap3A_22], %add3A_21 {strides = array<i32>} : memref<2x2560xf32, #tpu.memory_space<vmem>>, vector<2x2560xf32>,
    return
  }
  func.func @transform_0(%arg0: i32) -> (i32, i32) {
    %c0_i32 = arith.constant 0 : i32
    %c0_i32_0 = arith.constant 0 : i32
    return %arg0, %c0_i32 : i32, i32
  }
  func.func @transform_1(%arg0: i32) -> (i32, i32) {
    %c0_i32 = arith.constant 0 : i32
    %c0_i32_0 = arith.constant 0 : i32
    %c0_i32_1 = arith.constant 0 : i32
    return %c0_i32, %c0_i32_0 : i32, i32
  }
  func.func @transform_2(%arg0: i32) -> (i32, i32) {
    %c0_i32 = arith.constant 0 : i32
    %c0_i32_0 = arith.constant 0 : i32
    %c0_i32_1 = arith.constant 0 : i32
    return %c0_i32, %c0_i32_0 : i32, i32
  }
  func.func @transform_3(%arg0: i32) -> (i32, i32) {
    %c0_i32 = arith.constant 0 : i32
    %c0_i32_0 = arith.constant 0 : i32
    %c0_i32_1 = arith.constant 0 : i32
    return %c0_i32, %c0_i32_0 : i32, i32
  }
  func.func @transform_4(%arg0: i32) -> (i32, i32) {
    %c0_i32 = arith.constant 0 : i32
    %c0_i32_0 = arith.constant 0 : i32
    %c0_i32_1 = arith.constant 0 : i32
    return %c0_i32, %c0_i32_0 : i32, i32
  }
  func.func @transform_5(%arg0: i32) -> (i32, i32) {
    %c0_i32 = arith.constant 0 : i32
    %c0_i32_0 = arith.constant 0 : i32
    return %c0_i32, %arg0 : i32, i32
  }
}

</mosaic_0001>

<sc_bundles>
// kernel: kernel.6.cloned.1.call-start
scs
__scs_entry_jumppad:
0x0: {  	(pc) =	sbr.rel $0x88, $3  }
0x1: {  	(tag) =	ssettag $0x0;
	lr =	simm.s32 $0x1  }
0x2: {  	[smem:$0x3F9B] =	sst lr;
	_ =	strace $0xD0000000  }
0x3: {  	_ = 	snop  }
0x4: {  	_ = 	snop  }
0x5: {  	_ = 	snop  }
0x6: {  	_ = 	snop  }
0x7: {  	_ = 	snop  }
__scs_overlays_trampoline_lowered:
0x8: {  	[smem:$0x3FAA] =	sst s0  }
0x9: {  	[smem:$0x3FAB] =	sst s1  }
0xa: {  	[smem:$0x3FAC] =	sst s2  }
0xb: {  	[smem:$0x3FAD] =	sst s3  }
0xc: {  	[smem:$0x3FAE] =	sst s4  }
0xd: {  	[smem:$0x3FAF] =	sst s5  }
0xe: {  	[smem:$0x3FB0] =	sst s6  }
0xf: {  	[smem:$0x3FB1] =	sst s7  }
0x10: {  	[smem:$0x3FB2] =	sst s8  }
0x11: {  	[smem:$0x3FB3] =	sst s9;
	s0 =	simm.s32 @!p0 $0x0  }
0x12: {  	s1 =	sld [smem:$0x3F99];
	s0 =	simm.s32 @p0 $0x1  }
0x13: {  	[smem:$0x3FB4] =	sst s0;
	s0 =	simm.s32 @!p1 $0x0  }
0x14: {  	s2 =	sld [smem:$0x3F98];
	s0 =	simm.s32 @p1 $0x1  }
0x15: {  	[smem:$0x3FB5] =	sst s0;
	s0 =	simm.s32 @!p2 $0x0  }
0x16: {  	s3 =	sld [smem:$0x3FDB];
	s0 =	simm.s32 @p2 $0x1  }
0x17: {  	s4 =	simm.s32 $0x1BF5;
	[smem:$0x3FB7] =	sst s0  }
0x18: {  	s0 =	sld [smem:$0x3F9A];
	_ =	swait.ge [sflag:s4], $0x0  }
0x19: {  	s7 =	sld [smem:$0x3F9B]  }
0x1a: {  	s8 =	sadd.s32 $0xFFFFE003, lr  }
0x1b: {  	s9 =	sadd.s32 $0xFFFFFEF7, lr;
	s5 =	simm.s32 $0xFFFFFFFF;
	p2 =	slt.u32 s8, $0xFFFFF086  }
0x1c: {  	p1 =	slt.u32 s9, $0xF7A;
	s5 =	simm.s32 @!p2 $0x0  }
0x1d: {  	s5 =	simm.s32 @p1 $0x1;
	p0 =	seq.s32 s7, s2  }
0x1e: {  	s7 =	smul.u32 @!p0 $0xF7A, s2;
	p2 =	seq.s32 @!p0 s5, $0x0  }
0x1f: {  	s9 =	smul.u32 $0xF7A, s1;
	s8 =	simm.s32 @!p0 $0x1BF5;
	p2 =	por !p2, p0  }
0x20: {  	[sflag:s8] =	ssyncset.s32 @!p0 $0xFFFFF086;
	s6 =	sadd.s32 @!p0 s3, s7;
	s7 =	simm.s32 @!p0 $0x108  }
0x21: {  	s3 =	sadd.s32 s3, s9;
	s6 =	sadd.s32 @!p0 $0x88, s6;
	s7 =	simm.s32 @p2 $0x1082  }
0x22: {  	[simem:s7], [sflag:s8] =	dma.local @!p0 [hbm:s6], $0xF7A  }
0x23: {  	s9 =	sor.u32 $0xD0000000, s2;
	s6 =	simm.s32 $0x108;
	_ =	swait.ge @!p0 [sflag:s8], $0x0  }
0x24: {  	s3 =	sadd.s32 $0x88, s3;
	s6 =	simm.s32 @!p1 $0x1082;
	[sflag:s4] =	ssyncset.s32 $0xFFFFF086  }
0x25: {  	[simem:s6], [sflag:s4] =	dma.local [hbm:s3], $0xF7A  }
0x26: {  	[smem:$0x3F9B] =	sst s1;
	(tag) =	ssettag s2;
	_ =	strace s9  }
0x27: {  	s1 =	sld [smem:$0x3FAB]  }
0x28: {  	s2 =	sld [smem:$0x3FAC]  }
0x29: {  	s4 =	sld [smem:$0x3FAE]  }
0x2a: {  	p0 =	seq.s32 s5, $0x0;
	s5 =	sld [smem:$0x3FAF]  }
0x2b: {  	s6 =	sld [smem:$0x3FB0]  }
0x2c: {  	s7 =	sld [smem:$0x3FB1]  }
0x2d: {  	s3 =	simm.s32 $0x108;
	s8 =	sld [smem:$0x3FB2]  }
0x2e: {  	s3 =	simm.s32 @!p0 $0x1082;
	s9 =	sld [smem:$0x3FB3]  }
0x2f: {  	lr =	sadd.s32 s0, s3;
	s0 =	sld [smem:$0x3FAA]  }
0x30: {  	s3 =	sld [smem:$0x3FAD]  }
0x31: {  	[smem:$0x3FB6] =	sst s10  }
0x32: {  	s10 =	sld [smem:$0x3FB4];
	_ =	sdelay $0x3  }
0x33: {  	p0 =	seq.s32 s10, $0x1;
	s10 =	sld [smem:$0x3FB6];
	_ =	sdelay $0x3  }
0x34: {  	[smem:$0x3FB6] =	sst s10  }
0x35: {  	s10 =	sld [smem:$0x3FB5];
	_ =	sdelay $0x3  }
0x36: {  	p1 =	seq.s32 s10, $0x1;
	s10 =	sld [smem:$0x3FB6];
	_ =	sdelay $0x3  }
0x37: {  	[smem:$0x3FB6] =	sst s10  }
0x38: {  	s10 =	sld [smem:$0x3FB7]  }
0x39: {  	_ = 	snop;
	(pc) =	sbr.ind lr, $3  }
0x3a: {  	_ = 	snop  }
0x3b: {  	_ = 	snop  }
0x3c: {  	p2 =	seq.s32 s10, $0x1;
	s10 =	sld [smem:$0x3FB6]  }
0x3d: {  	_ =	shalt  }
0x3e: {  	_ =	shalt  }
0x3f: {  	_ =	shalt  }
0x40: {  	_ =	shalt  }
0x41: {  	_ =	shalt  }
0x42: {  	_ =	shalt  }
0x43: {  	_ =	shalt  }
0x44: {  	_ =	shalt  }
0x45: {  	_ =	shalt  }
0x46: {  	_ =	shalt  }
0x47: {  	_ =	shalt  }
0x48: {  	_ =	shalt  }
0x49: {  	_ =	shalt  }
0x4a: {  	_ =	shalt  }
0x4b: {  	_ =	shalt  }
0x4c: {  	_ =	shalt  }
0x4d: {  	_ =	shalt  }
0x4e: {  	_ =	shalt  }
0x4f: {  	_ =	shalt  }
0x50: {  	_ =	shalt  }
0x51: {  	_ =	shalt  }
0x52: {  	_ =	shalt  }
0x53: {  	_ =	shalt  }
0x54: {  	_ =	shalt  }
0x55: {  	_ =	shalt  }
0x56: {  	_ =	shalt  }
0x57: {  	_ =	shalt  }
0x58: {  	_ =	shalt  }
0x59: {  	_ =	shalt  }
0x5a: {  	_ =	shalt  }
0x5b: {  	_ =	shalt  }
0x5c: {  	_ =	shalt  }
0x5d: {  	_ =	shalt  }
0x5e: {  	_ =	shalt  }
0x5f: {  	_ =	shalt  }
0x60: {  	_ =	shalt  }
0x61: {  	_ =	shalt  }
0x62: {  	_ =	shalt  }
0x63: {  	_ =	shalt  }
0x64: {  	_ =	shalt  }
0x65: {  	_ =	shalt  }
0x66: {  	_ =	shalt  }
0x67: {  	_ =	shalt  }
0x68: {  	_ =	shalt  }
0x69: {  	_ =	shalt  }
0x6a: {  	_ =	shalt  }
0x6b: {  	_ =	shalt  }
0x6c: {  	_ =	shalt  }
0x6d: {  	_ =	shalt  }
0x6e: {  	_ =	shalt  }
0x6f: {  	_ =	shalt  }
0x70: {  	_ =	shalt  }
0x71: {  	_ =	shalt  }
0x72: {  	_ =	shalt  }
0x73: {  	_ =	shalt  }
0x74: {  	_ =	shalt  }
0x75: {  	_ =	shalt  }
0x76: {  	_ =	shalt  }
0x77: {  	_ =	shalt  }
0x78: {  	_ =	shalt  }
0x79: {  	_ =	shalt  }
0x7a: {  	_ =	shalt  }
0x7b: {  	_ =	shalt  }
0x7c: {  	_ =	shalt  }
0x7d: {  	_ =	shalt  }
0x7e: {  	_ =	shalt  }
0x7f: {  	_ =	shalt  }
0x80: {  	_ =	shalt  }
0x81: {  	_ =	shalt  }
0x82: {  	_ =	shalt  }
0x83: {  	_ =	shalt  }
0x84: {  	_ =	shalt  }
0x85: {  	_ =	shalt  }
0x86: {  	_ =	shalt  }
0x87: {  	_ =	shalt  }
.Lfunc_end0:
.L_simem_size_0:
called_computation_lowered:
.L_overlay_start_0:
0x88: {  	s2 =	sld [smem:$0x3FD9]  }
0x89: {  	s3 =	sld [smem:$0x3FFE];
	_ =	sdelay $0x1  }
0x8a: {  	s1 =	srdreg.scid  }
0x8b: {  	s0 =	sand.u32 $0x1, s1  }
0x8c: {  	s17 =	sshll.u32 s0, $0xA;
	s2 =	sadd.s32 s3, s2  }
0x8d: {  	s2 =	sadd.s32 s2, s17  }
0x8e: {  	[smem:$0x3FC2] =	sst s2  }
0x8f: {  	_ = 	snop  }
0x90: {  	s2 =	sld [smem:$0x3FC9]  }
0x91: {  	s18 =	sld [smem:$0x3FD0];
	(tm) =	ssettm $0x1  }
0x92: {  	s4 =	sld [smem:$0x3FFB];
	_ =	sdelay $0x3  }
0x93: {  	_ =	strace s4  }
0x94: {  	s4 =	sld [smem:$0x3FFC];
	_ =	sdelay $0x3  }
0x95: {  	_ =	strace s4  }
0x96: {  	s4 =	sld [smem:$0x3FFD];
	_ =	sdelay $0x3  }
0x97: {  	_ =	strace s4  }
0x98: {  	_ =	strace $0x8FFFFFFF  }
0x99: {  	s19 =	sld [smem:$0x3FDB];
	_ =	sdelay $0x1  }
0x9a: {  	s5 =	simm.s32 $_scs_section_size  }
0x9b: {  	s6 =	simm.s32 $_size__tile_overlayer_lowered;
	s7 =	simm.s32 $_tile_overlayer_lowered  }
0x9c: {  	s22 =	simm.s32 $0x1BFF;
	s21 =	sshll.u32 s7, $0x1;
	s4 =	sadd.s32 s5, s19  }
0x9d: {  	s8 =	simm.s32 $0x0;
	s20 =	sshll.u32 s6, $0x1;
	s6 =	sadd.s32 s21, s4  }
0x9e: {  	[timem:s8], [sflag:s22] =	dma.local [hbm:s6], s20  }
0x9f: {  	_ =	swait.ge [sflag:s22], s20  }
0xa0: {  	s5 =	ssub.s32 $0x0, s20;
	[sflag:s22] =	ssyncset.done $0x0  }
0xa1: {  	[sflag:s22] =	ssyncadd.s32 s5;
	_ =	sdelay $0x1  }
0xa2: {  	s23 =	simm.s32 $0x1B8B  }
0xa3: {  	_ =	swait.ge [sflag:s23], $0x1  }
0xa4: {  	[sflag:s23] =	ssyncset.done $0x0  }
0xa5: {  	s25 =	simm.s32 $0x1B8E;
	s24 =	sld [smem:$0x3FFE];
	[sflag:s23] =	ssyncadd.s32 $0xFFFFFFFF  }
0xa6: {  	s26 =	simm.s32 $execute0_lowered;
	[smem:$0x3FD2] =	sst s25  }
0xa7: {  	s6 =	sshll.u32 s26, $0x1;
	_ =	strace $0x80000046;
	[dreg:$0x1] =	wrdreg $0xFFFFFFFF  }
0xa8: {  	s28 =	simm.s32 $_size_execute0_lowered;
	s4 =	sadd.s32 s4, s6;
	[dreg:$0x0] =	wrdreg $0x0  }
0xa9: {  	s6 =	sshll.u32 s28, $0x1;
	[dreg:$0x2] =	wrdreg s4  }
0xaa: {  	[dreg:$0x3] =	wrdreg s6  }
0xab: {  	[dreg:$0x4] =	wrdreg $0xC0  }
0xac: {  	_ =	task [dreg:s8], $0x5FFFF  }
0xad: {  	[dreg:$0x1] =	wrdreg $0xFFFFFFFF  }
0xae: {  	[dreg:$0x0] =	wrdreg $0x60  }
0xaf: {  	[dreg:$0x2] =	wrdreg s2  }
0xb0: {  	[dreg:$0x3] =	wrdreg s24  }
0xb1: {  	[dreg:$0x4] =	wrdreg s18  }
0xb2: {  	[dreg:$0x5] =	wrdreg $0x9  }
0xb3: {  	_ =	task.clear_ibuf [dreg:s8], $0x6FFFF;
	_ =	strace $0x90000046  }
0xb4: {  	s29 =	simm.s32 $0x9;
	_ =	strace $0x80000048  }
0xb5: {  	_ =	swait.ge [sflag:s29], $0x1  }
0xb6: {  	[sflag:s29] =	ssyncadd.s32 $0xFFFFFFFF  }
0xb7: {  	_ =	strace $0x90000048  }
0xb8: {  	_ =	sfence  }
0xb9: {  	s30 =	sld [smem:$0x0];
	_ =	sdelay $0x2  }
0xba: {  	s31 =	sshll.u32 s1, $0xD;
	s1 =	sshrl.u32 s1, $0x2  }
0xbb: {  	s3 =	sand.u32 $0x4000, s31;
	s1 =	sadd.s32 s1, s30  }
0xbc: {  	s0 =	sor.u32 s3, s0;
	s1 =	sshll.u32 s1, $0x11  }
0xbd: {  	s0 =	sor.u32 s1, s0  }
0xbe: {  	s0 =	sadd.s32 $0x8F2B, s0  }
0xbf: {  	[sflag:s0] =	ssyncadd.remote.s32 $0x1  }
0xc0: {  	_ =	sfence.sel $0xFFFF  }
0xc1: {  	[dreg:$0x0] =	wrdreg $0xFFFFFFFF;
	(pc) =	sbr.abs _section_cstart, $3  }
0xc2: {  	[dreg:$0x1] =	wrdreg $0xFFFFFFFF  }
0xc3: {  	_ =	task.clear_ibuf [dreg:s8], $0x2FFFF;
	_ =	strace $0x9FFFFFFF  }
0xc4: {  	(tm) =	ssettm $0x7FFFFFFF  }
0xc5: {  	_ =	shalt  }
tec
execute0_lowered:
.L_overlay_start_1:
0x0: {  	(tag) =	ssettag $0x1  }
0x1: {  	s1 =	rddreg [dreg:$0x0];
	s2 =	srdreg.scid  }
0x2: {  	s0 =	stileid.u32;
	s5 =	rddreg [dreg:$0x1]  }
0x3: {  	s7 =	rddreg [dreg:$0x2];
	s3 =	simm.s32 $0x0;
	s11 =	simm.s32 $0x680  }
0x4: {  	s12 =	simm.s32 $0xC8;
	s13 =	simm.s32 $0xD00;
	s14 =	simm.s32 $0xD500  }
0x5: {  	s15 =	simm.s32 $0x7100;
	s16 =	simm.s32 $0x748;
	s17 =	simm.s32 $0x13900  }
0x6: {  	s18 =	simm.s32 $0x1;
	s6 =	sand.u32 $0x1, s2;
	s31 =	sshll.u32 s0, $0x1  }
0x7: {  	s19 =	simm.s32 $0x3;
	s20 =	simm.s32 $0x2;
	s4 =	sor.u32 s6, s31  }
0x8: {  	s21 =	simm.s32 $0x4;
	s22 =	simm.s32 $0x0;
	s4 =	smul.u32 $0x640, s4  }
.Ltmp0:
0x9: {  	s2 =	rddreg [dreg:$0x3];
	s6 =	ssub.s32 $0x2, s6;
	(pc) =	sbr.rel .LBB2_1-.Ltmp0, $4  }
0xa: {  	[smem:$0x7FF] =	sst s3;
	s10 =	sshrl.u32 s6, $0x1;
	s8 =	sshrl.u32 s4, $0x3  }
0xb: {  	_ =	strace $0x80000047;
	s10 =	ssub.s32 s6, s10;
	s9 =	sadd.s32 s8, s5  }
0xc: {  	s5 =	sadd.s32 $0x2C00, s5;
	s7 =	sadd.s32 s7, s8;
	s8 =	sadd.s32 $0xC8, s4  }
0xd: {  	s6 =	sadd.s32 $0xE00, s9;
	s9 =	smax.u32 s10, $0x1;
	s10 =	simm.s32 $0x5  }
.LBB2_8:
0xe: {  	s22 =	sadd.s32 $0x1, s22  }
0xf: {  	p0 =	sne.s32 s22, s9  }
.Ltmp1:
0x10: {  	_ = 	snop;
	(pc) =	sbr.rel @!p0 .LBB2_9-.Ltmp1, $1  }
0x11: {  	_ =	sdelay $0x3  }
.LBB2_1:
0x12: {  	[tilespmem:s3], [sflag:$0x5] =	stream.linear.gather [hbm4b:s6+s3], $0x640, $0x38;
	[tilespmem:$0x19D00] =	vst v63  }
0x13: {  	_ =	swait.ge [sflag:s10], $0x640  }
0x14: {  	[sflag:s10] =	ssyncset.done $0x0  }
0x15: {  	[sflag:s10] =	ssyncadd.s32 $0xFFFFF9C0  }
0x16: {  	[tilespmem:s11], [sflag:$0x5] =	stream.linear.gather [hbm4b:s7+s3], $0x640, $0x38;
	[tilespmem:$0x19D00] =	vst v63  }
0x17: {  	_ =	swait.ge [sflag:s10], $0x640  }
0x18: {  	[sflag:s10] =	ssyncset.done $0x0  }
0x19: {  	[sflag:s10] =	ssyncadd.s32 $0xFFFFF9C0  }
0x1a: {  	[tilespmem:s13], [sflag:$0x1] =	stream.indirect.gather [hbm4b:s1+s12], $0x80, s3, s12, $0xb8;
	[tilespmem:$0x19D00] =	vst v63  }
0x1b: {  	_ = 	snop  }
0x1c: {  	[tilespmem:s14], [sflag:$0x3] =	stream.indirect.gather [hbm4b:s1+s12], $0x80, s11, s12, $0xb8;
	[tilespmem:$0x19D00] =	vst v63  }
0x1d: {  	_ = 	snop  }
0x1e: {  	[tilespmem:s15], [sflag:$0x2] =	stream.indirect.gather [hbm4b:s1+s12], $0x80, s12, s12, $0xb8;
	[tilespmem:$0x19D00] =	vst v63  }
0x1f: {  	s23 =	simm.s32 $0x0  }
0x20: {  	[tilespmem:s17], [sflag:$0x4] =	stream.indirect.gather [hbm4b:s1+s12], $0x80, s16, s12, $0xb8;
	[tilespmem:$0x19D00] =	vst v63  }
.LBB2_2:
0x21: {  	_ =	swait.ge [sflag:s18], $0x6400  }
0x22: {  	[sflag:s18] =	ssyncset.done $0x0  }
0x23: {  	[sflag:s18] =	ssyncadd.s32 $0xFFFF9C00  }
0x24: {  	_ =	swait.ge [sflag:s19], $0x6400  }
0x25: {  	[sflag:s19] =	ssyncset.done $0x0  }
0x26: {  	s25 =	simm.s32 $0xE00;
	[sflag:s19] =	ssyncadd.s32 $0xFFFF9C00  }
0x27: {  	s24 =	simm.s32 $0xD600;
	v0 =	vld [tilespmem:s25+$0x80]  }
0x28: {  	v1 =	vld [tilespmem:s24+$0x80]  }
0x29: {  	v2 =	vld [tilespmem:s25+$0xFFFFFF80]  }
0x2a: {  	v3 =	vld [tilespmem:s24+$0xFFFFFF80]  }
0x2b: {  	v4 =	vld [tilespmem:s25+$0x0]  }
0x2c: {  	v5 =	vld [tilespmem:s24+$0x0]  }
0x2d: {  	v6 =	vld [tilespmem:s25+$0xFFFFFF00];
	v0 =	vmul.f32 v1, v0  }
0x2e: {  	v1 =	vld [tilespmem:s24+$0xFFFFFF00]  }
0x2f: {  	[tilespmem:s25+$0x80] =	vst v0;
	v0 =	vld [tilespmem:s25+$0x90]  }
0x30: {  	v2 =	vmul.f32 v3, v2;
	v3 =	vld [tilespmem:s24+$0x90]  }
0x31: {  	v7 =	vld [tilespmem:s25+$0xFFFFFF10]  }
0x32: {  	[tilespmem:s25+$0xFFFFFF80] =	vst v2;
	v2 =	vmul.f32 v5, v4;
	v4 =	vld [tilespmem:s25+$0xFFFFFF90]  }
0x33: {  	v5 =	vld [tilespmem:s24+$0xFFFFFF90];
	v1 =	vmul.f32 v1, v6  }
0x34: {  	[tilespmem:s25+$0x0] =	vst v2;
	v2 =	vld [tilespmem:s25+$0x10]  }
0x35: {  	v6 =	vld [tilespmem:s24+$0x10];
	[tilespmem:s25+$0xFFFFFF00] =	vst v1;
	v0 =	vmul.f32 v3, v0  }
0x36: {  	v1 =	vld [tilespmem:s24+$0xFFFFFF10]  }
0x37: {  	[tilespmem:s25+$0x90] =	vst v0;
	v0 =	vld [tilespmem:s25+$0xA0]  }
0x38: {  	v3 =	vmul.f32 v5, v4;
	v4 =	vld [tilespmem:s24+$0xA0]  }
0x39: {  	v5 =	vld [tilespmem:s25+$0xFFFFFF20]  }
0x3a: {  	[tilespmem:s25+$0xFFFFFF90] =	vst v3;
	v2 =	vmul.f32 v6, v2;
	v3 =	vld [tilespmem:s25+$0xFFFFFFA0]  }
0x3b: {  	v6 =	vld [tilespmem:s24+$0xFFFFFFA0];
	v1 =	vmul.f32 v1, v7  }
0x3c: {  	[tilespmem:s25+$0x10] =	vst v2;
	v2 =	vld [tilespmem:s25+$0x20]  }
0x3d: {  	v7 =	vld [tilespmem:s24+$0x20];
	[tilespmem:s25+$0xFFFFFF10] =	vst v1;
	v0 =	vmul.f32 v4, v0  }
0x3e: {  	v1 =	vld [tilespmem:s24+$0xFFFFFF20]  }
0x3f: {  	[tilespmem:s25+$0xA0] =	vst v0;
	v0 =	vld [tilespmem:s25+$0xB0]  }
0x40: {  	v3 =	vmul.f32 v6, v3;
	v4 =	vld [tilespmem:s24+$0xB0]  }
0x41: {  	v6 =	vld [tilespmem:s25+$0xFFFFFF30]  }
0x42: {  	[tilespmem:s25+$0xFFFFFFA0] =	vst v3;
	v2 =	vmul.f32 v7, v2;
	v3 =	vld [tilespmem:s25+$0xFFFFFFB0]  }
0x43: {  	v7 =	vld [tilespmem:s24+$0xFFFFFFB0];
	v1 =	vmul.f32 v1, v5  }
0x44: {  	[tilespmem:s25+$0x20] =	vst v2;
	v2 =	vld [tilespmem:s25+$0x30]  }
0x45: {  	v5 =	vld [tilespmem:s24+$0x30];
	[tilespmem:s25+$0xFFFFFF20] =	vst v1;
	v0 =	vmul.f32 v4, v0  }
0x46: {  	v1 =	vld [tilespmem:s24+$0xFFFFFF30]  }
0x47: {  	[tilespmem:s25+$0xB0] =	vst v0;
	v0 =	vld [tilespmem:s25+$0xC0]  }
0x48: {  	v3 =	vmul.f32 v7, v3;
	v4 =	vld [tilespmem:s24+$0xC0]  }
0x49: {  	v7 =	vld [tilespmem:s25+$0xFFFFFF40]  }
0x4a: {  	[tilespmem:s25+$0xFFFFFFB0] =	vst v3;
	v2 =	vmul.f32 v5, v2;
	v3 =	vld [tilespmem:s25+$0xFFFFFFC0]  }
0x4b: {  	v5 =	vld [tilespmem:s24+$0xFFFFFFC0];
	v1 =	vmul.f32 v1, v6  }
0x4c: {  	[tilespmem:s25+$0x30] =	vst v2;
	v2 =	vld [tilespmem:s25+$0x40]  }
0x4d: {  	v6 =	vld [tilespmem:s24+$0x40];
	[tilespmem:s25+$0xFFFFFF30] =	vst v1;
	v0 =	vmul.f32 v4, v0  }
0x4e: {  	v1 =	vld [tilespmem:s24+$0xFFFFFF40]  }
0x4f: {  	[tilespmem:s25+$0xC0] =	vst v0;
	v0 =	vld [tilespmem:s25+$0xD0]  }
0x50: {  	v3 =	vmul.f32 v5, v3;
	v4 =	vld [tilespmem:s24+$0xD0]  }
0x51: {  	v5 =	vld [tilespmem:s25+$0xFFFFFF50]  }
0x52: {  	[tilespmem:s25+$0xFFFFFFC0] =	vst v3;
	v2 =	vmul.f32 v6, v2;
	v3 =	vld [tilespmem:s25+$0xFFFFFFD0]  }
0x53: {  	v6 =	vld [tilespmem:s24+$0xFFFFFFD0];
	v1 =	vmul.f32 v1, v7  }
0x54: {  	[tilespmem:s25+$0x40] =	vst v2;
	v2 =	vld [tilespmem:s25+$0x50]  }
0x55: {  	v7 =	vld [tilespmem:s24+$0x50];
	[tilespmem:s25+$0xFFFFFF40] =	vst v1;
	v0 =	vmul.f32 v4, v0  }
0x56: {  	v1 =	vld [tilespmem:s24+$0xFFFFFF50]  }
0x57: {  	[tilespmem:s25+$0xD0] =	vst v0;
	v0 =	vld [tilespmem:s25+$0xE0]  }
0x58: {  	v3 =	vmul.f32 v6, v3;
	v4 =	vld [tilespmem:s24+$0xE0]  }
0x59: {  	v6 =	vld [tilespmem:s25+$0xFFFFFF60]  }
0x5a: {  	[tilespmem:s25+$0xFFFFFFD0] =	vst v3;
	v2 =	vmul.f32 v7, v2;
	v3 =	vld [tilespmem:s25+$0xFFFFFFE0]  }
0x5b: {  	v7 =	vld [tilespmem:s24+$0xFFFFFFE0];
	v1 =	vmul.f32 v1, v5  }
0x5c: {  	[tilespmem:s25+$0x50] =	vst v2;
	v2 =	vld [tilespmem:s25+$0x60]  }
0x5d: {  	v5 =	vld [tilespmem:s24+$0x60];
	[tilespmem:s25+$0xFFFFFF50] =	vst v1;
	v0 =	vmul.f32 v4, v0  }
0x5e: {  	v4 =	vld [tilespmem:s24+$0xFFFFFF60]  }
0x5f: {  	v8 =	vld [tilespmem:s25+$0xF0];
	[tilespmem:s25+$0xE0] =	vst v0  }
0x60: {  	v1 =	vmul.f32 v7, v3;
	v7 =	vld [tilespmem:s24+$0xF0]  }
0x61: {  	v0 =	vld [tilespmem:s25+$0xFFFFFF70]  }
0x62: {  	[tilespmem:s25+$0xFFFFFFE0] =	vst v1;
	v2 =	vmul.f32 v5, v2;
	v1 =	vld [tilespmem:s25+$0xFFFFFFF0]  }
0x63: {  	v3 =	vld [tilespmem:s24+$0xFFFFFFF0];
	v4 =	vmul.f32 v4, v6  }
0x64: {  	[tilespmem:s25+$0x60] =	vst v2;
	v2 =	vld [tilespmem:s25+$0x70]  }
0x65: {  	[tilespmem:s25+$0xFFFFFF60] =	vst v4;
	v4 =	vld [tilespmem:s24+$0x70];
	v6 =	vmul.f32 v7, v8  }
0x66: {  	s26 =	simm.s32 $0x0;
	s28 =	simm.s32 $0x1000;
	v5 =	vld [tilespmem:s24+$0xFFFFFF70]  }
.LBB2_3:
0x67: {  	v7 =	vld [tilespmem:s28+$0x80];
	[tilespmem:s25+$0xF0] =	vst v6;
	s24 =	sadd.s32 $0x200, s24  }
0x68: {  	s26 =	sadd.s32 $0x4, s26;
	v6 =	vld [tilespmem:s24+$0x80];
	v1 =	vmul.f32 v3, v1  }
0x69: {  	p0 =	slt.u32 s26, $0xC4;
	v3 =	vld [tilespmem:s24+$0xFFFFFF00]  }
0x6a: {  	v8 =	vld [tilespmem:s28+$0xFFFFFF80];
	[tilespmem:s25+$0xFFFFFFF0] =	vst v1;
	v1 =	vmul.f32 v4, v2  }
0x6b: {  	v2 =	vld [tilespmem:s24+$0xFFFFFF80];
	v0 =	vmul.f32 v5, v0  }
0x6c: {  	v4 =	vld [tilespmem:s28+$0x0];
	[tilespmem:s25+$0x70] =	vst v1  }
0x6d: {  	v1 =	vld [tilespmem:s24+$0x0];
	v5 =	vmul.f32 v6, v7;
	[tilespmem:s25+$0xFFFFFF70] =	vst v0;
	s25 =	smov.u32 s28  }
0x6e: {  	v0 =	vld [tilespmem:s28+$0xFFFFFF00]  }
0x6f: {  	[tilespmem:s28+$0x80] =	vst v5;
	v5 =	vld [tilespmem:s28+$0x90]  }
0x70: {  	v2 =	vmul.f32 v2, v8;
	v6 =	vld [tilespmem:s24+$0x90]  }
0x71: {  	v7 =	vld [tilespmem:s28+$0xFFFFFF10]  }
0x72: {  	[tilespmem:s28+$0xFFFFFF80] =	vst v2;
	v2 =	vld [tilespmem:s28+$0xFFFFFF90];
	v1 =	vmul.f32 v1, v4  }
0x73: {  	v0 =	vmul.f32 v3, v0;
	v3 =	vld [tilespmem:s24+$0xFFFFFF90]  }
0x74: {  	[tilespmem:s28+$0x0] =	vst v1;
	v1 =	vld [tilespmem:s28+$0x10]  }
0x75: {  	[tilespmem:s28+$0xFFFFFF00] =	vst v0;
	v0 =	vld [tilespmem:s24+$0x10];
	v4 =	vmul.f32 v6, v5  }
0x76: {  	v5 =	vld [tilespmem:s24+$0xFFFFFF10]  }
0x77: {  	[tilespmem:s28+$0x90] =	vst v4;
	v4 =	vld [tilespmem:s28+$0xA0]  }
0x78: {  	v2 =	vmul.f32 v3, v2;
	v3 =	vld [tilespmem:s24+$0xA0]  }
0x79: {  	v6 =	vld [tilespmem:s28+$0xFFFFFF20]  }
0x7a: {  	[tilespmem:s28+$0xFFFFFF90] =	vst v2;
	v2 =	vld [tilespmem:s28+$0xFFFFFFA0];
	v0 =	vmul.f32 v0, v1  }
0x7b: {  	v1 =	vmul.f32 v5, v7;
	v5 =	vld [tilespmem:s24+$0xFFFFFFA0]  }
0x7c: {  	[tilespmem:s28+$0x10] =	vst v0;
	v0 =	vld [tilespmem:s28+$0x20]  }
0x7d: {  	[tilespmem:s28+$0xFFFFFF10] =	vst v1;
	v1 =	vld [tilespmem:s24+$0x20];
	v3 =	vmul.f32 v3, v4  }
0x7e: {  	v4 =	vld [tilespmem:s24+$0xFFFFFF20]  }
0x7f: {  	[tilespmem:s28+$0xA0] =	vst v3;
	v3 =	vld [tilespmem:s28+$0xB0]  }
0x80: {  	v2 =	vmul.f32 v5, v2;
	v5 =	vld [tilespmem:s24+$0xB0]  }
0x81: {  	v7 =	vld [tilespmem:s28+$0xFFFFFF30]  }
0x82: {  	[tilespmem:s28+$0xFFFFFFA0] =	vst v2;
	v2 =	vld [tilespmem:s28+$0xFFFFFFB0];
	v0 =	vmul.f32 v1, v0  }
0x83: {  	v1 =	vmul.f32 v4, v6;
	v4 =	vld [tilespmem:s24+$0xFFFFFFB0]  }
0x84: {  	[tilespmem:s28+$0x20] =	vst v0;
	v0 =	vld [tilespmem:s28+$0x30]  }
0x85: {  	[tilespmem:s28+$0xFFFFFF20] =	vst v1;
	v1 =	vld [tilespmem:s24+$0x30];
	v3 =	vmul.f32 v5, v3  }
0x86: {  	v5 =	vld [tilespmem:s24+$0xFFFFFF30]  }
0x87: {  	[tilespmem:s28+$0xB0] =	vst v3;
	v3 =	vld [tilespmem:s28+$0xC0]  }
0x88: {  	v2 =	vmul.f32 v4, v2;
	v4 =	vld [tilespmem:s24+$0xC0]  }
0x89: {  	v6 =	vld [tilespmem:s28+$0xFFFFFF40]  }
0x8a: {  	[tilespmem:s28+$0xFFFFFFB0] =	vst v2;
	v2 =	vld [tilespmem:s28+$0xFFFFFFC0];
	v0 =	vmul.f32 v1, v0  }
0x8b: {  	v1 =	vmul.f32 v5, v7;
	v5 =	vld [tilespmem:s24+$0xFFFFFFC0]  }
0x8c: {  	[tilespmem:s28+$0x30] =	vst v0;
	v0 =	vld [tilespmem:s28+$0x40]  }
0x8d: {  	[tilespmem:s28+$0xFFFFFF30] =	vst v1;
	v1 =	vld [tilespmem:s24+$0x40];
	v3 =	vmul.f32 v4, v3  }
0x8e: {  	v4 =	vld [tilespmem:s24+$0xFFFFFF40]  }
0x8f: {  	[tilespmem:s28+$0xC0] =	vst v3;
	v3 =	vld [tilespmem:s28+$0xD0]  }
0x90: {  	v2 =	vmul.f32 v5, v2;
	v5 =	vld [tilespmem:s24+$0xD0]  }
0x91: {  	v7 =	vld [tilespmem:s28+$0xFFFFFF50]  }
0x92: {  	[tilespmem:s28+$0xFFFFFFC0] =	vst v2;
	v2 =	vld [tilespmem:s28+$0xFFFFFFD0];
	v0 =	vmul.f32 v1, v0  }
0x93: {  	v1 =	vmul.f32 v4, v6;
	v4 =	vld [tilespmem:s24+$0xFFFFFFD0]  }
0x94: {  	[tilespmem:s28+$0x40] =	vst v0;
	v0 =	vld [tilespmem:s28+$0x50]  }
0x95: {  	[tilespmem:s28+$0xFFFFFF40] =	vst v1;
	v1 =	vld [tilespmem:s24+$0x50];
	v3 =	vmul.f32 v5, v3  }
0x96: {  	v5 =	vld [tilespmem:s24+$0xFFFFFF50]  }
0x97: {  	[tilespmem:s28+$0xD0] =	vst v3;
	v3 =	vld [tilespmem:s28+$0xE0]  }
0x98: {  	v2 =	vmul.f32 v4, v2;
	v4 =	vld [tilespmem:s24+$0xE0]  }
0x99: {  	v6 =	vld [tilespmem:s28+$0xFFFFFF60]  }
0x9a: {  	[tilespmem:s28+$0xFFFFFFD0] =	vst v2;
	v2 =	vld [tilespmem:s28+$0xFFFFFFE0];
	v0 =	vmul.f32 v1, v0  }
0x9b: {  	v1 =	vmul.f32 v5, v7;
	v5 =	vld [tilespmem:s24+$0xFFFFFFE0]  }
0x9c: {  	[tilespmem:s28+$0x50] =	vst v0;
	v7 =	vld [tilespmem:s28+$0x60]  }
0x9d: {  	[tilespmem:s28+$0xFFFFFF50] =	vst v1;
	v8 =	vld [tilespmem:s24+$0x60];
	v0 =	vmul.f32 v4, v3  }
0x9e: {  	v3 =	vld [tilespmem:s24+$0xFFFFFF60]  }
0x9f: {  	[tilespmem:s28+$0xE0] =	vst v0;
	v9 =	vld [tilespmem:s28+$0xF0]  }
0xa0: {  	v1 =	vmul.f32 v5, v2;
	v5 =	vld [tilespmem:s24+$0xF0]  }
0xa1: {  	v0 =	vld [tilespmem:s28+$0xFFFFFF70]  }
.Ltmp2:
0xa2: {  	[tilespmem:s28+$0xFFFFFFE0] =	vst v1;
	v1 =	vld [tilespmem:s28+$0xFFFFFFF0];
	v2 =	vmul.f32 v8, v7;
	(pc) =	sbr.rel @p0 .LBB2_3-.Ltmp2, $4  }
0xa3: {  	v4 =	vmul.f32 v3, v6;
	v3 =	vld [tilespmem:s24+$0xFFFFFFF0]  }
0xa4: {  	[tilespmem:s28+$0x60] =	vst v2;
	v2 =	vld [tilespmem:s28+$0x70]  }
0xa5: {  	[tilespmem:s28+$0xFFFFFF60] =	vst v4;
	v4 =	vld [tilespmem:s24+$0x70];
	v6 =	vmul.f32 v5, v9  }
0xa6: {  	s28 =	sadd.s32 $0x200, s28;
	v5 =	vld [tilespmem:s24+$0xFFFFFF70]  }
0xa7: {  	_ =	sdelay $0x1  }
0xa8: {  	s24 =	smul.u32 $0x190, s23;
	v1 =	vmul.f32 v3, v1  }
0xa9: {  	[tilespmem:s25+$0xF0] =	vst v6;
	v2 =	vmul.f32 v4, v2  }
0xaa: {  	s26 =	sadd.s32 s4, s24;
	[tilespmem:s25+$0xFFFFFFF0] =	vst v1;
	v0 =	vmul.f32 v5, v0  }
0xab: {  	s26 =	sshll.u32 s26, $0x4;
	[tilespmem:s25+$0x70] =	vst v2  }
0xac: {  	s31 =	sadd.s32 s5, s26;
	[tilespmem:s25+$0xFFFFFF70] =	vst v0  }
0xad: {  	[hbm4b:s31+s3] =	stream.linear.scatter [tilespmem:s13], [sflag:$0x5], $0x6400, $0x38;
	[tilespmem:$0x19D00] =	vst v63  }
0xae: {  	p0 =	seq.s32 s23, $0x3;
	_ =	swait.ge [sflag:s10], $0x6400  }
0xaf: {  	s28 =	simm.s32 @!p0 $0xD00;
	[sflag:s10] =	ssyncset.done $0x0  }
0xb0: {  	s26 =	simm.s32 @!p0 $0xC8;
	s25 =	sadd.s32 @!p0 $0x190, s24;
	[sflag:s10] =	ssyncadd.s32 $0xFFFF9C00  }
0xb1: {  	[tilespmem:s28], [sflag:$0x1] =	stream.indirect.gather @!p0 [hbm4b:s1+s26], $0x80, s25, s26, $0xb8;
	[tilespmem:$0x19D00] =	vst v63  }
0xb2: {  	s25 =	sadd.s32 @!p0 $0x810, s24;
	s28 =	simm.s32 @!p0 $0xD500  }
0xb3: {  	[tilespmem:s28], [sflag:$0x3] =	stream.indirect.gather @!p0 [hbm4b:s1+s26], $0x80, s25, s26, $0xb8;
	[tilespmem:$0x19D00] =	vst v63  }
0xb4: {  	_ =	swait.ge [sflag:s20], $0x6400  }
0xb5: {  	[sflag:s20] =	ssyncset.done $0x0  }
0xb6: {  	[sflag:s20] =	ssyncadd.s32 $0xFFFF9C00  }
0xb7: {  	_ =	swait.ge [sflag:s21], $0x6400  }
0xb8: {  	[sflag:s21] =	ssyncset.done $0x0  }
0xb9: {  	s25 =	simm.s32 $0x0;
	[sflag:s21] =	ssyncadd.s32 $0xFFFF9C00  }
0xba: {  	v0 =	vld [tilespmem:s25+$0x7100]  }
0xbb: {  	v1 =	vld [tilespmem:s25+$0x13900]  }
0xbc: {  	v2 =	vld [tilespmem:s25+$0x7110]  }
0xbd: {  	v3 =	vld [tilespmem:s25+$0x13910]  }
0xbe: {  	v4 =	vld [tilespmem:s25+$0x7120]  }
0xbf: {  	v5 =	vld [tilespmem:s25+$0x13920]  }
0xc0: {  	v6 =	vld [tilespmem:s25+$0x13930]  }
0xc1: {  	v7 =	vld [tilespmem:s25+$0x72F0]  }
0xc2: {  	v8 =	vld [tilespmem:s25+$0x13AF0]  }
0xc3: {  	v9 =	vld [tilespmem:s25+$0x13960]  }
0xc4: {  	v10 =	vld [tilespmem:s25+$0x7180]  }
0xc5: {  	v11 =	vld [tilespmem:s25+$0x13980]  }
0xc6: {  	v12 =	vld [tilespmem:s25+$0x7190]  }
0xc7: {  	v13 =	vld [tilespmem:s25+$0x13990]  }
0xc8: {  	v14 =	vld [tilespmem:s25+$0x71A0]  }
0xc9: {  	v45 =	vld [tilespmem:s25+$0x71B0]  }
0xca: {  	v15 =	vld [tilespmem:s25+$0x7170]  }
0xcb: {  	v47 =	vld [tilespmem:s25+$0x71C0]  }
0xcc: {  	v48 =	vld [tilespmem:s25+$0x139C0]  }
0xcd: {  	v16 =	vld [tilespmem:s25+$0x13970]  }
0xce: {  	v49 =	vld [tilespmem:s25+$0x71D0]  }
0xcf: {  	v17 =	vld [tilespmem:s25+$0x139D0]  }
0xd0: {  	v18 =	vld [tilespmem:s25+$0x7200]  }
0xd1: {  	v19 =	vld [tilespmem:s25+$0x13A00]  }
0xd2: {  	v20 =	vld [tilespmem:s25+$0x7210]  }
0xd3: {  	v21 =	vld [tilespmem:s25+$0x13A10]  }
0xd4: {  	v22 =	vld [tilespmem:s25+$0x7220]  }
0xd5: {  	v50 =	vld [tilespmem:s25+$0x13A20]  }
0xd6: {  	v51 =	vld [tilespmem:s25+$0x7230]  }
0xd7: {  	v23 =	vld [tilespmem:s25+$0x71E0]  }
0xd8: {  	v53 =	vld [tilespmem:s25+$0x7240]  }
0xd9: {  	v0 =	vmul.f32 v1, v0;
	v1 =	vld [tilespmem:s25+$0x7130]  }
0xda: {  	v54 =	vld [tilespmem:s25+$0x13A40]  }
0xdb: {  	v55 =	vld [tilespmem:s25+$0x139E0]  }
0xdc: {  	v56 =	vld [tilespmem:s25+$0x7250];
	v10 =	vmul.f32 v11, v10  }
0xdd: {  	v46 =	vmul.f32 v13, v12;
	[tilespmem:s25+$0x7100] =	vst v0;
	v0 =	vmul.f32 v3, v2;
	v2 =	vld [tilespmem:s25+$0x7140]  }
0xde: {  	[tilespmem:s25+$0x7180] =	vst v10;
	v1 =	vmul.f32 v6, v1;
	v6 =	vld [tilespmem:s25+$0x139A0]  }
0xdf: {  	v18 =	vmul.f32 v19, v18;
	v3 =	vld [tilespmem:s25+$0x13940];
	[tilespmem:s25+$0x7190] =	vst v46  }
0xe0: {  	v52 =	vmul.f32 v21, v20;
	[tilespmem:s25+$0x7110] =	vst v0;
	v0 =	vmul.f32 v5, v4;
	v4 =	vld [tilespmem:s25+$0x7150]  }
0xe1: {  	[tilespmem:s25+$0x7200] =	vst v18;
	v5 =	vld [tilespmem:s25+$0x13950]  }
0xe2: {  	v57 =	vld [tilespmem:s25+$0x71F0];
	v7 =	vmul.f32 v8, v7;
	[tilespmem:s25+$0x7210] =	vst v52  }
0xe3: {  	[tilespmem:s25+$0x7120] =	vst v0;
	v0 =	vld [tilespmem:s25+$0x7160];
	v6 =	vmul.f32 v6, v14  }
0xe4: {  	v58 =	vld [tilespmem:s25+$0x7260];
	[tilespmem:s25+$0x72F0] =	vst v7  }
0xe5: {  	v2 =	vmul.f32 v3, v2;
	[tilespmem:s25+$0x71A0] =	vst v6;
	v6 =	vld [tilespmem:s25+$0x13A30]  }
0xe6: {  	[tilespmem:s25+$0x7130] =	vst v1;
	v1 =	vld [tilespmem:s25+$0x139B0];
	v4 =	vmul.f32 v5, v4  }
0xe7: {  	v59 =	vld [tilespmem:s25+$0x13A60];
	[tilespmem:s25+$0x7140] =	vst v2;
	v14 =	vmul.f32 v50, v22  }
0xe8: {  	v5 =	vld [tilespmem:s25+$0x7280];
	v0 =	vmul.f32 v9, v0;
	[tilespmem:s25+$0x7150] =	vst v4  }
0xe9: {  	v2 =	vld [tilespmem:s25+$0x13A80];
	v4 =	vmul.f32 v16, v15;
	[tilespmem:s25+$0x7220] =	vst v14  }
0xea: {  	v60 =	vld [tilespmem:s25+$0x13A90];
	[tilespmem:s25+$0x7160] =	vst v0;
	v6 =	vmul.f32 v6, v51  }
0xeb: {  	v7 =	vld [tilespmem:s25+$0x7290];
	v1 =	vmul.f32 v1, v45;
	[tilespmem:s25+$0x7170] =	vst v4  }
0xec: {  	v0 =	vmul.f32 v48, v47;
	[tilespmem:s25+$0x7230] =	vst v6;
	v6 =	vld [tilespmem:s25+$0x139F0]  }
0xed: {  	v61 =	vld [tilespmem:s25+$0x72A0];
	v4 =	vmul.f32 v17, v49;
	[tilespmem:s25+$0x71B0] =	vst v1  }
0xee: {  	v63 =	vld [tilespmem:s25+$0x13A70];
	v2 =	vmul.f32 v2, v5;
	[tilespmem:s25+$0x71C0] =	vst v0  }
0xef: {  	v1 =	vld [tilespmem:s25+$0x13A50];
	v0 =	vmul.f32 v55, v23;
	[tilespmem:s25+$0x71D0] =	vst v4  }
0xf0: {  	v3 =	vld [tilespmem:s25+$0x7270];
	[tilespmem:s25+$0x7280] =	vst v2;
	v2 =	vmul.f32 v60, v7  }
0xf1: {  	v62 =	vld [tilespmem:s25+$0x13AA0];
	[tilespmem:s25+$0x71E0] =	vst v0;
	v0 =	vmul.f32 v6, v57  }
0xf2: {  	v5 =	vld [tilespmem:s25+$0x13AB0];
	[tilespmem:s25+$0x7290] =	vst v2;
	v6 =	vmul.f32 v54, v53  }
0xf3: {  	v4 =	vld [tilespmem:s25+$0x72B0];
	v7 =	vmul.f32 v59, v58;
	[tilespmem:s25+$0x71F0] =	vst v0  }
0xf4: {  	v0 =	vld [tilespmem:s25+$0x72C0];
	[tilespmem:s25+$0x7240] =	vst v6;
	v6 =	vmul.f32 v1, v56  }
0xf5: {  	[tilespmem:s25+$0x7260] =	vst v7;
	v7 =	vmul.f32 v63, v3;
	v1 =	vld [tilespmem:s25+$0x13AC0]  }
0xf6: {  	v2 =	vld [tilespmem:s25+$0x72D0];
	[tilespmem:s25+$0x7250] =	vst v6;
	v6 =	vmul.f32 v62, v61  }
0xf7: {  	v3 =	vld [tilespmem:s25+$0x13AD0];
	[tilespmem:s25+$0x7270] =	vst v7  }
0xf8: {  	s26 =	simm.s32 $0x0;
	s28 =	simm.s32 $0x800;
	v5 =	vmul.f32 v5, v4;
	v4 =	vld [tilespmem:s25+$0x72E0];
	[tilespmem:s25+$0x72A0] =	vst v6  }
.LBB2_5:
0xf9: {  	s29 =	sshra.s32 s28, $0x2;
	v6 =	vld [tilespmem:s25+$0x13AE0]  }
0xfa: {  	s26 =	sadd.s32 $0x4, s26;
	v7 =	vld [tilespmem:s29+$0x72F0];
	[tilespmem:s25+$0x72B0] =	vst v5;
	v0 =	vmul.f32 v1, v0  }
0xfb: {  	p1 =	slt.u32 s26, $0xC4;
	v1 =	vld [tilespmem:s29+$0x13AF0]  }
0xfc: {  	v5 =	vld [tilespmem:s29+$0x7100];
	[tilespmem:s25+$0x72C0] =	vst v0;
	v0 =	vmul.f32 v3, v2  }
0xfd: {  	v2 =	vld [tilespmem:s29+$0x13900]  }
0xfe: {  	v3 =	vld [tilespmem:s29+$0x7110];
	[tilespmem:s25+$0x72D0] =	vst v0;
	v0 =	vmul.f32 v6, v4  }
0xff: {  	v4 =	vld [tilespmem:s29+$0x13910]  }
0x100: {  	v6 =	vld [tilespmem:s29+$0x7120];
	v1 =	vmul.f32 v1, v7;
	[tilespmem:s25+$0x72E0] =	vst v0;
	s25 =	smov.u32 s29  }
0x101: {  	v0 =	vld [tilespmem:s25+$0x13920]  }
0x102: {  	v2 =	vmul.f32 v2, v5;
	v5 =	vld [tilespmem:s25+$0x7130];
	[tilespmem:s25+$0x72F0] =	vst v1  }
0x103: {  	v1 =	vld [tilespmem:s25+$0x13930]  }
0x104: {  	[tilespmem:s25+$0x7100] =	vst v2;
	v2 =	vmul.f32 v4, v3;
	v3 =	vld [tilespmem:s25+$0x7140]  }
0x105: {  	v4 =	vld [tilespmem:s25+$0x13940]  }
0x106: {  	[tilespmem:s25+$0x7110] =	vst v2;
	v0 =	vmul.f32 v0, v6;
	v2 =	vld [tilespmem:s25+$0x7150]  }
0x107: {  	v6 =	vld [tilespmem:s25+$0x13950]  }
0x108: {  	[tilespmem:s25+$0x7120] =	vst v0;
	v0 =	vmul.f32 v1, v5;
	v1 =	vld [tilespmem:s25+$0x7160]  }
0x109: {  	v5 =	vld [tilespmem:s25+$0x13960]  }
0x10a: {  	[tilespmem:s25+$0x7130] =	vst v0;
	v0 =	vmul.f32 v4, v3;
	v3 =	vld [tilespmem:s25+$0x7170]  }
0x10b: {  	v4 =	vld [tilespmem:s25+$0x13970]  }
0x10c: {  	[tilespmem:s25+$0x7140] =	vst v0;
	v0 =	vmul.f32 v6, v2;
	v2 =	vld [tilespmem:s25+$0x7180]  }
0x10d: {  	v6 =	vld [tilespmem:s25+$0x13980]  }
0x10e: {  	[tilespmem:s25+$0x7150] =	vst v0;
	v0 =	vmul.f32 v5, v1;
	v1 =	vld [tilespmem:s25+$0x7190]  }
0x10f: {  	v5 =	vld [tilespmem:s25+$0x13990]  }
0x110: {  	[tilespmem:s25+$0x7160] =	vst v0;
	v0 =	vmul.f32 v4, v3;
	v3 =	vld [tilespmem:s25+$0x71A0]  }
0x111: {  	v4 =	vld [tilespmem:s25+$0x139A0]  }
0x112: {  	[tilespmem:s25+$0x7170] =	vst v0;
	v0 =	vmul.f32 v6, v2;
	v2 =	vld [tilespmem:s25+$0x71B0]  }
0x113: {  	v6 =	vld [tilespmem:s25+$0x139B0]  }
0x114: {  	[tilespmem:s25+$0x7180] =	vst v0;
	v0 =	vmul.f32 v5, v1;
	v1 =	vld [tilespmem:s25+$0x71C0]  }
0x115: {  	v5 =	vld [tilespmem:s25+$0x139C0]  }
0x116: {  	[tilespmem:s25+$0x7190] =	vst v0;
	v0 =	vmul.f32 v4, v3;
	v3 =	vld [tilespmem:s25+$0x71D0]  }
0x117: {  	v4 =	vld [tilespmem:s25+$0x139D0]  }
0x118: {  	[tilespmem:s25+$0x71A0] =	vst v0;
	v0 =	vmul.f32 v6, v2;
	v2 =	vld [tilespmem:s25+$0x71E0]  }
0x119: {  	v6 =	vld [tilespmem:s25+$0x139E0]  }
0x11a: {  	[tilespmem:s25+$0x71B0] =	vst v0;
	v0 =	vmul.f32 v5, v1;
	v1 =	vld [tilespmem:s25+$0x71F0]  }
0x11b: {  	v5 =	vld [tilespmem:s25+$0x139F0]  }
0x11c: {  	[tilespmem:s25+$0x71C0] =	vst v0;
	v0 =	vmul.f32 v4, v3;
	v3 =	vld [tilespmem:s25+$0x7200]  }
0x11d: {  	v4 =	vld [tilespmem:s25+$0x13A00]  }
0x11e: {  	[tilespmem:s25+$0x71D0] =	vst v0;
	v0 =	vmul.f32 v6, v2;
	v2 =	vld [tilespmem:s25+$0x7210]  }
0x11f: {  	v6 =	vld [tilespmem:s25+$0x13A10]  }
0x120: {  	[tilespmem:s25+$0x71E0] =	vst v0;
	v0 =	vmul.f32 v5, v1;
	v1 =	vld [tilespmem:s25+$0x7220]  }
0x121: {  	v5 =	vld [tilespmem:s25+$0x13A20]  }
0x122: {  	[tilespmem:s25+$0x71F0] =	vst v0;
	v0 =	vmul.f32 v4, v3;
	v3 =	vld [tilespmem:s25+$0x7230]  }
0x123: {  	v4 =	vld [tilespmem:s25+$0x13A30]  }
0x124: {  	[tilespmem:s25+$0x7200] =	vst v0;
	v0 =	vmul.f32 v6, v2;
	v2 =	vld [tilespmem:s25+$0x7240]  }
0x125: {  	v6 =	vld [tilespmem:s25+$0x13A40]  }
0x126: {  	[tilespmem:s25+$0x7210] =	vst v0;
	v0 =	vmul.f32 v5, v1;
	v1 =	vld [tilespmem:s25+$0x7250]  }
0x127: {  	v5 =	vld [tilespmem:s25+$0x13A50]  }
0x128: {  	[tilespmem:s25+$0x7220] =	vst v0;
	v0 =	vmul.f32 v4, v3;
	v3 =	vld [tilespmem:s25+$0x7260]  }
0x129: {  	v4 =	vld [tilespmem:s25+$0x13A60]  }
0x12a: {  	[tilespmem:s25+$0x7230] =	vst v0;
	v0 =	vmul.f32 v6, v2;
	v2 =	vld [tilespmem:s25+$0x7270]  }
0x12b: {  	v6 =	vld [tilespmem:s25+$0x13A70]  }
0x12c: {  	[tilespmem:s25+$0x7240] =	vst v0;
	v0 =	vmul.f32 v5, v1;
	v1 =	vld [tilespmem:s25+$0x7280]  }
0x12d: {  	v5 =	vld [tilespmem:s25+$0x13A80]  }
0x12e: {  	[tilespmem:s25+$0x7250] =	vst v0;
	v0 =	vmul.f32 v4, v3;
	v3 =	vld [tilespmem:s25+$0x7290]  }
0x12f: {  	v4 =	vld [tilespmem:s25+$0x13A90]  }
0x130: {  	[tilespmem:s25+$0x7260] =	vst v0;
	v0 =	vmul.f32 v6, v2;
	v2 =	vld [tilespmem:s25+$0x72A0]  }
0x131: {  	v6 =	vld [tilespmem:s25+$0x13AA0]  }
0x132: {  	[tilespmem:s25+$0x7270] =	vst v0;
	v0 =	vmul.f32 v5, v1;
	v5 =	vld [tilespmem:s25+$0x72B0]  }
0x133: {  	v7 =	vld [tilespmem:s25+$0x13AB0]  }
.Ltmp3:
0x134: {  	[tilespmem:s25+$0x7280] =	vst v0;
	v3 =	vmul.f32 v4, v3;
	v0 =	vld [tilespmem:s25+$0x72C0];
	(pc) =	sbr.rel @p1 .LBB2_5-.Ltmp3, $4  }
0x135: {  	v1 =	vld [tilespmem:s25+$0x13AC0]  }
0x136: {  	[tilespmem:s25+$0x7290] =	vst v3;
	v4 =	vmul.f32 v6, v2;
	v2 =	vld [tilespmem:s25+$0x72D0]  }
0x137: {  	v3 =	vld [tilespmem:s25+$0x13AD0]  }
0x138: {  	s28 =	sadd.s32 $0x800, s28;
	[tilespmem:s25+$0x72A0] =	vst v4;
	v5 =	vmul.f32 v7, v5;
	v4 =	vld [tilespmem:s25+$0x72E0]  }
0x139: {  	v6 =	vld [tilespmem:s25+$0x13AE0];
	_ =	sdelay $0x2  }
0x13a: {  	v0 =	vmul.f32 v1, v0  }
0x13b: {  	[tilespmem:s25+$0x72B0] =	vst v5;
	v62 =	vmul.f32 v3, v2  }
0x13c: {  	s26 =	sadd.s32 s24, s8;
	[tilespmem:s25+$0x72C0] =	vst v0;
	v63 =	vmul.f32 v6, v4  }
0x13d: {  	s26 =	sshll.u32 s26, $0x4;
	[tilespmem:s25+$0x72D0] =	vst v62  }
.Ltmp4:
0x13e: {  	s31 =	sadd.s32 s5, s26;
	[tilespmem:s25+$0x72E0] =	vst v63;
	(pc) =	sbr.rel @p0 .LBB2_8-.Ltmp4, $4  }
0x13f: {  	[hbm4b:s31+s3] =	stream.linear.scatter [tilespmem:s15], [sflag:$0x5], $0x6400, $0x38;
	[tilespmem:$0x19D00] =	vst v63  }
0x140: {  	_ =	swait.ge [sflag:s10], $0x6400  }
0x141: {  	[sflag:s10] =	ssyncset.done $0x0  }
0x142: {  	[sflag:s10] =	ssyncadd.s32 $0xFFFF9C00  }
.Ltmp5:
0x143: {  	(pc) =	sbr.rel .LBB2_2-.Ltmp5, $4  }
0x144: {  	s25 =	sadd.s32 $0x258, s24  }
0x145: {  	[tilespmem:s15], [sflag:$0x2] =	stream.indirect.gather [hbm4b:s1+s12], $0x80, s25, s12, $0xb8;
	[tilespmem:$0x19D00] =	vst v63  }
0x146: {  	s31 =	sadd.s32 $0x8D8, s24;
	s23 =	sadd.s32 $0x1, s23  }
0x147: {  	[tilespmem:s17], [sflag:$0x4] =	stream.indirect.gather [hbm4b:s1+s12], $0x80, s31, s12, $0xb8;
	[tilespmem:$0x19D00] =	vst v63  }
.LBB2_9:
0x148: {  	_ =	sfence.sel $0x180000  }
0x149: {  	[bflag:$0x0] =	sbarrier.arrive $0xFFFF  }
0x14a: {  	p0 =	sne.s32 s0, $0x0;
	_ =	strace $0x90000047  }
0x14b: {  	s0 =	sadd.s32 @!p0 $0x100000, s2;
	[bflag:$0x2] =	sbarrier.arrive $0xFFFF  }
0x14c: {  	[sflag:s0] =	ssyncadd.tile.s32 @!p0 $0x1;
	_ =	shalt  }
.Lfunc_end2:
_tile_overlayer_lowered:
.L_overlay_start_2:
0x14d: {  	(tag) =	ssettag $0x2  }
0x14e: {  	s0 =	rddreg [dreg:$0x0];
	s2 =	stileid.u32  }
0x14f: {  	s1 =	rddreg [dreg:$0x1];
	p0 =	sne.s32 s2, $0x0  }
0x150: {  	s3 =	rddreg [dreg:$0x2];
	[bflag:$0x3] =	sbarrier.arrive $0xFFFF;
	s2 =	simm.s32 @!p0 $0x1C05  }
0x151: {  	[timem:s3], [sflag:s2] =	dma.local @!p0 [hbm:s0], s1  }
0x152: {  	s0 =	simm.s32 @!p0 $0x5  }
0x153: {  	_ =	swait.ge @!p0 [sflag:s0], s1  }
0x154: {  	s1 =	ssub.s32 @!p0 $0x0, s1;
	[sflag:s0] =	ssyncset.done @!p0 $0x0  }
0x155: {  	[sflag:s0] =	ssyncadd.s32 @!p0 s1  }
0x156: {  	[bflag:$0x3] =	sbarrier.arrive $0xFFFF  }
0x157: {  	_ =	shalt  }

// kernel: kernel.9.cloned.1.call-start
scs
__scs_entry_jumppad:
0x0: {  	(pc) =	sbr.rel $0x88, $3  }
0x1: {  	(tag) =	ssettag $0x0;
	lr =	simm.s32 $0x1  }
0x2: {  	[smem:$0x3F9B] =	sst lr;
	_ =	strace $0xD0000000  }
0x3: {  	_ = 	snop  }
0x4: {  	_ = 	snop  }
0x5: {  	_ = 	snop  }
0x6: {  	_ = 	snop  }
0x7: {  	_ = 	snop  }
__scs_overlays_trampoline_lowered:
0x8: {  	[smem:$0x3FAA] =	sst s0  }
0x9: {  	[smem:$0x3FAB] =	sst s1  }
0xa: {  	[smem:$0x3FAC] =	sst s2  }
0xb: {  	[smem:$0x3FAD] =	sst s3  }
0xc: {  	[smem:$0x3FAE] =	sst s4  }
0xd: {  	[smem:$0x3FAF] =	sst s5  }
0xe: {  	[smem:$0x3FB0] =	sst s6  }
0xf: {  	[smem:$0x3FB1] =	sst s7  }
0x10: {  	[smem:$0x3FB2] =	sst s8  }
0x11: {  	[smem:$0x3FB3] =	sst s9;
	s0 =	simm.s32 @!p0 $0x0  }
0x12: {  	s1 =	sld [smem:$0x3F99];
	s0 =	simm.s32 @p0 $0x1  }
0x13: {  	[smem:$0x3FB4] =	sst s0;
	s0 =	simm.s32 @!p1 $0x0  }
0x14: {  	s2 =	sld [smem:$0x3F98];
	s0 =	simm.s32 @p1 $0x1  }
0x15: {  	[smem:$0x3FB5] =	sst s0;
	s0 =	simm.s32 @!p2 $0x0  }
0x16: {  	s3 =	sld [smem:$0x3FDB];
	s0 =	simm.s32 @p2 $0x1  }
0x17: {  	s4 =	simm.s32 $0x1BF5;
	[smem:$0x3FB7] =	sst s0  }
0x18: {  	s0 =	sld [smem:$0x3F9A];
	_ =	swait.ge [sflag:s4], $0x0  }
0x19: {  	s7 =	sld [smem:$0x3F9B]  }
0x1a: {  	s8 =	sadd.s32 $0xFFFFE003, lr  }
0x1b: {  	s9 =	sadd.s32 $0xFFFFFEF7, lr;
	s5 =	simm.s32 $0xFFFFFFFF;
	p2 =	slt.u32 s8, $0xFFFFF086  }
0x1c: {  	p1 =	slt.u32 s9, $0xF7A;
	s5 =	simm.s32 @!p2 $0x0  }
0x1d: {  	s5 =	simm.s32 @p1 $0x1;
	p0 =	seq.s32 s7, s2  }
0x1e: {  	s7 =	smul.u32 @!p0 $0xF7A, s2;
	p2 =	seq.s32 @!p0 s5, $0x0  }
0x1f: {  	s9 =	smul.u32 $0xF7A, s1;
	s8 =	simm.s32 @!p0 $0x1BF5;
	p2 =	por !p2, p0  }
0x20: {  	[sflag:s8] =	ssyncset.s32 @!p0 $0xFFFFF086;
	s6 =	sadd.s32 @!p0 s3, s7;
	s7 =	simm.s32 @!p0 $0x108  }
0x21: {  	s3 =	sadd.s32 s3, s9;
	s6 =	sadd.s32 @!p0 $0x88, s6;
	s7 =	simm.s32 @p2 $0x1082  }
0x22: {  	[simem:s7], [sflag:s8] =	dma.local @!p0 [hbm:s6], $0xF7A  }
0x23: {  	s9 =	sor.u32 $0xD0000000, s2;
	s6 =	simm.s32 $0x108;
	_ =	swait.ge @!p0 [sflag:s8], $0x0  }
0x24: {  	s3 =	sadd.s32 $0x88, s3;
	s6 =	simm.s32 @!p1 $0x1082;
	[sflag:s4] =	ssyncset.s32 $0xFFFFF086  }
0x25: {  	[simem:s6], [sflag:s4] =	dma.local [hbm:s3], $0xF7A  }
0x26: {  	[smem:$0x3F9B] =	sst s1;
	(tag) =	ssettag s2;
	_ =	strace s9  }
0x27: {  	s1 =	sld [smem:$0x3FAB]  }
0x28: {  	s2 =	sld [smem:$0x3FAC]  }
0x29: {  	s4 =	sld [smem:$0x3FAE]  }
0x2a: {  	p0 =	seq.s32 s5, $0x0;
	s5 =	sld [smem:$0x3FAF]  }
0x2b: {  	s6 =	sld [smem:$0x3FB0]  }
0x2c: {  	s7 =	sld [smem:$0x3FB1]  }
0x2d: {  	s3 =	simm.s32 $0x108;
	s8 =	sld [smem:$0x3FB2]  }
0x2e: {  	s3 =	simm.s32 @!p0 $0x1082;
	s9 =	sld [smem:$0x3FB3]  }
0x2f: {  	lr =	sadd.s32 s0, s3;
	s0 =	sld [smem:$0x3FAA]  }
0x30: {  	s3 =	sld [smem:$0x3FAD]  }
0x31: {  	[smem:$0x3FB6] =	sst s10  }
0x32: {  	s10 =	sld [smem:$0x3FB4];
	_ =	sdelay $0x3  }
0x33: {  	p0 =	seq.s32 s10, $0x1;
	s10 =	sld [smem:$0x3FB6];
	_ =	sdelay $0x3  }
0x34: {  	[smem:$0x3FB6] =	sst s10  }
0x35: {  	s10 =	sld [smem:$0x3FB5];
	_ =	sdelay $0x3  }
0x36: {  	p1 =	seq.s32 s10, $0x1;
	s10 =	sld [smem:$0x3FB6];
	_ =	sdelay $0x3  }
0x37: {  	[smem:$0x3FB6] =	sst s10  }
0x38: {  	s10 =	sld [smem:$0x3FB7]  }
0x39: {  	_ = 	snop;
	(pc) =	sbr.ind lr, $3  }
0x3a: {  	_ = 	snop  }
0x3b: {  	_ = 	snop  }
0x3c: {  	p2 =	seq.s32 s10, $0x1;
	s10 =	sld [smem:$0x3FB6]  }
0x3d: {  	_ =	shalt  }
0x3e: {  	_ =	shalt  }
0x3f: {  	_ =	shalt  }
0x40: {  	_ =	shalt  }
0x41: {  	_ =	shalt  }
0x42: {  	_ =	shalt  }
0x43: {  	_ =	shalt  }
0x44: {  	_ =	shalt  }
0x45: {  	_ =	shalt  }
0x46: {  	_ =	shalt  }
0x47: {  	_ =	shalt  }
0x48: {  	_ =	shalt  }
0x49: {  	_ =	shalt  }
0x4a: {  	_ =	shalt  }
0x4b: {  	_ =	shalt  }
0x4c: {  	_ =	shalt  }
0x4d: {  	_ =	shalt  }
0x4e: {  	_ =	shalt  }
0x4f: {  	_ =	shalt  }
0x50: {  	_ =	shalt  }
0x51: {  	_ =	shalt  }
0x52: {  	_ =	shalt  }
0x53: {  	_ =	shalt  }
0x54: {  	_ =	shalt  }
0x55: {  	_ =	shalt  }
0x56: {  	_ =	shalt  }
0x57: {  	_ =	shalt  }
0x58: {  	_ =	shalt  }
0x59: {  	_ =	shalt  }
0x5a: {  	_ =	shalt  }
0x5b: {  	_ =	shalt  }
0x5c: {  	_ =	shalt  }
0x5d: {  	_ =	shalt  }
0x5e: {  	_ =	shalt  }
0x5f: {  	_ =	shalt  }
0x60: {  	_ =	shalt  }
0x61: {  	_ =	shalt  }
0x62: {  	_ =	shalt  }
0x63: {  	_ =	shalt  }
0x64: {  	_ =	shalt  }
0x65: {  	_ =	shalt  }
0x66: {  	_ =	shalt  }
0x67: {  	_ =	shalt  }
0x68: {  	_ =	shalt  }
0x69: {  	_ =	shalt  }
0x6a: {  	_ =	shalt  }
0x6b: {  	_ =	shalt  }
0x6c: {  	_ =	shalt  }
0x6d: {  	_ =	shalt  }
0x6e: {  	_ =	shalt  }
0x6f: {  	_ =	shalt  }
0x70: {  	_ =	shalt  }
0x71: {  	_ =	shalt  }
0x72: {  	_ =	shalt  }
0x73: {  	_ =	shalt  }
0x74: {  	_ =	shalt  }
0x75: {  	_ =	shalt  }
0x76: {  	_ =	shalt  }
0x77: {  	_ =	shalt  }
0x78: {  	_ =	shalt  }
0x79: {  	_ =	shalt  }
0x7a: {  	_ =	shalt  }
0x7b: {  	_ =	shalt  }
0x7c: {  	_ =	shalt  }
0x7d: {  	_ =	shalt  }
0x7e: {  	_ =	shalt  }
0x7f: {  	_ =	shalt  }
0x80: {  	_ =	shalt  }
0x81: {  	_ =	shalt  }
0x82: {  	_ =	shalt  }
0x83: {  	_ =	shalt  }
0x84: {  	_ =	shalt  }
0x85: {  	_ =	shalt  }
0x86: {  	_ =	shalt  }
0x87: {  	_ =	shalt  }
.Lfunc_end0:
.L_simem_size_0:
called_computation.1_lowered:
.L_overlay_start_0:
0x88: {  	s2 =	sld [smem:$0x3FD9]  }
0x89: {  	s3 =	sld [smem:$0x3FFE];
	_ =	sdelay $0x1  }
0x8a: {  	s1 =	srdreg.scid  }
0x8b: {  	s0 =	sand.u32 $0x1, s1  }
0x8c: {  	s17 =	sshll.u32 s0, $0xA;
	s2 =	sadd.s32 s3, s2  }
0x8d: {  	s2 =	sadd.s32 s2, s17  }
0x8e: {  	[smem:$0x3FC2] =	sst s2  }
0x8f: {  	_ = 	snop  }
0x90: {  	s18 =	sld [smem:$0x3FC9];
	(tm) =	ssettm $0x1  }
0x91: {  	s19 =	sld [smem:$0x3FFB];
	_ =	sdelay $0x3  }
0x92: {  	_ =	strace s19  }
0x93: {  	s2 =	sld [smem:$0x3FFC];
	_ =	sdelay $0x3  }
0x94: {  	_ =	strace s2  }
0x95: {  	s2 =	sld [smem:$0x3FFD];
	_ =	sdelay $0x3  }
0x96: {  	_ =	strace s2  }
0x97: {  	_ =	strace $0x8FFFFFFF  }
0x98: {  	s20 =	sld [smem:$0x3FDB];
	_ =	sdelay $0x1  }
0x99: {  	s4 =	simm.s32 $_scs_section_size  }
0x9a: {  	s5 =	simm.s32 $_size__tile_overlayer_lowered;
	s6 =	simm.s32 $_tile_overlayer_lowered  }
0x9b: {  	s7 =	simm.s32 $0x1BFF;
	s21 =	sshll.u32 s6, $0x1;
	s4 =	sadd.s32 s4, s20  }
0x9c: {  	s22 =	simm.s32 $0x0;
	s5 =	sshll.u32 s5, $0x1;
	s6 =	sadd.s32 s21, s4  }
0x9d: {  	[timem:s22], [sflag:s7] =	dma.local [hbm:s6], s5  }
0x9e: {  	_ =	swait.ge [sflag:s7], s5  }
0x9f: {  	s5 =	ssub.s32 $0x0, s5;
	[sflag:s7] =	ssyncset.done $0x0  }
0xa0: {  	[sflag:s7] =	ssyncadd.s32 s5;
	_ =	sdelay $0x1  }
0xa1: {  	s23 =	simm.s32 $0x1B8B  }
0xa2: {  	_ =	swait.ge [sflag:s23], $0x1  }
0xa3: {  	[sflag:s23] =	ssyncset.done $0x0  }
0xa4: {  	[sflag:s23] =	ssyncadd.s32 $0xFFFFFFFF  }
0xa5: {  	s5 =	sld [smem:$0x0]  }
0xa6: {  	s6 =	sand.u32 $0xFFFFFFFE, s1  }
0xa7: {  	p0 =	sne.s32 s1, s6  }
0xa8: {  	s6 =	sshll.u32 @p0 s6, $0xE  }
0xa9: {  	s6 =	sadd.s32 @p0 $0x11B8D, s6;
	s7 =	sshll.u32 @p0 s5, $0x11  }
0xaa: {  	s6 =	sor.u32 @p0 s7, s6  }
0xab: {  	[sflag:s6] =	ssyncadd.remote.s32 @p0 $0x1;
	_ =	sdelay $0x1  }
0xac: {  	s6 =	simm.s32 @p0 $0x1B8D  }
0xad: {  	_ =	swait.eq @p0 [sflag:s6], $0x1  }
0xae: {  	[sflag:s6] =	ssyncadd.s32 @p0 $0xFFFFFFFF  }
0xaf: {  	s7 =	sshll.u32 @!p0 s1, $0xE  }
0xb0: {  	s7 =	sor.u32 @!p0 $0x4000, s7;
	s6 =	simm.s32 @!p0 $0x1B8D  }
0xb1: {  	s5 =	sshll.u32 @!p0 s5, $0x11;
	s7 =	sadd.s32 @!p0 $0x11B8D, s7;
	_ =	swait.eq @!p0 [sflag:s6], $0x1  }
0xb2: {  	s5 =	sor.u32 @!p0 s5, s7;
	[sflag:s6] =	ssyncadd.s32 @!p0 $0xFFFFFFFF  }
0xb3: {  	s25 =	simm.s32 $0x1B8E;
	s24 =	sld [smem:$0x3FFE];
	[sflag:s5] =	ssyncadd.remote.s32 @!p0 $0x1  }
0xb4: {  	s26 =	simm.s32 $execute0_lowered;
	[smem:$0x3FD2] =	sst s25  }
0xb5: {  	s6 =	sshll.u32 s26, $0x1;
	_ =	strace $0x80000049;
	[dreg:$0x1] =	wrdreg $0xFFFFFFFF  }
0xb6: {  	s28 =	simm.s32 $_size_execute0_lowered;
	s4 =	sadd.s32 s4, s6;
	[dreg:$0x0] =	wrdreg $0x0  }
0xb7: {  	s6 =	sshll.u32 s28, $0x1;
	[dreg:$0x2] =	wrdreg s4  }
0xb8: {  	[dreg:$0x3] =	wrdreg s6  }
0xb9: {  	[dreg:$0x4] =	wrdreg $0xC0  }
0xba: {  	_ =	task [dreg:s22], $0x5FFFF  }
0xbb: {  	[dreg:$0x1] =	wrdreg $0xFFFFFFFF  }
0xbc: {  	[dreg:$0x0] =	wrdreg $0x60  }
0xbd: {  	[dreg:$0x2] =	wrdreg s18  }
0xbe: {  	[dreg:$0x3] =	wrdreg s24  }
0xbf: {  	[dreg:$0x4] =	wrdreg $0xA  }
0xc0: {  	_ =	task.clear_ibuf [dreg:s22], $0x5FFFF;
	_ =	strace $0x90000049  }
0xc1: {  	s29 =	simm.s32 $0xA;
	_ =	strace $0x8000004B  }
0xc2: {  	_ =	swait.ge [sflag:s29], $0x1  }
0xc3: {  	[sflag:s29] =	ssyncadd.s32 $0xFFFFFFFF  }
0xc4: {  	_ =	strace $0x9000004B  }
0xc5: {  	_ =	sfence  }
0xc6: {  	s30 =	sld [smem:$0x0];
	_ =	sdelay $0x2  }
0xc7: {  	s31 =	sshll.u32 s1, $0xD;
	s1 =	sshrl.u32 s1, $0x2  }
0xc8: {  	s4 =	sand.u32 $0x4000, s31;
	s1 =	sadd.s32 s1, s30  }
0xc9: {  	s0 =	sor.u32 s4, s0;
	s1 =	sshll.u32 s1, $0x11  }
0xca: {  	s0 =	sor.u32 s1, s0  }
0xcb: {  	s0 =	sadd.s32 $0x8F2B, s0  }
0xcc: {  	[sflag:s0] =	ssyncadd.remote.s32 $0x1  }
0xcd: {  	_ =	sfence.sel $0xFFFF  }
0xce: {  	[dreg:$0x0] =	wrdreg $0xFFFFFFFF;
	(pc) =	sbr.abs _section_cstart, $3  }
0xcf: {  	[dreg:$0x1] =	wrdreg $0xFFFFFFFF  }
0xd0: {  	_ =	task.clear_ibuf [dreg:s22], $0x2FFFF;
	_ =	strace $0x9FFFFFFF  }
0xd1: {  	(tm) =	ssettm $0x7FFFFFFF  }
tec
execute0_lowered:
.L_overlay_start_1:
0x0: {  	(tag) =	ssettag $0x1  }
0x1: {  	s1 =	srdreg.scid;
	s2 =	rddreg [dreg:$0x0]  }
0x2: {  	s0 =	stileid.u32;
	s6 =	rddreg [dreg:$0x1]  }
0x3: {  	s3 =	simm.s32 $0x0;
	s10 =	simm.s32 $0x5;
	s11 =	simm.s32 $0x680  }
0x4: {  	s12 =	simm.s32 $0xC8;
	s13 =	simm.s32 $0xD00;
	s14 =	simm.s32 $0xD500  }
0x5: {  	s15 =	simm.s32 $0x7100;
	s16 =	simm.s32 $0x748;
	s17 =	simm.s32 $0x13900  }
0x6: {  	s18 =	simm.s32 $0x1;
	s5 =	sand.u32 $0x1, s1;
	s30 =	sshll.u32 s0, $0x1  }
0x7: {  	s19 =	simm.s32 $0x3;
	s20 =	simm.s32 $0x2;
	s1 =	sor.u32 s5, s30  }
0x8: {  	s21 =	simm.s32 $0x4;
	s22 =	simm.s32 $0x0;
	s4 =	smul.u32 $0x640, s1  }
.Ltmp0:
0x9: {  	[smem:$0x7FF] =	sst s3;
	s8 =	ssub.s32 $0x2, s5;
	(pc) =	sbr.rel .LBB2_1-.Ltmp0, $4  }
0xa: {  	s5 =	sadd.s32 $0xF5400, s6;
	s31 =	sshrl.u32 s8, $0x1;
	s4 =	smin.u32 s4, $0x9060  }
0xb: {  	s1 =	rddreg [dreg:$0x2];
	s9 =	ssub.s32 s8, s31;
	s7 =	sshrl.u32 s4, $0x3  }
0xc: {  	_ =	strace $0x8000004A;
	s9 =	smax.u32 s9, $0x1;
	s7 =	sadd.s32 s7, s6  }
0xd: {  	s8 =	sadd.s32 $0xC8, s4;
	s6 =	sadd.s32 $0xF2C00, s7;
	s7 =	sadd.s32 $0xF4000, s7  }
.LBB2_8:
0xe: {  	s22 =	sadd.s32 $0x1, s22  }
0xf: {  	p0 =	sne.s32 s22, s9  }
.Ltmp1:
0x10: {  	_ = 	snop;
	(pc) =	sbr.rel @!p0 .LBB2_9-.Ltmp1, $1  }
0x11: {  	_ =	sdelay $0x3  }
.LBB2_1:
0x12: {  	[tilespmem:s3], [sflag:$0x5] =	stream.linear.gather [hbm4b:s6+s3], $0x640, $0x38;
	[tilespmem:$0x19D00] =	vst v63  }
0x13: {  	_ =	swait.ge [sflag:s10], $0x640  }
0x14: {  	[sflag:s10] =	ssyncset.done $0x0  }
0x15: {  	[sflag:s10] =	ssyncadd.s32 $0xFFFFF9C0  }
0x16: {  	[tilespmem:s11], [sflag:$0x5] =	stream.linear.gather [hbm4b:s7+s3], $0x640, $0x38;
	[tilespmem:$0x19D00] =	vst v63  }
0x17: {  	_ =	swait.ge [sflag:s10], $0x640  }
0x18: {  	[sflag:s10] =	ssyncset.done $0x0  }
0x19: {  	[sflag:s10] =	ssyncadd.s32 $0xFFFFF9C0  }
0x1a: {  	[tilespmem:s13], [sflag:$0x1] =	stream.indirect.gather [hbm4b:s2+s12], $0x80, s3, s12, $0xb8;
	[tilespmem:$0x19D00] =	vst v63  }
0x1b: {  	_ = 	snop  }
0x1c: {  	[tilespmem:s14], [sflag:$0x3] =	stream.indirect.gather [hbm4b:s2+s12], $0x80, s11, s12, $0xb8;
	[tilespmem:$0x19D00] =	vst v63  }
0x1d: {  	_ = 	snop  }
0x1e: {  	[tilespmem:s15], [sflag:$0x2] =	stream.indirect.gather [hbm4b:s2+s12], $0x80, s12, s12, $0xb8;
	[tilespmem:$0x19D00] =	vst v63  }
0x1f: {  	s23 =	simm.s32 $0x0  }
0x20: {  	[tilespmem:s17], [sflag:$0x4] =	stream.indirect.gather [hbm4b:s2+s12], $0x80, s16, s12, $0xb8;
	[tilespmem:$0x19D00] =	vst v63  }
.LBB2_2:
0x21: {  	_ =	swait.ge [sflag:s18], $0x6400  }
0x22: {  	[sflag:s18] =	ssyncset.done $0x0  }
0x23: {  	[sflag:s18] =	ssyncadd.s32 $0xFFFF9C00  }
0x24: {  	_ =	swait.ge [sflag:s19], $0x6400  }
0x25: {  	[sflag:s19] =	ssyncset.done $0x0  }
0x26: {  	s25 =	simm.s32 $0xE00;
	[sflag:s19] =	ssyncadd.s32 $0xFFFF9C00  }
0x27: {  	s24 =	simm.s32 $0xD600;
	v0 =	vld [tilespmem:s25+$0x80]  }
0x28: {  	v1 =	vld [tilespmem:s24+$0x80]  }
0x29: {  	v2 =	vld [tilespmem:s25+$0xFFFFFF80]  }
0x2a: {  	v3 =	vld [tilespmem:s24+$0xFFFFFF80]  }
0x2b: {  	v4 =	vld [tilespmem:s25+$0x0]  }
0x2c: {  	v5 =	vld [tilespmem:s24+$0x0]  }
0x2d: {  	v6 =	vld [tilespmem:s25+$0xFFFFFF00];
	v0 =	vmul.f32 v1, v0  }
0x2e: {  	v1 =	vld [tilespmem:s24+$0xFFFFFF00]  }
0x2f: {  	[tilespmem:s25+$0x80] =	vst v0;
	v0 =	vld [tilespmem:s25+$0x90]  }
0x30: {  	v2 =	vmul.f32 v3, v2;
	v3 =	vld [tilespmem:s24+$0x90]  }
0x31: {  	v7 =	vld [tilespmem:s25+$0xFFFFFF10]  }
0x32: {  	[tilespmem:s25+$0xFFFFFF80] =	vst v2;
	v2 =	vmul.f32 v5, v4;
	v4 =	vld [tilespmem:s25+$0xFFFFFF90]  }
0x33: {  	v5 =	vld [tilespmem:s24+$0xFFFFFF90];
	v1 =	vmul.f32 v1, v6  }
0x34: {  	[tilespmem:s25+$0x0] =	vst v2;
	v2 =	vld [tilespmem:s25+$0x10]  }
0x35: {  	v6 =	vld [tilespmem:s24+$0x10];
	[tilespmem:s25+$0xFFFFFF00] =	vst v1;
	v0 =	vmul.f32 v3, v0  }
0x36: {  	v1 =	vld [tilespmem:s24+$0xFFFFFF10]  }
0x37: {  	[tilespmem:s25+$0x90] =	vst v0;
	v0 =	vld [tilespmem:s25+$0xA0]  }
0x38: {  	v3 =	vmul.f32 v5, v4;
	v4 =	vld [tilespmem:s24+$0xA0]  }
0x39: {  	v5 =	vld [tilespmem:s25+$0xFFFFFF20]  }
0x3a: {  	[tilespmem:s25+$0xFFFFFF90] =	vst v3;
	v2 =	vmul.f32 v6, v2;
	v3 =	vld [tilespmem:s25+$0xFFFFFFA0]  }
0x3b: {  	v6 =	vld [tilespmem:s24+$0xFFFFFFA0];
	v1 =	vmul.f32 v1, v7  }
0x3c: {  	[tilespmem:s25+$0x10] =	vst v2;
	v2 =	vld [tilespmem:s25+$0x20]  }
0x3d: {  	v7 =	vld [tilespmem:s24+$0x20];
	[tilespmem:s25+$0xFFFFFF10] =	vst v1;
	v0 =	vmul.f32 v4, v0  }
0x3e: {  	v1 =	vld [tilespmem:s24+$0xFFFFFF20]  }
0x3f: {  	[tilespmem:s25+$0xA0] =	vst v0;
	v0 =	vld [tilespmem:s25+$0xB0]  }
0x40: {  	v3 =	vmul.f32 v6, v3;
	v4 =	vld [tilespmem:s24+$0xB0]  }
0x41: {  	v6 =	vld [tilespmem:s25+$0xFFFFFF30]  }
0x42: {  	[tilespmem:s25+$0xFFFFFFA0] =	vst v3;
	v2 =	vmul.f32 v7, v2;
	v3 =	vld [tilespmem:s25+$0xFFFFFFB0]  }
0x43: {  	v7 =	vld [tilespmem:s24+$0xFFFFFFB0];
	v1 =	vmul.f32 v1, v5  }
0x44: {  	[tilespmem:s25+$0x20] =	vst v2;
	v2 =	vld [tilespmem:s25+$0x30]  }
0x45: {  	v5 =	vld [tilespmem:s24+$0x30];
	[tilespmem:s25+$0xFFFFFF20] =	vst v1;
	v0 =	vmul.f32 v4, v0  }
0x46: {  	v1 =	vld [tilespmem:s24+$0xFFFFFF30]  }
0x47: {  	[tilespmem:s25+$0xB0] =	vst v0;
	v0 =	vld [tilespmem:s25+$0xC0]  }
0x48: {  	v3 =	vmul.f32 v7, v3;
	v4 =	vld [tilespmem:s24+$0xC0]  }
0x49: {  	v7 =	vld [tilespmem:s25+$0xFFFFFF40]  }
0x4a: {  	[tilespmem:s25+$0xFFFFFFB0] =	vst v3;
	v2 =	vmul.f32 v5, v2;
	v3 =	vld [tilespmem:s25+$0xFFFFFFC0]  }
0x4b: {  	v5 =	vld [tilespmem:s24+$0xFFFFFFC0];
	v1 =	vmul.f32 v1, v6  }
0x4c: {  	[tilespmem:s25+$0x30] =	vst v2;
	v2 =	vld [tilespmem:s25+$0x40]  }
0x4d: {  	v6 =	vld [tilespmem:s24+$0x40];
	[tilespmem:s25+$0xFFFFFF30] =	vst v1;
	v0 =	vmul.f32 v4, v0  }
0x4e: {  	v1 =	vld [tilespmem:s24+$0xFFFFFF40]  }
0x4f: {  	[tilespmem:s25+$0xC0] =	vst v0;
	v0 =	vld [tilespmem:s25+$0xD0]  }
0x50: {  	v3 =	vmul.f32 v5, v3;
	v4 =	vld [tilespmem:s24+$0xD0]  }
0x51: {  	v5 =	vld [tilespmem:s25+$0xFFFFFF50]  }
0x52: {  	[tilespmem:s25+$0xFFFFFFC0] =	vst v3;
	v2 =	vmul.f32 v6, v2;
	v3 =	vld [tilespmem:s25+$0xFFFFFFD0]  }
0x53: {  	v6 =	vld [tilespmem:s24+$0xFFFFFFD0];
	v1 =	vmul.f32 v1, v7  }
0x54: {  	[tilespmem:s25+$0x40] =	vst v2;
	v2 =	vld [tilespmem:s25+$0x50]  }
0x55: {  	v7 =	vld [tilespmem:s24+$0x50];
	[tilespmem:s25+$0xFFFFFF40] =	vst v1;
	v0 =	vmul.f32 v4, v0  }
0x56: {  	v1 =	vld [tilespmem:s24+$0xFFFFFF50]  }
0x57: {  	[tilespmem:s25+$0xD0] =	vst v0;
	v0 =	vld [tilespmem:s25+$0xE0]  }
0x58: {  	v3 =	vmul.f32 v6, v3;
	v4 =	vld [tilespmem:s24+$0xE0]  }
0x59: {  	v6 =	vld [tilespmem:s25+$0xFFFFFF60]  }
0x5a: {  	[tilespmem:s25+$0xFFFFFFD0] =	vst v3;
	v2 =	vmul.f32 v7, v2;
	v3 =	vld [tilespmem:s25+$0xFFFFFFE0]  }
0x5b: {  	v7 =	vld [tilespmem:s24+$0xFFFFFFE0];
	v1 =	vmul.f32 v1, v5  }
0x5c: {  	[tilespmem:s25+$0x50] =	vst v2;
	v2 =	vld [tilespmem:s25+$0x60]  }
0x5d: {  	v5 =	vld [tilespmem:s24+$0x60];
	[tilespmem:s25+$0xFFFFFF50] =	vst v1;
	v0 =	vmul.f32 v4, v0  }
0x5e: {  	v4 =	vld [tilespmem:s24+$0xFFFFFF60]  }
0x5f: {  	v8 =	vld [tilespmem:s25+$0xF0];
	[tilespmem:s25+$0xE0] =	vst v0  }
0x60: {  	v1 =	vmul.f32 v7, v3;
	v7 =	vld [tilespmem:s24+$0xF0]  }
0x61: {  	v0 =	vld [tilespmem:s25+$0xFFFFFF70]  }
0x62: {  	[tilespmem:s25+$0xFFFFFFE0] =	vst v1;
	v2 =	vmul.f32 v5, v2;
	v1 =	vld [tilespmem:s25+$0xFFFFFFF0]  }
0x63: {  	v3 =	vld [tilespmem:s24+$0xFFFFFFF0];
	v4 =	vmul.f32 v4, v6  }
0x64: {  	[tilespmem:s25+$0x60] =	vst v2;
	v2 =	vld [tilespmem:s25+$0x70]  }
0x65: {  	[tilespmem:s25+$0xFFFFFF60] =	vst v4;
	v4 =	vld [tilespmem:s24+$0x70];
	v6 =	vmul.f32 v7, v8  }
0x66: {  	s26 =	simm.s32 $0x0;
	s28 =	simm.s32 $0x1000;
	v5 =	vld [tilespmem:s24+$0xFFFFFF70]  }
.LBB2_3:
0x67: {  	v7 =	vld [tilespmem:s28+$0x80];
	[tilespmem:s25+$0xF0] =	vst v6;
	s24 =	sadd.s32 $0x200, s24  }
0x68: {  	s26 =	sadd.s32 $0x4, s26;
	v6 =	vld [tilespmem:s24+$0x80];
	v1 =	vmul.f32 v3, v1  }
0x69: {  	p0 =	slt.u32 s26, $0xC4;
	v3 =	vld [tilespmem:s24+$0xFFFFFF00]  }
0x6a: {  	v8 =	vld [tilespmem:s28+$0xFFFFFF80];
	[tilespmem:s25+$0xFFFFFFF0] =	vst v1;
	v1 =	vmul.f32 v4, v2  }
0x6b: {  	v2 =	vld [tilespmem:s24+$0xFFFFFF80];
	v0 =	vmul.f32 v5, v0  }
0x6c: {  	v4 =	vld [tilespmem:s28+$0x0];
	[tilespmem:s25+$0x70] =	vst v1  }
0x6d: {  	v1 =	vld [tilespmem:s24+$0x0];
	v5 =	vmul.f32 v6, v7;
	[tilespmem:s25+$0xFFFFFF70] =	vst v0;
	s25 =	smov.u32 s28  }
0x6e: {  	v0 =	vld [tilespmem:s28+$0xFFFFFF00]  }
0x6f: {  	[tilespmem:s28+$0x80] =	vst v5;
	v5 =	vld [tilespmem:s28+$0x90]  }
0x70: {  	v2 =	vmul.f32 v2, v8;
	v6 =	vld [tilespmem:s24+$0x90]  }
0x71: {  	v7 =	vld [tilespmem:s28+$0xFFFFFF10]  }
0x72: {  	[tilespmem:s28+$0xFFFFFF80] =	vst v2;
	v2 =	vld [tilespmem:s28+$0xFFFFFF90];
	v1 =	vmul.f32 v1, v4  }
0x73: {  	v0 =	vmul.f32 v3, v0;
	v3 =	vld [tilespmem:s24+$0xFFFFFF90]  }
0x74: {  	[tilespmem:s28+$0x0] =	vst v1;
	v1 =	vld [tilespmem:s28+$0x10]  }
0x75: {  	[tilespmem:s28+$0xFFFFFF00] =	vst v0;
	v0 =	vld [tilespmem:s24+$0x10];
	v4 =	vmul.f32 v6, v5  }
0x76: {  	v5 =	vld [tilespmem:s24+$0xFFFFFF10]  }
0x77: {  	[tilespmem:s28+$0x90] =	vst v4;
	v4 =	vld [tilespmem:s28+$0xA0]  }
0x78: {  	v2 =	vmul.f32 v3, v2;
	v3 =	vld [tilespmem:s24+$0xA0]  }
0x79: {  	v6 =	vld [tilespmem:s28+$0xFFFFFF20]  }
0x7a: {  	[tilespmem:s28+$0xFFFFFF90] =	vst v2;
	v2 =	vld [tilespmem:s28+$0xFFFFFFA0];
	v0 =	vmul.f32 v0, v1  }
0x7b: {  	v1 =	vmul.f32 v5, v7;
	v5 =	vld [tilespmem:s24+$0xFFFFFFA0]  }
0x7c: {  	[tilespmem:s28+$0x10] =	vst v0;
	v0 =	vld [tilespmem:s28+$0x20]  }
0x7d: {  	[tilespmem:s28+$0xFFFFFF10] =	vst v1;
	v1 =	vld [tilespmem:s24+$0x20];
	v3 =	vmul.f32 v3, v4  }
0x7e: {  	v4 =	vld [tilespmem:s24+$0xFFFFFF20]  }
0x7f: {  	[tilespmem:s28+$0xA0] =	vst v3;
	v3 =	vld [tilespmem:s28+$0xB0]  }
0x80: {  	v2 =	vmul.f32 v5, v2;
	v5 =	vld [tilespmem:s24+$0xB0]  }
0x81: {  	v7 =	vld [tilespmem:s28+$0xFFFFFF30]  }
0x82: {  	[tilespmem:s28+$0xFFFFFFA0] =	vst v2;
	v2 =	vld [tilespmem:s28+$0xFFFFFFB0];
	v0 =	vmul.f32 v1, v0  }
0x83: {  	v1 =	vmul.f32 v4, v6;
	v4 =	vld [tilespmem:s24+$0xFFFFFFB0]  }
0x84: {  	[tilespmem:s28+$0x20] =	vst v0;
	v0 =	vld [tilespmem:s28+$0x30]  }
0x85: {  	[tilespmem:s28+$0xFFFFFF20] =	vst v1;
	v1 =	vld [tilespmem:s24+$0x30];
	v3 =	vmul.f32 v5, v3  }
0x86: {  	v5 =	vld [tilespmem:s24+$0xFFFFFF30]  }
0x87: {  	[tilespmem:s28+$0xB0] =	vst v3;
	v3 =	vld [tilespmem:s28+$0xC0]  }
0x88: {  	v2 =	vmul.f32 v4, v2;
	v4 =	vld [tilespmem:s24+$0xC0]  }
0x89: {  	v6 =	vld [tilespmem:s28+$0xFFFFFF40]  }
0x8a: {  	[tilespmem:s28+$0xFFFFFFB0] =	vst v2;
	v2 =	vld [tilespmem:s28+$0xFFFFFFC0];
	v0 =	vmul.f32 v1, v0  }
0x8b: {  	v1 =	vmul.f32 v5, v7;
	v5 =	vld [tilespmem:s24+$0xFFFFFFC0]  }
0x8c: {  	[tilespmem:s28+$0x30] =	vst v0;
	v0 =	vld [tilespmem:s28+$0x40]  }
0x8d: {  	[tilespmem:s28+$0xFFFFFF30] =	vst v1;
	v1 =	vld [tilespmem:s24+$0x40];
	v3 =	vmul.f32 v4, v3  }
0x8e: {  	v4 =	vld [tilespmem:s24+$0xFFFFFF40]  }
0x8f: {  	[tilespmem:s28+$0xC0] =	vst v3;
	v3 =	vld [tilespmem:s28+$0xD0]  }
0x90: {  	v2 =	vmul.f32 v5, v2;
	v5 =	vld [tilespmem:s24+$0xD0]  }
0x91: {  	v7 =	vld [tilespmem:s28+$0xFFFFFF50]  }
0x92: {  	[tilespmem:s28+$0xFFFFFFC0] =	vst v2;
	v2 =	vld [tilespmem:s28+$0xFFFFFFD0];
	v0 =	vmul.f32 v1, v0  }
0x93: {  	v1 =	vmul.f32 v4, v6;
	v4 =	vld [tilespmem:s24+$0xFFFFFFD0]  }
0x94: {  	[tilespmem:s28+$0x40] =	vst v0;
	v0 =	vld [tilespmem:s28+$0x50]  }
0x95: {  	[tilespmem:s28+$0xFFFFFF40] =	vst v1;
	v1 =	vld [tilespmem:s24+$0x50];
	v3 =	vmul.f32 v5, v3  }
0x96: {  	v5 =	vld [tilespmem:s24+$0xFFFFFF50]  }
0x97: {  	[tilespmem:s28+$0xD0] =	vst v3;
	v3 =	vld [tilespmem:s28+$0xE0]  }
0x98: {  	v2 =	vmul.f32 v4, v2;
	v4 =	vld [tilespmem:s24+$0xE0]  }
0x99: {  	v6 =	vld [tilespmem:s28+$0xFFFFFF60]  }
0x9a: {  	[tilespmem:s28+$0xFFFFFFD0] =	vst v2;
	v2 =	vld [tilespmem:s28+$0xFFFFFFE0];
	v0 =	vmul.f32 v1, v0  }
0x9b: {  	v1 =	vmul.f32 v5, v7;
	v5 =	vld [tilespmem:s24+$0xFFFFFFE0]  }
0x9c: {  	[tilespmem:s28+$0x50] =	vst v0;
	v7 =	vld [tilespmem:s28+$0x60]  }
0x9d: {  	[tilespmem:s28+$0xFFFFFF50] =	vst v1;
	v8 =	vld [tilespmem:s24+$0x60];
	v0 =	vmul.f32 v4, v3  }
0x9e: {  	v3 =	vld [tilespmem:s24+$0xFFFFFF60]  }
0x9f: {  	[tilespmem:s28+$0xE0] =	vst v0;
	v9 =	vld [tilespmem:s28+$0xF0]  }
0xa0: {  	v1 =	vmul.f32 v5, v2;
	v5 =	vld [tilespmem:s24+$0xF0]  }
0xa1: {  	v0 =	vld [tilespmem:s28+$0xFFFFFF70]  }
.Ltmp2:
0xa2: {  	[tilespmem:s28+$0xFFFFFFE0] =	vst v1;
	v1 =	vld [tilespmem:s28+$0xFFFFFFF0];
	v2 =	vmul.f32 v8, v7;
	(pc) =	sbr.rel @p0 .LBB2_3-.Ltmp2, $4  }
0xa3: {  	v4 =	vmul.f32 v3, v6;
	v3 =	vld [tilespmem:s24+$0xFFFFFFF0]  }
0xa4: {  	[tilespmem:s28+$0x60] =	vst v2;
	v2 =	vld [tilespmem:s28+$0x70]  }
0xa5: {  	[tilespmem:s28+$0xFFFFFF60] =	vst v4;
	v4 =	vld [tilespmem:s24+$0x70];
	v6 =	vmul.f32 v5, v9  }
0xa6: {  	s28 =	sadd.s32 $0x200, s28;
	v5 =	vld [tilespmem:s24+$0xFFFFFF70]  }
0xa7: {  	_ =	sdelay $0x1  }
0xa8: {  	s24 =	smul.u32 $0x190, s23;
	v1 =	vmul.f32 v3, v1  }
0xa9: {  	[tilespmem:s25+$0xF0] =	vst v6;
	v2 =	vmul.f32 v4, v2  }
0xaa: {  	s26 =	sadd.s32 s4, s24;
	[tilespmem:s25+$0xFFFFFFF0] =	vst v1;
	v0 =	vmul.f32 v5, v0  }
0xab: {  	s26 =	sshll.u32 s26, $0x4;
	[tilespmem:s25+$0x70] =	vst v2  }
0xac: {  	s31 =	sadd.s32 s5, s26;
	[tilespmem:s25+$0xFFFFFF70] =	vst v0  }
0xad: {  	[hbm4b:s31+s3] =	stream.linear.scatter [tilespmem:s13], [sflag:$0x5], $0x6400, $0x38;
	[tilespmem:$0x19D00] =	vst v63  }
0xae: {  	p0 =	seq.s32 s23, $0x3;
	_ =	swait.ge [sflag:s10], $0x6400  }
0xaf: {  	s28 =	simm.s32 @!p0 $0xD00;
	[sflag:s10] =	ssyncset.done $0x0  }
0xb0: {  	s26 =	simm.s32 @!p0 $0xC8;
	s25 =	sadd.s32 @!p0 $0x190, s24;
	[sflag:s10] =	ssyncadd.s32 $0xFFFF9C00  }
0xb1: {  	[tilespmem:s28], [sflag:$0x1] =	stream.indirect.gather @!p0 [hbm4b:s2+s26], $0x80, s25, s26, $0xb8;
	[tilespmem:$0x19D00] =	vst v63  }
0xb2: {  	s25 =	sadd.s32 @!p0 $0x810, s24;
	s28 =	simm.s32 @!p0 $0xD500  }
0xb3: {  	[tilespmem:s28], [sflag:$0x3] =	stream.indirect.gather @!p0 [hbm4b:s2+s26], $0x80, s25, s26, $0xb8;
	[tilespmem:$0x19D00] =	vst v63  }
0xb4: {  	_ =	swait.ge [sflag:s20], $0x6400  }
0xb5: {  	[sflag:s20] =	ssyncset.done $0x0  }
0xb6: {  	[sflag:s20] =	ssyncadd.s32 $0xFFFF9C00  }
0xb7: {  	_ =	swait.ge [sflag:s21], $0x6400  }
0xb8: {  	[sflag:s21] =	ssyncset.done $0x0  }
0xb9: {  	s25 =	simm.s32 $0x0;
	[sflag:s21] =	ssyncadd.s32 $0xFFFF9C00  }
0xba: {  	v0 =	vld [tilespmem:s25+$0x7100]  }
0xbb: {  	v1 =	vld [tilespmem:s25+$0x13900]  }
0xbc: {  	v2 =	vld [tilespmem:s25+$0x7110]  }
0xbd: {  	v3 =	vld [tilespmem:s25+$0x13910]  }
0xbe: {  	v4 =	vld [tilespmem:s25+$0x7120]  }
0xbf: {  	v5 =	vld [tilespmem:s25+$0x13920]  }
0xc0: {  	v6 =	vld [tilespmem:s25+$0x13930]  }
0xc1: {  	v7 =	vld [tilespmem:s25+$0x72F0]  }
0xc2: {  	v8 =	vld [tilespmem:s25+$0x13AF0]  }
0xc3: {  	v9 =	vld [tilespmem:s25+$0x13960]  }
0xc4: {  	v10 =	vld [tilespmem:s25+$0x7180]  }
0xc5: {  	v11 =	vld [tilespmem:s25+$0x13980]  }
0xc6: {  	v12 =	vld [tilespmem:s25+$0x7190]  }
0xc7: {  	v13 =	vld [tilespmem:s25+$0x13990]  }
0xc8: {  	v14 =	vld [tilespmem:s25+$0x71A0]  }
0xc9: {  	v45 =	vld [tilespmem:s25+$0x71B0]  }
0xca: {  	v15 =	vld [tilespmem:s25+$0x7170]  }
0xcb: {  	v47 =	vld [tilespmem:s25+$0x71C0]  }
0xcc: {  	v48 =	vld [tilespmem:s25+$0x139C0]  }
0xcd: {  	v16 =	vld [tilespmem:s25+$0x13970]  }
0xce: {  	v49 =	vld [tilespmem:s25+$0x71D0]  }
0xcf: {  	v17 =	vld [tilespmem:s25+$0x139D0]  }
0xd0: {  	v18 =	vld [tilespmem:s25+$0x7200]  }
0xd1: {  	v19 =	vld [tilespmem:s25+$0x13A00]  }
0xd2: {  	v20 =	vld [tilespmem:s25+$0x7210]  }
0xd3: {  	v21 =	vld [tilespmem:s25+$0x13A10]  }
0xd4: {  	v22 =	vld [tilespmem:s25+$0x7220]  }
0xd5: {  	v50 =	vld [tilespmem:s25+$0x13A20]  }
0xd6: {  	v51 =	vld [tilespmem:s25+$0x7230]  }
0xd7: {  	v23 =	vld [tilespmem:s25+$0x71E0]  }
0xd8: {  	v53 =	vld [tilespmem:s25+$0x7240]  }
0xd9: {  	v0 =	vmul.f32 v1, v0;
	v1 =	vld [tilespmem:s25+$0x7130]  }
0xda: {  	v54 =	vld [tilespmem:s25+$0x13A40]  }
0xdb: {  	v55 =	vld [tilespmem:s25+$0x139E0]  }
0xdc: {  	v56 =	vld [tilespmem:s25+$0x7250];
	v10 =	vmul.f32 v11, v10  }
0xdd: {  	v46 =	vmul.f32 v13, v12;
	[tilespmem:s25+$0x7100] =	vst v0;
	v0 =	vmul.f32 v3, v2;
	v2 =	vld [tilespmem:s25+$0x7140]  }
0xde: {  	[tilespmem:s25+$0x7180] =	vst v10;
	v1 =	vmul.f32 v6, v1;
	v6 =	vld [tilespmem:s25+$0x139A0]  }
0xdf: {  	v18 =	vmul.f32 v19, v18;
	v3 =	vld [tilespmem:s25+$0x13940];
	[tilespmem:s25+$0x7190] =	vst v46  }
0xe0: {  	v52 =	vmul.f32 v21, v20;
	[tilespmem:s25+$0x7110] =	vst v0;
	v0 =	vmul.f32 v5, v4;
	v4 =	vld [tilespmem:s25+$0x7150]  }
0xe1: {  	[tilespmem:s25+$0x7200] =	vst v18;
	v5 =	vld [tilespmem:s25+$0x13950]  }
0xe2: {  	v57 =	vld [tilespmem:s25+$0x71F0];
	v7 =	vmul.f32 v8, v7;
	[tilespmem:s25+$0x7210] =	vst v52  }
0xe3: {  	[tilespmem:s25+$0x7120] =	vst v0;
	v0 =	vld [tilespmem:s25+$0x7160];
	v6 =	vmul.f32 v6, v14  }
0xe4: {  	v58 =	vld [tilespmem:s25+$0x7260];
	[tilespmem:s25+$0x72F0] =	vst v7  }
0xe5: {  	v2 =	vmul.f32 v3, v2;
	[tilespmem:s25+$0x71A0] =	vst v6;
	v6 =	vld [tilespmem:s25+$0x13A30]  }
0xe6: {  	[tilespmem:s25+$0x7130] =	vst v1;
	v1 =	vld [tilespmem:s25+$0x139B0];
	v4 =	vmul.f32 v5, v4  }
0xe7: {  	v59 =	vld [tilespmem:s25+$0x13A60];
	[tilespmem:s25+$0x7140] =	vst v2;
	v14 =	vmul.f32 v50, v22  }
0xe8: {  	v5 =	vld [tilespmem:s25+$0x7280];
	v0 =	vmul.f32 v9, v0;
	[tilespmem:s25+$0x7150] =	vst v4  }
0xe9: {  	v2 =	vld [tilespmem:s25+$0x13A80];
	v4 =	vmul.f32 v16, v15;
	[tilespmem:s25+$0x7220] =	vst v14  }
0xea: {  	v60 =	vld [tilespmem:s25+$0x13A90];
	[tilespmem:s25+$0x7160] =	vst v0;
	v6 =	vmul.f32 v6, v51  }
0xeb: {  	v7 =	vld [tilespmem:s25+$0x7290];
	v1 =	vmul.f32 v1, v45;
	[tilespmem:s25+$0x7170] =	vst v4  }
0xec: {  	v0 =	vmul.f32 v48, v47;
	[tilespmem:s25+$0x7230] =	vst v6;
	v6 =	vld [tilespmem:s25+$0x139F0]  }
0xed: {  	v61 =	vld [tilespmem:s25+$0x72A0];
	v4 =	vmul.f32 v17, v49;
	[tilespmem:s25+$0x71B0] =	vst v1  }
0xee: {  	v63 =	vld [tilespmem:s25+$0x13A70];
	v2 =	vmul.f32 v2, v5;
	[tilespmem:s25+$0x71C0] =	vst v0  }
0xef: {  	v1 =	vld [tilespmem:s25+$0x13A50];
	v0 =	vmul.f32 v55, v23;
	[tilespmem:s25+$0x71D0] =	vst v4  }
0xf0: {  	v3 =	vld [tilespmem:s25+$0x7270];
	[tilespmem:s25+$0x7280] =	vst v2;
	v2 =	vmul.f32 v60, v7  }
0xf1: {  	v62 =	vld [tilespmem:s25+$0x13AA0];
	[tilespmem:s25+$0x71E0] =	vst v0;
	v0 =	vmul.f32 v6, v57  }
0xf2: {  	v5 =	vld [tilespmem:s25+$0x13AB0];
	[tilespmem:s25+$0x7290] =	vst v2;
	v6 =	vmul.f32 v54, v53  }
0xf3: {  	v4 =	vld [tilespmem:s25+$0x72B0];
	v7 =	vmul.f32 v59, v58;
	[tilespmem:s25+$0x71F0] =	vst v0  }
0xf4: {  	v0 =	vld [tilespmem:s25+$0x72C0];
	[tilespmem:s25+$0x7240] =	vst v6;
	v6 =	vmul.f32 v1, v56  }
0xf5: {  	[tilespmem:s25+$0x7260] =	vst v7;
	v7 =	vmul.f32 v63, v3;
	v1 =	vld [tilespmem:s25+$0x13AC0]  }
0xf6: {  	v2 =	vld [tilespmem:s25+$0x72D0];
	[tilespmem:s25+$0x7250] =	vst v6;
	v6 =	vmul.f32 v62, v61  }
0xf7: {  	v3 =	vld [tilespmem:s25+$0x13AD0];
	[tilespmem:s25+$0x7270] =	vst v7  }
0xf8: {  	s26 =	simm.s32 $0x0;
	s28 =	simm.s32 $0x800;
	v5 =	vmul.f32 v5, v4;
	v4 =	vld [tilespmem:s25+$0x72E0];
	[tilespmem:s25+$0x72A0] =	vst v6  }
.LBB2_5:
0xf9: {  	s29 =	sshra.s32 s28, $0x2;
	v6 =	vld [tilespmem:s25+$0x13AE0]  }
0xfa: {  	s26 =	sadd.s32 $0x4, s26;
	v7 =	vld [tilespmem:s29+$0x72F0];
	[tilespmem:s25+$0x72B0] =	vst v5;
	v0 =	vmul.f32 v1, v0  }
0xfb: {  	p1 =	slt.u32 s26, $0xC4;
	v1 =	vld [tilespmem:s29+$0x13AF0]  }
0xfc: {  	v5 =	vld [tilespmem:s29+$0x7100];
	[tilespmem:s25+$0x72C0] =	vst v0;
	v0 =	vmul.f32 v3, v2  }
0xfd: {  	v2 =	vld [tilespmem:s29+$0x13900]  }
0xfe: {  	v3 =	vld [tilespmem:s29+$0x7110];
	[tilespmem:s25+$0x72D0] =	vst v0;
	v0 =	vmul.f32 v6, v4  }
0xff: {  	v4 =	vld [tilespmem:s29+$0x13910]  }
0x100: {  	v6 =	vld [tilespmem:s29+$0x7120];
	v1 =	vmul.f32 v1, v7;
	[tilespmem:s25+$0x72E0] =	vst v0;
	s25 =	smov.u32 s29  }
0x101: {  	v0 =	vld [tilespmem:s25+$0x13920]  }
0x102: {  	v2 =	vmul.f32 v2, v5;
	v5 =	vld [tilespmem:s25+$0x7130];
	[tilespmem:s25+$0x72F0] =	vst v1  }
0x103: {  	v1 =	vld [tilespmem:s25+$0x13930]  }
0x104: {  	[tilespmem:s25+$0x7100] =	vst v2;
	v2 =	vmul.f32 v4, v3;
	v3 =	vld [tilespmem:s25+$0x7140]  }
0x105: {  	v4 =	vld [tilespmem:s25+$0x13940]  }
0x106: {  	[tilespmem:s25+$0x7110] =	vst v2;
	v0 =	vmul.f32 v0, v6;
	v2 =	vld [tilespmem:s25+$0x7150]  }
0x107: {  	v6 =	vld [tilespmem:s25+$0x13950]  }
0x108: {  	[tilespmem:s25+$0x7120] =	vst v0;
	v0 =	vmul.f32 v1, v5;
	v1 =	vld [tilespmem:s25+$0x7160]  }
0x109: {  	v5 =	vld [tilespmem:s25+$0x13960]  }
0x10a: {  	[tilespmem:s25+$0x7130] =	vst v0;
	v0 =	vmul.f32 v4, v3;
	v3 =	vld [tilespmem:s25+$0x7170]  }
0x10b: {  	v4 =	vld [tilespmem:s25+$0x13970]  }
0x10c: {  	[tilespmem:s25+$0x7140] =	vst v0;
	v0 =	vmul.f32 v6, v2;
	v2 =	vld [tilespmem:s25+$0x7180]  }
0x10d: {  	v6 =	vld [tilespmem:s25+$0x13980]  }
0x10e: {  	[tilespmem:s25+$0x7150] =	vst v0;
	v0 =	vmul.f32 v5, v1;
	v1 =	vld [tilespmem:s25+$0x7190]  }
0x10f: {  	v5 =	vld [tilespmem:s25+$0x13990]  }
0x110: {  	[tilespmem:s25+$0x7160] =	vst v0;
	v0 =	vmul.f32 v4, v3;
	v3 =	vld [tilespmem:s25+$0x71A0]  }
0x111: {  	v4 =	vld [tilespmem:s25+$0x139A0]  }
0x112: {  	[tilespmem:s25+$0x7170] =	vst v0;
	v0 =	vmul.f32 v6, v2;
	v2 =	vld [tilespmem:s25+$0x71B0]  }
0x113: {  	v6 =	vld [tilespmem:s25+$0x139B0]  }
0x114: {  	[tilespmem:s25+$0x7180] =	vst v0;
	v0 =	vmul.f32 v5, v1;
	v1 =	vld [tilespmem:s25+$0x71C0]  }
0x115: {  	v5 =	vld [tilespmem:s25+$0x139C0]  }
0x116: {  	[tilespmem:s25+$0x7190] =	vst v0;
	v0 =	vmul.f32 v4, v3;
	v3 =	vld [tilespmem:s25+$0x71D0]  }
0x117: {  	v4 =	vld [tilespmem:s25+$0x139D0]  }
0x118: {  	[tilespmem:s25+$0x71A0] =	vst v0;
	v0 =	vmul.f32 v6, v2;
	v2 =	vld [tilespmem:s25+$0x71E0]  }
0x119: {  	v6 =	vld [tilespmem:s25+$0x139E0]  }
0x11a: {  	[tilespmem:s25+$0x71B0] =	vst v0;
	v0 =	vmul.f32 v5, v1;
	v1 =	vld [tilespmem:s25+$0x71F0]  }
0x11b: {  	v5 =	vld [tilespmem:s25+$0x139F0]  }
0x11c: {  	[tilespmem:s25+$0x71C0] =	vst v0;
	v0 =	vmul.f32 v4, v3;
	v3 =	vld [tilespmem:s25+$0x7200]  }
0x11d: {  	v4 =	vld [tilespmem:s25+$0x13A00]  }
0x11e: {  	[tilespmem:s25+$0x71D0] =	vst v0;
	v0 =	vmul.f32 v6, v2;
	v2 =	vld [tilespmem:s25+$0x7210]  }
0x11f: {  	v6 =	vld [tilespmem:s25+$0x13A10]  }
0x120: {  	[tilespmem:s25+$0x71E0] =	vst v0;
	v0 =	vmul.f32 v5, v1;
	v1 =	vld [tilespmem:s25+$0x7220]  }
0x121: {  	v5 =	vld [tilespmem:s25+$0x13A20]  }
0x122: {  	[tilespmem:s25+$0x71F0] =	vst v0;
	v0 =	vmul.f32 v4, v3;
	v3 =	vld [tilespmem:s25+$0x7230]  }
0x123: {  	v4 =	vld [tilespmem:s25+$0x13A30]  }
0x124: {  	[tilespmem:s25+$0x7200] =	vst v0;
	v0 =	vmul.f32 v6, v2;
	v2 =	vld [tilespmem:s25+$0x7240]  }
0x125: {  	v6 =	vld [tilespmem:s25+$0x13A40]  }
0x126: {  	[tilespmem:s25+$0x7210] =	vst v0;
	v0 =	vmul.f32 v5, v1;
	v1 =	vld [tilespmem:s25+$0x7250]  }
0x127: {  	v5 =	vld [tilespmem:s25+$0x13A50]  }
0x128: {  	[tilespmem:s25+$0x7220] =	vst v0;
	v0 =	vmul.f32 v4, v3;
	v3 =	vld [tilespmem:s25+$0x7260]  }
0x129: {  	v4 =	vld [tilespmem:s25+$0x13A60]  }
0x12a: {  	[tilespmem:s25+$0x7230] =	vst v0;
	v0 =	vmul.f32 v6, v2;
	v2 =	vld [tilespmem:s25+$0x7270]  }
0x12b: {  	v6 =	vld [tilespmem:s25+$0x13A70]  }
0x12c: {  	[tilespmem:s25+$0x7240] =	vst v0;
	v0 =	vmul.f32 v5, v1;
	v1 =	vld [tilespmem:s25+$0x7280]  }
0x12d: {  	v5 =	vld [tilespmem:s25+$0x13A80]  }
0x12e: {  	[tilespmem:s25+$0x7250] =	vst v0;
	v0 =	vmul.f32 v4, v3;
	v3 =	vld [tilespmem:s25+$0x7290]  }
0x12f: {  	v4 =	vld [tilespmem:s25+$0x13A90]  }
0x130: {  	[tilespmem:s25+$0x7260] =	vst v0;
	v0 =	vmul.f32 v6, v2;
	v2 =	vld [tilespmem:s25+$0x72A0]  }
0x131: {  	v6 =	vld [tilespmem:s25+$0x13AA0]  }
0x132: {  	[tilespmem:s25+$0x7270] =	vst v0;
	v0 =	vmul.f32 v5, v1;
	v5 =	vld [tilespmem:s25+$0x72B0]  }
0x133: {  	v7 =	vld [tilespmem:s25+$0x13AB0]  }
.Ltmp3:
0x134: {  	[tilespmem:s25+$0x7280] =	vst v0;
	v3 =	vmul.f32 v4, v3;
	v0 =	vld [tilespmem:s25+$0x72C0];
	(pc) =	sbr.rel @p1 .LBB2_5-.Ltmp3, $4  }
0x135: {  	v1 =	vld [tilespmem:s25+$0x13AC0]  }
0x136: {  	[tilespmem:s25+$0x7290] =	vst v3;
	v4 =	vmul.f32 v6, v2;
	v2 =	vld [tilespmem:s25+$0x72D0]  }
0x137: {  	v3 =	vld [tilespmem:s25+$0x13AD0]  }
0x138: {  	s28 =	sadd.s32 $0x800, s28;
	[tilespmem:s25+$0x72A0] =	vst v4;
	v5 =	vmul.f32 v7, v5;
	v4 =	vld [tilespmem:s25+$0x72E0]  }
0x139: {  	v6 =	vld [tilespmem:s25+$0x13AE0];
	_ =	sdelay $0x2  }
0x13a: {  	v0 =	vmul.f32 v1, v0  }
0x13b: {  	[tilespmem:s25+$0x72B0] =	vst v5;
	v62 =	vmul.f32 v3, v2  }
0x13c: {  	s26 =	sadd.s32 s24, s8;
	[tilespmem:s25+$0x72C0] =	vst v0;
	v63 =	vmul.f32 v6, v4  }
0x13d: {  	s26 =	sshll.u32 s26, $0x4;
	[tilespmem:s25+$0x72D0] =	vst v62  }
.Ltmp4:
0x13e: {  	s31 =	sadd.s32 s5, s26;
	[tilespmem:s25+$0x72E0] =	vst v63;
	(pc) =	sbr.rel @p0 .LBB2_8-.Ltmp4, $4  }
0x13f: {  	[hbm4b:s31+s3] =	stream.linear.scatter [tilespmem:s15], [sflag:$0x5], $0x6400, $0x38;
	[tilespmem:$0x19D00] =	vst v63  }
0x140: {  	_ =	swait.ge [sflag:s10], $0x6400  }
0x141: {  	[sflag:s10] =	ssyncset.done $0x0  }
0x142: {  	[sflag:s10] =	ssyncadd.s32 $0xFFFF9C00  }
.Ltmp5:
0x143: {  	(pc) =	sbr.rel .LBB2_2-.Ltmp5, $4  }
0x144: {  	s25 =	sadd.s32 $0x258, s24  }
0x145: {  	[tilespmem:s15], [sflag:$0x2] =	stream.indirect.gather [hbm4b:s2+s12], $0x80, s25, s12, $0xb8;
	[tilespmem:$0x19D00] =	vst v63  }
0x146: {  	s31 =	sadd.s32 $0x8D8, s24;
	s23 =	sadd.s32 $0x1, s23  }
0x147: {  	[tilespmem:s17], [sflag:$0x4] =	stream.indirect.gather [hbm4b:s2+s12], $0x80, s31, s12, $0xb8;
	[tilespmem:$0x19D00] =	vst v63  }
.LBB2_9:
0x148: {  	_ =	sfence.sel $0x180000  }
0x149: {  	[bflag:$0x0] =	sbarrier.arrive $0xFFFF  }
0x14a: {  	p0 =	sne.s32 s0, $0x0;
	_ =	strace $0x9000004A  }
0x14b: {  	s0 =	sadd.s32 @!p0 $0x100000, s1;
	[bflag:$0x2] =	sbarrier.arrive $0xFFFF  }
0x14c: {  	[sflag:s0] =	ssyncadd.tile.s32 @!p0 $0x1;
	_ =	shalt  }
.Lfunc_end2:
_tile_overlayer_lowered:
.L_overlay_start_2:
0x14d: {  	(tag) =	ssettag $0x2  }
0x14e: {  	s0 =	rddreg [dreg:$0x0];
	s2 =	stileid.u32  }
0x14f: {  	s1 =	rddreg [dreg:$0x1];
	p0 =	sne.s32 s2, $0x0  }
0x150: {  	s3 =	rddreg [dreg:$0x2];
	[bflag:$0x3] =	sbarrier.arrive $0xFFFF;
	s2 =	simm.s32 @!p0 $0x1C05  }
0x151: {  	[timem:s3], [sflag:s2] =	dma.local @!p0 [hbm:s0], s1  }
0x152: {  	s0 =	simm.s32 @!p0 $0x5  }
0x153: {  	_ =	swait.ge @!p0 [sflag:s0], s1  }
0x154: {  	s1 =	ssub.s32 @!p0 $0x0, s1;
	[sflag:s0] =	ssyncset.done @!p0 $0x0  }
0x155: {  	[sflag:s0] =	ssyncadd.s32 @!p0 s1  }
0x156: {  	[bflag:$0x3] =	sbarrier.arrive $0xFFFF  }
0x157: {  	_ =	shalt  }

</sc_bundles>
